<compile_context>
chip_gen: v7x
topology: tpu7x:2x2x1
jax: 0.10.2.dev20260603
libtpu: 0.0.44.dev20260713+nightly
codegen_flags: <defaults>
</compile_context>

<pallas_src>
import functools

import jax
import jax.numpy as jnp
from jax import lax
from jax.experimental import pallas as pl
from jax.experimental.pallas import tpu as pltpu
from jax.experimental.pallas import tpu_sc as plsc

NUM_GRAPHS = 512
HBINS = 544
CHUNK = 128
GROUP = 5
NGRP = 5
BLK = 4096
NC, NS = 2, 16


def _gnn_matmul(x, w, bvec, n_pad):
    n, d = x.shape

    def body(x_ref, w_ref, b_ref, o_ref):
        acc = lax.dot_general(
            x_ref[...].astype(jnp.bfloat16), w_ref[...].astype(jnp.bfloat16),
            (((1,), (0,)), ((), ())),
            preferred_element_type=jnp.float32)
        o_ref[...] = jnp.maximum(acc + b_ref[...], 0.0)

    return pl.pallas_call(
        body,
        grid=(n_pad // BLK,),
        in_specs=[
            pl.BlockSpec((BLK, d), lambda i: (i, 0)),
            pl.BlockSpec((d, d), lambda i: (0, 0)),
            pl.BlockSpec((1, d), lambda i: (0, 0)),
        ],
        out_specs=pl.BlockSpec((BLK, d), lambda i: (i, 0)),
        out_shape=jax.ShapeDtypeStruct((n_pad, d), jnp.float32),
    )(x, w, bvec.reshape(1, d))


def _sc_segment_sum(node_rep, ids_w, zeros_sum):
    d = node_rep.shape[1]
    nw = NC * NS
    n_mine = ids_w.shape[1] // GROUP
    mesh = plsc.VectorSubcoreMesh(core_axis_name="c", subcore_axis_name="s")

    @functools.partial(
        pl.kernel,
        out_type=[
            jax.ShapeDtypeStruct((NC, NUM_GRAPHS, d), jnp.float32),
            jax.ShapeDtypeStruct((NC, NS, HBINS), jnp.float32),
        ],
        mesh=mesh,
        scratch_types=[
            pltpu.VMEM((NGRP * GROUP, CHUNK), jnp.int32),
            pltpu.VMEM((GROUP * CHUNK, d), jnp.float32),
            pltpu.VMEM((HBINS,), jnp.float32),
            pltpu.VMEM_SHARED((NUM_GRAPHS + 1, d), jnp.float32),
        ],
        compiler_params=pltpu.CompilerParams(needs_layout_passes=False),
    )
    def k(rep_hbm, ids_hbm, z_sum_hbm, out_sum, out_cnt,
          idx_v, rows_v, hist_v, acc_sh):
        c = lax.axis_index("c")
        s = lax.axis_index("s")
        wid = s * NC + c

        @pl.when(s == 0)
        def _zero():
            pltpu.sync_copy(z_sum_hbm, acc_sh)

        pltpu.sync_copy(ids_hbm.at[wid], idx_v)

        zeros16 = jnp.zeros((16,), jnp.float32)
        for kk in range(HBINS // 16):
            hist_v[pl.ds(kk * 16, 16)] = zeros16

        plsc.subcore_barrier()

        ones16 = jnp.ones((16,), jnp.float32)

        for g in range(n_mine):
            grp = wid + g * nw
            pltpu.sync_copy(
                rep_hbm.at[pl.ds(grp * GROUP * CHUNK, GROUP * CHUNK)], rows_v)
            for j in range(GROUP):
                r = g * GROUP + j
                pltpu.sync_copy(rows_v.at[pl.ds(j * CHUNK, CHUNK)],
                                acc_sh.at[idx_v.at[r]], add=True)
                for kk in range(CHUNK // 16):
                    vec = idx_v[r, pl.ds(kk * 16, 16)]
                    plsc.addupdate_scatter(hist_v, [vec], ones16)
        pltpu.sync_copy(hist_v, out_cnt.at[c, s])
        plsc.subcore_barrier()

        r0 = s * (NUM_GRAPHS // NS)
        pltpu.sync_copy(acc_sh.at[pl.ds(r0, NUM_GRAPHS // NS)],
                        out_sum.at[c, pl.ds(r0, NUM_GRAPHS // NS)])

    return k(node_rep, ids_w, zeros_sum)


def _head(psum, hists, w, bvec):
    t = w.shape[1]

    def body(ps_ref, h_ref, w_ref, b_ref, o_ref):
        seg = ps_ref[0] + ps_ref[1]
        cnt_row = jnp.sum(h_ref[...].reshape(NC * NS, HBINS), axis=0,
                          keepdims=True)[:, 0:NUM_GRAPHS]
        ident = jnp.where(
            lax.broadcasted_iota(jnp.int32, (NUM_GRAPHS, NUM_GRAPHS), 0)
            == lax.broadcasted_iota(jnp.int32, (NUM_GRAPHS, NUM_GRAPHS), 1),
            1.0, 0.0)
        cnt = lax.dot_general(ident, cnt_row, (((1,), (1,)), ((), ())),
                              precision=lax.Precision.HIGHEST,
                              preferred_element_type=jnp.float32)
        rep = seg / jnp.maximum(cnt, 1.0)
        o_ref[...] = (
            lax.dot_general(rep, w_ref[...], (((1,), (0,)), ((), ())),
                            precision=lax.Precision.HIGHEST,
                            preferred_element_type=jnp.float32)
            + b_ref[...]
        )

    return pl.pallas_call(
        body,
        out_shape=jax.ShapeDtypeStruct((NUM_GRAPHS, t), jnp.float32),
    )(psum, hists, w, bvec.reshape(1, t))


def kernel(x, batch, W_gnn, b_gnn, W, b):
    n, d = x.shape
    n_pad = ((n + BLK - 1) // BLK) * BLK

    ids = jnp.concatenate(
        [batch.astype(jnp.int32),
         jnp.full((n_pad - n,), NUM_GRAPHS, jnp.int32)])
    nw = NC * NS
    ids_w = (ids.reshape(NGRP, nw, GROUP, CHUNK)
             .transpose(1, 0, 2, 3)
             .reshape(nw, NGRP * GROUP, CHUNK))
    zeros_sum = jnp.zeros((NUM_GRAPHS + 1, d), jnp.float32)

    node_rep = _gnn_matmul(x, W_gnn, b_gnn, n_pad)
    psum, hists = _sc_segment_sum(node_rep, ids_w, zeros_sum)
    return _head(psum, hists, W, b)

# --- scband reference (transcript-rebuilt; emitter-appended) ---
"""Pipeline reference for scband-graph-clf-19456201851576 (READ-ONLY COPY).

The authoritative reference and input builder live on the scoring server;
editing this copy changes nothing except your own understanding.
"""

import jax, jax.numpy as jnp
import numpy as np

N_NODES = 100000
EMB_DIM = 128
NUM_TASKS = 10
NUM_GRAPHS = 512


def setup_inputs(seed: int = 0) -> dict:
    key = jax.random.key(seed)
    k1, k2, k3, k4 = jax.random.split(key, 4)
    x = jax.random.normal(k1, (N_NODES, EMB_DIM), dtype=jnp.float32)
    batch = jnp.sort(jax.random.randint(k2, (N_NODES,), 0, NUM_GRAPHS, dtype=jnp.int64))
    # stand-in GNN: single linear + relu producing node representations
    W_gnn = jax.random.normal(k3, (EMB_DIM, EMB_DIM), dtype=jnp.float32) * 0.05
    b_gnn = jnp.zeros((EMB_DIM,), dtype=jnp.float32)
    # classification head
    W = jax.random.normal(k4, (EMB_DIM, NUM_TASKS), dtype=jnp.float32) * 0.05
    b = jnp.zeros((NUM_TASKS,), dtype=jnp.float32)
    return {"x": x, "batch": batch, "W_gnn": W_gnn, "b_gnn": b_gnn, "W": W, "b": b}


def reference(x, batch, W_gnn, b_gnn, W, b):
    # gnn(data) -> node_representation
    node_rep = jax.nn.relu(x @ W_gnn + b_gnn)
    # global_mean_pool(node_representation, data.batch)
    seg_sum = jax.ops.segment_sum(node_rep, batch, num_segments=NUM_GRAPHS)
    counts = jax.ops.segment_sum(jnp.ones((x.shape[0], 1), dtype=x.dtype), batch, num_segments=NUM_GRAPHS)
    graph_rep = seg_sum / jnp.maximum(counts, 1.0)
    # self.linear(graph_rep)
    return graph_rep @ W + b

if __name__ == "__main__":
    import jax
    _d = setup_inputs()
    print(jax.jit(kernel)(*tuple(_d.values())))

</pallas_src>

<mosaic_0001>
#map = affine_map<(d0, d1) -> (0, 0)>
#map1 = affine_map<(d0, d1) -> (0, 0, 0)>
module attributes {stable_mosaic.version = 14 : i64} {
  func.func @k(%arg0: i32, %arg1: i32, %arg2: memref<102400x128xf32, #tpu.memory_space<hbm>>, %arg3: memref<32x25x128xi32, #tpu.memory_space<hbm>>, %arg4: memref<513x128xf32, #tpu.memory_space<hbm>>, %arg5: memref<2x512x128xf32, #tpu.memory_space<hbm>>, %arg6: memref<2x16x544xf32, #tpu.memory_space<hbm>>, %arg7: memref<25x128xi32, #tpu.memory_space<vmem>>, %arg8: memref<640x128xf32, #tpu.memory_space<vmem>>, %arg9: memref<544xf32, #tpu.memory_space<vmem>>, %arg10: memref<513x128xf32, #tpu.memory_space<vmem_shared>>) attributes {dimension_semantics = [#tpu.dimension_semantics<core_parallel>, #tpu.dimension_semantics<subcore_parallel>], iteration_bounds = array<i64: 2, 16>, scalar_prefetch = 0 : i64, scratch_operands = 4 : i64, tpu.core_type = #tpu.core_type<sc_vector_subcore>, window_params = [{transform_indices = #map}, {transform_indices = #map1}, {transform_indices = #map}, {transform_indices = #map1}, {transform_indices = #map1}]} {
    %mul3A = arith.constant 2 : i32
    %mul3A_0 = arith.muli %arg1, %mul3A : i32
    %add3A = arith.addi %mul3A_0, %arg0 : i32
    %eq3A = arith.constant 0 : i32
    %eq3A_1 = arith.cmpi eq, %arg1, %eq3A : i32
    %convert_element_type3A = arith.extui %eq3A_1 : i1 to i32
    %cond3A = arith.constant 0 : i32
    %cond3A_2 = arith.cmpi ne, %convert_element_type3A, %cond3A : i32
    scf.if %cond3A_2 {
      "tpu.region"() ({
        %run_scoped3A_929 = tpu.sem_alloc : memref<!tpu.dma_semaphore, #tpu.memory_space<semaphore_mem>>
        tpu.enqueue_dma source(%arg4 : memref<513x128xf32, #tpu.memory_space<hbm>>) target(%arg10 : memref<513x128xf32, #tpu.memory_space<vmem_shared>>) target_semaphore(%run_scoped3A_929 : memref<!tpu.dma_semaphore, #tpu.memory_space<semaphore_mem>>)
        tpu.wait_dma2 semaphore(%run_scoped3A_929 : memref<!tpu.dma_semaphore, #tpu.memory_space<semaphore_mem>>) src(%arg4 : memref<513x128xf32, #tpu.memory_space<hbm>>) dst(%arg10 : memref<513x128xf32, #tpu.memory_space<vmem_shared>>)
        tpu.yield
      }) : () -> ()
    } else {
    }
    "tpu.region"() ({
      %run_scoped3A_929 = tpu.sem_alloc : memref<!tpu.dma_semaphore, #tpu.memory_space<semaphore_mem>>
      %dma_start3A = arith.constant 0 : i32
      %dma_start3A_930 = arith.constant 0 : i32
      %dma_start3A_931 = tpu.memref_slice %arg3[%add3A, %dma_start3A, %dma_start3A_930] : memref<32x25x128xi32, #tpu.memory_space<hbm>> -> memref<1x25x128xi32, #tpu.memory_space<hbm>>
      %dma_start3A_932 = tpu.memref_squeeze %dma_start3A_931 : memref<1x25x128xi32, #tpu.memory_space<hbm>> -> memref<25x128xi32, #tpu.memory_space<hbm>>
      %dma_start3A_933 = arith.constant 0 : i32
      %dma_start3A_934 = arith.constant 0 : i32
      %dma_start3A_935 = tpu.memref_slice %arg3[%add3A, %dma_start3A_933, %dma_start3A_934] : memref<32x25x128xi32, #tpu.memory_space<hbm>> -> memref<1x25x128xi32, #tpu.memory_space<hbm>>
      %dma_start3A_936 = tpu.memref_squeeze %dma_start3A_935 : memref<1x25x128xi32, #tpu.memory_space<hbm>> -> memref<25x128xi32, #tpu.memory_space<hbm>>
      tpu.enqueue_dma source(%dma_start3A_936 : memref<25x128xi32, #tpu.memory_space<hbm>>) target(%arg7 : memref<25x128xi32, #tpu.memory_space<vmem>>) target_semaphore(%run_scoped3A_929 : memref<!tpu.dma_semaphore, #tpu.memory_space<semaphore_mem>>)
      %dma_wait3A = arith.constant 0 : i32
      %dma_wait3A_937 = arith.constant 0 : i32
      %dma_wait3A_938 = tpu.memref_slice %arg3[%add3A, %dma_wait3A, %dma_wait3A_937] : memref<32x25x128xi32, #tpu.memory_space<hbm>> -> memref<1x25x128xi32, #tpu.memory_space<hbm>>
      %dma_wait3A_939 = tpu.memref_squeeze %dma_wait3A_938 : memref<1x25x128xi32, #tpu.memory_space<hbm>> -> memref<25x128xi32, #tpu.memory_space<hbm>>
      %dma_wait3A_940 = arith.constant 0 : i32
      %dma_wait3A_941 = arith.constant 0 : i32
      %dma_wait3A_942 = tpu.memref_slice %arg3[%add3A, %dma_wait3A_940, %dma_wait3A_941] : memref<32x25x128xi32, #tpu.memory_space<hbm>> -> memref<1x25x128xi32, #tpu.memory_space<hbm>>
      %dma_wait3A_943 = tpu.memref_squeeze %dma_wait3A_942 : memref<1x25x128xi32, #tpu.memory_space<hbm>> -> memref<25x128xi32, #tpu.memory_space<hbm>>
      tpu.wait_dma2 semaphore(%run_scoped3A_929 : memref<!tpu.dma_semaphore, #tpu.memory_space<semaphore_mem>>) src(%dma_wait3A_943 : memref<25x128xi32, #tpu.memory_space<hbm>>) dst(%arg7 : memref<25x128xi32, #tpu.memory_space<vmem>>)
      tpu.yield
    }) : () -> ()
    %broadcast_in_dim3A = arith.constant 0.000000e+00 : f32
    %broadcast_in_dim3A_3 = vector.broadcast %broadcast_in_dim3A : f32 to vector<16xf32>
    %swap3A = arith.constant 0 : index
    %swap3A_4 = tpu.vector_load %arg9[%swap3A] {strides = array<i32>} : memref<544xf32, #tpu.memory_space<vmem>>, vector<16xf32>,
    tpu.vector_store %arg9[%swap3A], %broadcast_in_dim3A_3 {strides = array<i32>} : memref<544xf32, #tpu.memory_space<vmem>>, vector<16xf32>,
    %swap3A_5 = arith.constant 16 : index
    %swap3A_6 = tpu.vector_load %arg9[%swap3A_5] {strides = array<i32>} : memref<544xf32, #tpu.memory_space<vmem>>, vector<16xf32>,
    tpu.vector_store %arg9[%swap3A_5], %broadcast_in_dim3A_3 {strides = array<i32>} : memref<544xf32, #tpu.memory_space<vmem>>, vector<16xf32>,
    %swap3A_7 = arith.constant 32 : index
    %swap3A_8 = tpu.vector_load %arg9[%swap3A_7] {strides = array<i32>} : memref<544xf32, #tpu.memory_space<vmem>>, vector<16xf32>,
    tpu.vector_store %arg9[%swap3A_7], %broadcast_in_dim3A_3 {strides = array<i32>} : memref<544xf32, #tpu.memory_space<vmem>>, vector<16xf32>,
    %swap3A_9 = arith.constant 48 : index
    %swap3A_10 = tpu.vector_load %arg9[%swap3A_9] {strides = array<i32>} : memref<544xf32, #tpu.memory_space<vmem>>, vector<16xf32>,
    tpu.vector_store %arg9[%swap3A_9], %broadcast_in_dim3A_3 {strides = array<i32>} : memref<544xf32, #tpu.memory_space<vmem>>, vector<16xf32>,
    %swap3A_11 = arith.constant 64 : index
    %swap3A_12 = tpu.vector_load %arg9[%swap3A_11] {strides = array<i32>} : memref<544xf32, #tpu.memory_space<vmem>>, vector<16xf32>,
    tpu.vector_store %arg9[%swap3A_11], %broadcast_in_dim3A_3 {strides = array<i32>} : memref<544xf32, #tpu.memory_space<vmem>>, vector<16xf32>,
    %swap3A_13 = arith.constant 80 : index
    %swap3A_14 = tpu.vector_load %arg9[%swap3A_13] {strides = array<i32>} : memref<544xf32, #tpu.memory_space<vmem>>, vector<16xf32>,
    tpu.vector_store %arg9[%swap3A_13], %broadcast_in_dim3A_3 {strides = array<i32>} : memref<544xf32, #tpu.memory_space<vmem>>, vector<16xf32>,
    %swap3A_15 = arith.constant 96 : index
    %swap3A_16 = tpu.vector_load %arg9[%swap3A_15] {strides = array<i32>} : memref<544xf32, #tpu.memory_space<vmem>>, vector<16xf32>,
    tpu.vector_store %arg9[%swap3A_15], %broadcast_in_dim3A_3 {strides = array<i32>} : memref<544xf32, #tpu.memory_space<vmem>>, vector<16xf32>,
    %swap3A_17 = arith.constant 112 : index
    %swap3A_18 = tpu.vector_load %arg9[%swap3A_17] {strides = array<i32>} : memref<544xf32, #tpu.memory_space<vmem>>, vector<16xf32>,
    tpu.vector_store %arg9[%swap3A_17], %broadcast_in_dim3A_3 {strides = array<i32>} : memref<544xf32, #tpu.memory_space<vmem>>, vector<16xf32>,
    %swap3A_19 = arith.constant 128 : index
    %swap3A_20 = tpu.vector_load %arg9[%swap3A_19] {strides = array<i32>} : memref<544xf32, #tpu.memory_space<vmem>>, vector<16xf32>,
    tpu.vector_store %arg9[%swap3A_19], %broadcast_in_dim3A_3 {strides = array<i32>} : memref<544xf32, #tpu.memory_space<vmem>>, vector<16xf32>,
    %swap3A_21 = arith.constant 144 : index
    %swap3A_22 = tpu.vector_load %arg9[%swap3A_21] {strides = array<i32>} : memref<544xf32, #tpu.memory_space<vmem>>, vector<16xf32>,
    tpu.vector_store %arg9[%swap3A_21], %broadcast_in_dim3A_3 {strides = array<i32>} : memref<544xf32, #tpu.memory_space<vmem>>, vector<16xf32>,
    %swap3A_23 = arith.constant 160 : index
    %swap3A_24 = tpu.vector_load %arg9[%swap3A_23] {strides = array<i32>} : memref<544xf32, #tpu.memory_space<vmem>>, vector<16xf32>,
    tpu.vector_store %arg9[%swap3A_23], %broadcast_in_dim3A_3 {strides = array<i32>} : memref<544xf32, #tpu.memory_space<vmem>>, vector<16xf32>,
    %swap3A_25 = arith.constant 176 : index
    %swap3A_26 = tpu.vector_load %arg9[%swap3A_25] {strides = array<i32>} : memref<544xf32, #tpu.memory_space<vmem>>, vector<16xf32>,
    tpu.vector_store %arg9[%swap3A_25], %broadcast_in_dim3A_3 {strides = array<i32>} : memref<544xf32, #tpu.memory_space<vmem>>, vector<16xf32>,
    %swap3A_27 = arith.constant 192 : index
    %swap3A_28 = tpu.vector_load %arg9[%swap3A_27] {strides = array<i32>} : memref<544xf32, #tpu.memory_space<vmem>>, vector<16xf32>,
    tpu.vector_store %arg9[%swap3A_27], %broadcast_in_dim3A_3 {strides = array<i32>} : memref<544xf32, #tpu.memory_space<vmem>>, vector<16xf32>,
    %swap3A_29 = arith.constant 208 : index
    %swap3A_30 = tpu.vector_load %arg9[%swap3A_29] {strides = array<i32>} : memref<544xf32, #tpu.memory_space<vmem>>, vector<16xf32>,
    tpu.vector_store %arg9[%swap3A_29], %broadcast_in_dim3A_3 {strides = array<i32>} : memref<544xf32, #tpu.memory_space<vmem>>, vector<16xf32>,
    %swap3A_31 = arith.constant 224 : index
    %swap3A_32 = tpu.vector_load %arg9[%swap3A_31] {strides = array<i32>} : memref<544xf32, #tpu.memory_space<vmem>>, vector<16xf32>,
    tpu.vector_store %arg9[%swap3A_31], %broadcast_in_dim3A_3 {strides = array<i32>} : memref<544xf32, #tpu.memory_space<vmem>>, vector<16xf32>,
    %swap3A_33 = arith.constant 240 : index
    %swap3A_34 = tpu.vector_load %arg9[%swap3A_33] {strides = array<i32>} : memref<544xf32, #tpu.memory_space<vmem>>, vector<16xf32>,
    tpu.vector_store %arg9[%swap3A_33], %broadcast_in_dim3A_3 {strides = array<i32>} : memref<544xf32, #tpu.memory_space<vmem>>, vector<16xf32>,
    %swap3A_35 = arith.constant 256 : index
    %swap3A_36 = tpu.vector_load %arg9[%swap3A_35] {strides = array<i32>} : memref<544xf32, #tpu.memory_space<vmem>>, vector<16xf32>,
    tpu.vector_store %arg9[%swap3A_35], %broadcast_in_dim3A_3 {strides = array<i32>} : memref<544xf32, #tpu.memory_space<vmem>>, vector<16xf32>,
    %swap3A_37 = arith.constant 272 : index
    %swap3A_38 = tpu.vector_load %arg9[%swap3A_37] {strides = array<i32>} : memref<544xf32, #tpu.memory_space<vmem>>, vector<16xf32>,
    tpu.vector_store %arg9[%swap3A_37], %broadcast_in_dim3A_3 {strides = array<i32>} : memref<544xf32, #tpu.memory_space<vmem>>, vector<16xf32>,
    %swap3A_39 = arith.constant 288 : index
    %swap3A_40 = tpu.vector_load %arg9[%swap3A_39] {strides = array<i32>} : memref<544xf32, #tpu.memory_space<vmem>>, vector<16xf32>,
    tpu.vector_store %arg9[%swap3A_39], %broadcast_in_dim3A_3 {strides = array<i32>} : memref<544xf32, #tpu.memory_space<vmem>>, vector<16xf32>,
    %swap3A_41 = arith.constant 304 : index
    %swap3A_42 = tpu.vector_load %arg9[%swap3A_41] {strides = array<i32>} : memref<544xf32, #tpu.memory_space<vmem>>, vector<16xf32>,
    tpu.vector_store %arg9[%swap3A_41], %broadcast_in_dim3A_3 {strides = array<i32>} : memref<544xf32, #tpu.memory_space<vmem>>, vector<16xf32>,
    %swap3A_43 = arith.constant 320 : index
    %swap3A_44 = tpu.vector_load %arg9[%swap3A_43] {strides = array<i32>} : memref<544xf32, #tpu.memory_space<vmem>>, vector<16xf32>,
    tpu.vector_store %arg9[%swap3A_43], %broadcast_in_dim3A_3 {strides = array<i32>} : memref<544xf32, #tpu.memory_space<vmem>>, vector<16xf32>,
    %swap3A_45 = arith.constant 336 : index
    %swap3A_46 = tpu.vector_load %arg9[%swap3A_45] {strides = array<i32>} : memref<544xf32, #tpu.memory_space<vmem>>, vector<16xf32>,
    tpu.vector_store %arg9[%swap3A_45], %broadcast_in_dim3A_3 {strides = array<i32>} : memref<544xf32, #tpu.memory_space<vmem>>, vector<16xf32>,
    %swap3A_47 = arith.constant 352 : index
    %swap3A_48 = tpu.vector_load %arg9[%swap3A_47] {strides = array<i32>} : memref<544xf32, #tpu.memory_space<vmem>>, vector<16xf32>,
    tpu.vector_store %arg9[%swap3A_47], %broadcast_in_dim3A_3 {strides = array<i32>} : memref<544xf32, #tpu.memory_space<vmem>>, vector<16xf32>,
    %swap3A_49 = arith.constant 368 : index
    %swap3A_50 = tpu.vector_load %arg9[%swap3A_49] {strides = array<i32>} : memref<544xf32, #tpu.memory_space<vmem>>, vector<16xf32>,
    tpu.vector_store %arg9[%swap3A_49], %broadcast_in_dim3A_3 {strides = array<i32>} : memref<544xf32, #tpu.memory_space<vmem>>, vector<16xf32>,
    %swap3A_51 = arith.constant 384 : index
    %swap3A_52 = tpu.vector_load %arg9[%swap3A_51] {strides = array<i32>} : memref<544xf32, #tpu.memory_space<vmem>>, vector<16xf32>,
    tpu.vector_store %arg9[%swap3A_51], %broadcast_in_dim3A_3 {strides = array<i32>} : memref<544xf32, #tpu.memory_space<vmem>>, vector<16xf32>,
    %swap3A_53 = arith.constant 400 : index
    %swap3A_54 = tpu.vector_load %arg9[%swap3A_53] {strides = array<i32>} : memref<544xf32, #tpu.memory_space<vmem>>, vector<16xf32>,
    tpu.vector_store %arg9[%swap3A_53], %broadcast_in_dim3A_3 {strides = array<i32>} : memref<544xf32, #tpu.memory_space<vmem>>, vector<16xf32>,
    %swap3A_55 = arith.constant 416 : index
    %swap3A_56 = tpu.vector_load %arg9[%swap3A_55] {strides = array<i32>} : memref<544xf32, #tpu.memory_space<vmem>>, vector<16xf32>,
    tpu.vector_store %arg9[%swap3A_55], %broadcast_in_dim3A_3 {strides = array<i32>} : memref<544xf32, #tpu.memory_space<vmem>>, vector<16xf32>,
    %swap3A_57 = arith.constant 432 : index
    %swap3A_58 = tpu.vector_load %arg9[%swap3A_57] {strides = array<i32>} : memref<544xf32, #tpu.memory_space<vmem>>, vector<16xf32>,
    tpu.vector_store %arg9[%swap3A_57], %broadcast_in_dim3A_3 {strides = array<i32>} : memref<544xf32, #tpu.memory_space<vmem>>, vector<16xf32>,
    %swap3A_59 = arith.constant 448 : index
    %swap3A_60 = tpu.vector_load %arg9[%swap3A_59] {strides = array<i32>} : memref<544xf32, #tpu.memory_space<vmem>>, vector<16xf32>,
    tpu.vector_store %arg9[%swap3A_59], %broadcast_in_dim3A_3 {strides = array<i32>} : memref<544xf32, #tpu.memory_space<vmem>>, vector<16xf32>,
    %swap3A_61 = arith.constant 464 : index
    %swap3A_62 = tpu.vector_load %arg9[%swap3A_61] {strides = array<i32>} : memref<544xf32, #tpu.memory_space<vmem>>, vector<16xf32>,
    tpu.vector_store %arg9[%swap3A_61], %broadcast_in_dim3A_3 {strides = array<i32>} : memref<544xf32, #tpu.memory_space<vmem>>, vector<16xf32>,
    %swap3A_63 = arith.constant 480 : index
    %swap3A_64 = tpu.vector_load %arg9[%swap3A_63] {strides = array<i32>} : memref<544xf32, #tpu.memory_space<vmem>>, vector<16xf32>,
    tpu.vector_store %arg9[%swap3A_63], %broadcast_in_dim3A_3 {strides = array<i32>} : memref<544xf32, #tpu.memory_space<vmem>>, vector<16xf32>,
    %swap3A_65 = arith.constant 496 : index
    %swap3A_66 = tpu.vector_load %arg9[%swap3A_65] {strides = array<i32>} : memref<544xf32, #tpu.memory_space<vmem>>, vector<16xf32>,
    tpu.vector_store %arg9[%swap3A_65], %broadcast_in_dim3A_3 {strides = array<i32>} : memref<544xf32, #tpu.memory_space<vmem>>, vector<16xf32>,
    %swap3A_67 = arith.constant 512 : index
    %swap3A_68 = tpu.vector_load %arg9[%swap3A_67] {strides = array<i32>} : memref<544xf32, #tpu.memory_space<vmem>>, vector<16xf32>,
    tpu.vector_store %arg9[%swap3A_67], %broadcast_in_dim3A_3 {strides = array<i32>} : memref<544xf32, #tpu.memory_space<vmem>>, vector<16xf32>,
    %swap3A_69 = arith.constant 528 : index
    %swap3A_70 = tpu.vector_load %arg9[%swap3A_69] {strides = array<i32>} : memref<544xf32, #tpu.memory_space<vmem>>, vector<16xf32>,
    tpu.vector_store %arg9[%swap3A_69], %broadcast_in_dim3A_3 {strides = array<i32>} : memref<544xf32, #tpu.memory_space<vmem>>, vector<16xf32>,
    %barrier3A = arith.constant 0 : index
    tpu.barrier barrier_id(%barrier3A)
    %broadcast_in_dim3A_71 = arith.constant 1.000000e+00 : f32
    %broadcast_in_dim3A_72 = vector.broadcast %broadcast_in_dim3A_71 : f32 to vector<16xf32>
    %add3A_73 = arith.constant 0 : i32
    %add3A_74 = arith.addi %add3A, %add3A_73 : i32
    %mul3A_75 = arith.constant 5 : i32
    %mul3A_76 = arith.muli %add3A_74, %mul3A_75 : i32
    %mul3A_77 = arith.constant 128 : i32
    %mul3A_78 = arith.muli %mul3A_76, %mul3A_77 : i32
    "tpu.region"() ({
      %run_scoped3A_929 = tpu.sem_alloc : memref<!tpu.dma_semaphore, #tpu.memory_space<semaphore_mem>>
      %dma_start3A = arith.constant 0 : i32
      %dma_start3A_930 = tpu.memref_slice %arg2[%mul3A_78, %dma_start3A] : memref<102400x128xf32, #tpu.memory_space<hbm>> -> memref<640x128xf32, #tpu.memory_space<hbm>>
      %dma_start3A_931 = arith.constant 0 : i32
      %dma_start3A_932 = tpu.memref_slice %arg2[%mul3A_78, %dma_start3A_931] : memref<102400x128xf32, #tpu.memory_space<hbm>> -> memref<640x128xf32, #tpu.memory_space<hbm>>
      tpu.enqueue_dma source(%dma_start3A_932 : memref<640x128xf32, #tpu.memory_space<hbm>>) target(%arg8 : memref<640x128xf32, #tpu.memory_space<vmem>>) target_semaphore(%run_scoped3A_929 : memref<!tpu.dma_semaphore, #tpu.memory_space<semaphore_mem>>)
      %dma_wait3A = arith.constant 0 : i32
      %dma_wait3A_933 = tpu.memref_slice %arg2[%mul3A_78, %dma_wait3A] : memref<102400x128xf32, #tpu.memory_space<hbm>> -> memref<640x128xf32, #tpu.memory_space<hbm>>
      %dma_wait3A_934 = arith.constant 0 : i32
      %dma_wait3A_935 = tpu.memref_slice %arg2[%mul3A_78, %dma_wait3A_934] : memref<102400x128xf32, #tpu.memory_space<hbm>> -> memref<640x128xf32, #tpu.memory_space<hbm>>
      tpu.wait_dma2 semaphore(%run_scoped3A_929 : memref<!tpu.dma_semaphore, #tpu.memory_space<semaphore_mem>>) src(%dma_wait3A_935 : memref<640x128xf32, #tpu.memory_space<hbm>>) dst(%arg8 : memref<640x128xf32, #tpu.memory_space<vmem>>)
      tpu.yield
    }) : () -> ()
    %run_scoped3A = arith.constant 0 : i32
    "tpu.region"() ({
      %run_scoped3A_929 = tpu.sem_alloc : memref<!tpu.dma_semaphore, #tpu.memory_space<semaphore_mem>>
      %dma_start3A = arith.constant 0 : i32
      %dma_start3A_930 = arith.constant 0 : i32
      %dma_start3A_931 = tpu.memref_slice %arg8[%dma_start3A, %dma_start3A_930] : memref<640x128xf32, #tpu.memory_space<vmem>> -> memref<128x128xf32, #tpu.memory_space<vmem>>
      %dma_start3A_932 = arith.constant 0 : i32
      %dma_start3A_933 = tpu.memref_slice %arg7[%run_scoped3A, %dma_start3A_932] : memref<25x128xi32, #tpu.memory_space<vmem>> -> memref<1x128xi32, #tpu.memory_space<vmem>>
      %dma_start3A_934 = tpu.memref_squeeze %dma_start3A_933 : memref<1x128xi32, #tpu.memory_space<vmem>> -> memref<128xi32, #tpu.memory_space<vmem>>
      %dma_start3A_935 = arith.constant 0 : i32
      %dma_start3A_936 = arith.constant 0 : i32
      %dma_start3A_937 = tpu.memref_slice %arg10[%dma_start3A_935, %dma_start3A_936] : memref<513x128xf32, #tpu.memory_space<vmem_shared>> -> memref<513x128xf32, #tpu.memory_space<vmem_shared>>
      tpu.enqueue_indirect_dma source(%dma_start3A_931 : memref<128x128xf32, #tpu.memory_space<vmem>>) target(%dma_start3A_937 : memref<513x128xf32, #tpu.memory_space<vmem_shared>>) offsets(%dma_start3A_934 : memref<128xi32, #tpu.memory_space<vmem>>) semaphore(%run_scoped3A_929 : memref<!tpu.dma_semaphore, #tpu.memory_space<semaphore_mem>>) {add = true}
      %dma_wait3A = arith.constant 0 : i32
      %dma_wait3A_938 = arith.constant 0 : i32
      %dma_wait3A_939 = tpu.memref_slice %arg8[%dma_wait3A, %dma_wait3A_938] : memref<640x128xf32, #tpu.memory_space<vmem>> -> memref<128x128xf32, #tpu.memory_space<vmem>>
      %dma_wait3A_940 = arith.constant 0 : i32
      %dma_wait3A_941 = tpu.memref_slice %arg7[%run_scoped3A, %dma_wait3A_940] : memref<25x128xi32, #tpu.memory_space<vmem>> -> memref<1x128xi32, #tpu.memory_space<vmem>>
      %dma_wait3A_942 = tpu.memref_squeeze %dma_wait3A_941 : memref<1x128xi32, #tpu.memory_space<vmem>> -> memref<128xi32, #tpu.memory_space<vmem>>
      %dma_wait3A_943 = arith.constant 0 : i32
      %dma_wait3A_944 = arith.constant 0 : i32
      %dma_wait3A_945 = tpu.memref_slice %arg10[%dma_wait3A_943, %dma_wait3A_944] : memref<513x128xf32, #tpu.memory_space<vmem_shared>> -> memref<513x128xf32, #tpu.memory_space<vmem_shared>>
      tpu.wait_indirect_dma semaphore(%run_scoped3A_929 : memref<!tpu.dma_semaphore, #tpu.memory_space<semaphore_mem>>) src(%dma_wait3A_939 : memref<128x128xf32, #tpu.memory_space<vmem>>) dst(%dma_wait3A_945 : memref<513x128xf32, #tpu.memory_space<vmem_shared>>)
      tpu.yield
    }) : () -> ()
    %get3A = arith.constant 0 : i32
    %get3A_79 = arith.index_cast %get3A : i32 to index
    %get3A_80 = arith.constant 0 : index
    %get3A_81 = tpu.vector_load %arg7[%get3A_79, %get3A_80] {strides = array<i32>} : memref<25x128xi32, #tpu.memory_space<vmem>>, vector<16xi32>,
    tpu.vector_store_idx %arg9[%get3A_81], %broadcast_in_dim3A_72 {add = true} : memref<544xf32, #tpu.memory_space<vmem>>[vector<16xi32>], vector<16xf32>,
    %get3A_82 = arith.constant 0 : i32
    %get3A_83 = arith.index_cast %get3A_82 : i32 to index
    %get3A_84 = arith.constant 16 : index
    %get3A_85 = tpu.vector_load %arg7[%get3A_83, %get3A_84] {strides = array<i32>} : memref<25x128xi32, #tpu.memory_space<vmem>>, vector<16xi32>,
    tpu.vector_store_idx %arg9[%get3A_85], %broadcast_in_dim3A_72 {add = true} : memref<544xf32, #tpu.memory_space<vmem>>[vector<16xi32>], vector<16xf32>,
    %get3A_86 = arith.constant 0 : i32
    %get3A_87 = arith.index_cast %get3A_86 : i32 to index
    %get3A_88 = arith.constant 32 : index
    %get3A_89 = tpu.vector_load %arg7[%get3A_87, %get3A_88] {strides = array<i32>} : memref<25x128xi32, #tpu.memory_space<vmem>>, vector<16xi32>,
    tpu.vector_store_idx %arg9[%get3A_89], %broadcast_in_dim3A_72 {add = true} : memref<544xf32, #tpu.memory_space<vmem>>[vector<16xi32>], vector<16xf32>,
    %get3A_90 = arith.constant 0 : i32
    %get3A_91 = arith.index_cast %get3A_90 : i32 to index
    %get3A_92 = arith.constant 48 : index
    %get3A_93 = tpu.vector_load %arg7[%get3A_91, %get3A_92] {strides = array<i32>} : memref<25x128xi32, #tpu.memory_space<vmem>>, vector<16xi32>,
    tpu.vector_store_idx %arg9[%get3A_93], %broadcast_in_dim3A_72 {add = true} : memref<544xf32, #tpu.memory_space<vmem>>[vector<16xi32>], vector<16xf32>,
    %get3A_94 = arith.constant 0 : i32
    %get3A_95 = arith.index_cast %get3A_94 : i32 to index
    %get3A_96 = arith.constant 64 : index
    %get3A_97 = tpu.vector_load %arg7[%get3A_95, %get3A_96] {strides = array<i32>} : memref<25x128xi32, #tpu.memory_space<vmem>>, vector<16xi32>,
    tpu.vector_store_idx %arg9[%get3A_97], %broadcast_in_dim3A_72 {add = true} : memref<544xf32, #tpu.memory_space<vmem>>[vector<16xi32>], vector<16xf32>,
    %get3A_98 = arith.constant 0 : i32
    %get3A_99 = arith.index_cast %get3A_98 : i32 to index
    %get3A_100 = arith.constant 80 : index
    %get3A_101 = tpu.vector_load %arg7[%get3A_99, %get3A_100] {strides = array<i32>} : memref<25x128xi32, #tpu.memory_space<vmem>>, vector<16xi32>,
    tpu.vector_store_idx %arg9[%get3A_101], %broadcast_in_dim3A_72 {add = true} : memref<544xf32, #tpu.memory_space<vmem>>[vector<16xi32>], vector<16xf32>,
    %get3A_102 = arith.constant 0 : i32
    %get3A_103 = arith.index_cast %get3A_102 : i32 to index
    %get3A_104 = arith.constant 96 : index
    %get3A_105 = tpu.vector_load %arg7[%get3A_103, %get3A_104] {strides = array<i32>} : memref<25x128xi32, #tpu.memory_space<vmem>>, vector<16xi32>,
    tpu.vector_store_idx %arg9[%get3A_105], %broadcast_in_dim3A_72 {add = true} : memref<544xf32, #tpu.memory_space<vmem>>[vector<16xi32>], vector<16xf32>,
    %get3A_106 = arith.constant 0 : i32
    %get3A_107 = arith.index_cast %get3A_106 : i32 to index
    %get3A_108 = arith.constant 112 : index
    %get3A_109 = tpu.vector_load %arg7[%get3A_107, %get3A_108] {strides = array<i32>} : memref<25x128xi32, #tpu.memory_space<vmem>>, vector<16xi32>,
    tpu.vector_store_idx %arg9[%get3A_109], %broadcast_in_dim3A_72 {add = true} : memref<544xf32, #tpu.memory_space<vmem>>[vector<16xi32>], vector<16xf32>,
    %run_scoped3A_110 = arith.constant 1 : i32
    "tpu.region"() ({
      %run_scoped3A_929 = tpu.sem_alloc : memref<!tpu.dma_semaphore, #tpu.memory_space<semaphore_mem>>
      %dma_start3A = arith.constant 128 : i32
      %dma_start3A_930 = arith.constant 0 : i32
      %dma_start3A_931 = tpu.memref_slice %arg8[%dma_start3A, %dma_start3A_930] : memref<640x128xf32, #tpu.memory_space<vmem>> -> memref<128x128xf32, #tpu.memory_space<vmem>>
      %dma_start3A_932 = arith.constant 0 : i32
      %dma_start3A_933 = tpu.memref_slice %arg7[%run_scoped3A_110, %dma_start3A_932] : memref<25x128xi32, #tpu.memory_space<vmem>> -> memref<1x128xi32, #tpu.memory_space<vmem>>
      %dma_start3A_934 = tpu.memref_squeeze %dma_start3A_933 : memref<1x128xi32, #tpu.memory_space<vmem>> -> memref<128xi32, #tpu.memory_space<vmem>>
      %dma_start3A_935 = arith.constant 0 : i32
      %dma_start3A_936 = arith.constant 0 : i32
      %dma_start3A_937 = tpu.memref_slice %arg10[%dma_start3A_935, %dma_start3A_936] : memref<513x128xf32, #tpu.memory_space<vmem_shared>> -> memref<513x128xf32, #tpu.memory_space<vmem_shared>>
      tpu.enqueue_indirect_dma source(%dma_start3A_931 : memref<128x128xf32, #tpu.memory_space<vmem>>) target(%dma_start3A_937 : memref<513x128xf32, #tpu.memory_space<vmem_shared>>) offsets(%dma_start3A_934 : memref<128xi32, #tpu.memory_space<vmem>>) semaphore(%run_scoped3A_929 : memref<!tpu.dma_semaphore, #tpu.memory_space<semaphore_mem>>) {add = true}
      %dma_wait3A = arith.constant 128 : i32
      %dma_wait3A_938 = arith.constant 0 : i32
      %dma_wait3A_939 = tpu.memref_slice %arg8[%dma_wait3A, %dma_wait3A_938] : memref<640x128xf32, #tpu.memory_space<vmem>> -> memref<128x128xf32, #tpu.memory_space<vmem>>
      %dma_wait3A_940 = arith.constant 0 : i32
      %dma_wait3A_941 = tpu.memref_slice %arg7[%run_scoped3A_110, %dma_wait3A_940] : memref<25x128xi32, #tpu.memory_space<vmem>> -> memref<1x128xi32, #tpu.memory_space<vmem>>
      %dma_wait3A_942 = tpu.memref_squeeze %dma_wait3A_941 : memref<1x128xi32, #tpu.memory_space<vmem>> -> memref<128xi32, #tpu.memory_space<vmem>>
      %dma_wait3A_943 = arith.constant 0 : i32
      %dma_wait3A_944 = arith.constant 0 : i32
      %dma_wait3A_945 = tpu.memref_slice %arg10[%dma_wait3A_943, %dma_wait3A_944] : memref<513x128xf32, #tpu.memory_space<vmem_shared>> -> memref<513x128xf32, #tpu.memory_space<vmem_shared>>
      tpu.wait_indirect_dma semaphore(%run_scoped3A_929 : memref<!tpu.dma_semaphore, #tpu.memory_space<semaphore_mem>>) src(%dma_wait3A_939 : memref<128x128xf32, #tpu.memory_space<vmem>>) dst(%dma_wait3A_945 : memref<513x128xf32, #tpu.memory_space<vmem_shared>>)
      tpu.yield
    }) : () -> ()
    %get3A_111 = arith.constant 1 : i32
    %get3A_112 = arith.index_cast %get3A_111 : i32 to index
    %get3A_113 = arith.constant 0 : index
    %get3A_114 = tpu.vector_load %arg7[%get3A_112, %get3A_113] {strides = array<i32>} : memref<25x128xi32, #tpu.memory_space<vmem>>, vector<16xi32>,
    tpu.vector_store_idx %arg9[%get3A_114], %broadcast_in_dim3A_72 {add = true} : memref<544xf32, #tpu.memory_space<vmem>>[vector<16xi32>], vector<16xf32>,
    %get3A_115 = arith.constant 1 : i32
    %get3A_116 = arith.index_cast %get3A_115 : i32 to index
    %get3A_117 = arith.constant 16 : index
    %get3A_118 = tpu.vector_load %arg7[%get3A_116, %get3A_117] {strides = array<i32>} : memref<25x128xi32, #tpu.memory_space<vmem>>, vector<16xi32>,
    tpu.vector_store_idx %arg9[%get3A_118], %broadcast_in_dim3A_72 {add = true} : memref<544xf32, #tpu.memory_space<vmem>>[vector<16xi32>], vector<16xf32>,
    %get3A_119 = arith.constant 1 : i32
    %get3A_120 = arith.index_cast %get3A_119 : i32 to index
    %get3A_121 = arith.constant 32 : index
    %get3A_122 = tpu.vector_load %arg7[%get3A_120, %get3A_121] {strides = array<i32>} : memref<25x128xi32, #tpu.memory_space<vmem>>, vector<16xi32>,
    tpu.vector_store_idx %arg9[%get3A_122], %broadcast_in_dim3A_72 {add = true} : memref<544xf32, #tpu.memory_space<vmem>>[vector<16xi32>], vector<16xf32>,
    %get3A_123 = arith.constant 1 : i32
    %get3A_124 = arith.index_cast %get3A_123 : i32 to index
    %get3A_125 = arith.constant 48 : index
    %get3A_126 = tpu.vector_load %arg7[%get3A_124, %get3A_125] {strides = array<i32>} : memref<25x128xi32, #tpu.memory_space<vmem>>, vector<16xi32>,
    tpu.vector_store_idx %arg9[%get3A_126], %broadcast_in_dim3A_72 {add = true} : memref<544xf32, #tpu.memory_space<vmem>>[vector<16xi32>], vector<16xf32>,
    %get3A_127 = arith.constant 1 : i32
    %get3A_128 = arith.index_cast %get3A_127 : i32 to index
    %get3A_129 = arith.constant 64 : index
    %get3A_130 = tpu.vector_load %arg7[%get3A_128, %get3A_129] {strides = array<i32>} : memref<25x128xi32, #tpu.memory_space<vmem>>, vector<16xi32>,
    tpu.vector_store_idx %arg9[%get3A_130], %broadcast_in_dim3A_72 {add = true} : memref<544xf32, #tpu.memory_space<vmem>>[vector<16xi32>], vector<16xf32>,
    %get3A_131 = arith.constant 1 : i32
    %get3A_132 = arith.index_cast %get3A_131 : i32 to index
    %get3A_133 = arith.constant 80 : index
    %get3A_134 = tpu.vector_load %arg7[%get3A_132, %get3A_133] {strides = array<i32>} : memref<25x128xi32, #tpu.memory_space<vmem>>, vector<16xi32>,
    tpu.vector_store_idx %arg9[%get3A_134], %broadcast_in_dim3A_72 {add = true} : memref<544xf32, #tpu.memory_space<vmem>>[vector<16xi32>], vector<16xf32>,
    %get3A_135 = arith.constant 1 : i32
    %get3A_136 = arith.index_cast %get3A_135 : i32 to index
    %get3A_137 = arith.constant 96 : index
    %get3A_138 = tpu.vector_load %arg7[%get3A_136, %get3A_137] {strides = array<i32>} : memref<25x128xi32, #tpu.memory_space<vmem>>, vector<16xi32>,
    tpu.vector_store_idx %arg9[%get3A_138], %broadcast_in_dim3A_72 {add = true} : memref<544xf32, #tpu.memory_space<vmem>>[vector<16xi32>], vector<16xf32>,
    %get3A_139 = arith.constant 1 : i32
    %get3A_140 = arith.index_cast %get3A_139 : i32 to index
    %get3A_141 = arith.constant 112 : index
    %get3A_142 = tpu.vector_load %arg7[%get3A_140, %get3A_141] {strides = array<i32>} : memref<25x128xi32, #tpu.memory_space<vmem>>, vector<16xi32>,
    tpu.vector_store_idx %arg9[%get3A_142], %broadcast_in_dim3A_72 {add = true} : memref<544xf32, #tpu.memory_space<vmem>>[vector<16xi32>], vector<16xf32>,
    %run_scoped3A_143 = arith.constant 2 : i32
    "tpu.region"() ({
      %run_scoped3A_929 = tpu.sem_alloc : memref<!tpu.dma_semaphore, #tpu.memory_space<semaphore_mem>>
      %dma_start3A = arith.constant 256 : i32
      %dma_start3A_930 = arith.constant 0 : i32
      %dma_start3A_931 = tpu.memref_slice %arg8[%dma_start3A, %dma_start3A_930] : memref<640x128xf32, #tpu.memory_space<vmem>> -> memref<128x128xf32, #tpu.memory_space<vmem>>
      %dma_start3A_932 = arith.constant 0 : i32
      %dma_start3A_933 = tpu.memref_slice %arg7[%run_scoped3A_143, %dma_start3A_932] : memref<25x128xi32, #tpu.memory_space<vmem>> -> memref<1x128xi32, #tpu.memory_space<vmem>>
      %dma_start3A_934 = tpu.memref_squeeze %dma_start3A_933 : memref<1x128xi32, #tpu.memory_space<vmem>> -> memref<128xi32, #tpu.memory_space<vmem>>
      %dma_start3A_935 = arith.constant 0 : i32
      %dma_start3A_936 = arith.constant 0 : i32
      %dma_start3A_937 = tpu.memref_slice %arg10[%dma_start3A_935, %dma_start3A_936] : memref<513x128xf32, #tpu.memory_space<vmem_shared>> -> memref<513x128xf32, #tpu.memory_space<vmem_shared>>
      tpu.enqueue_indirect_dma source(%dma_start3A_931 : memref<128x128xf32, #tpu.memory_space<vmem>>) target(%dma_start3A_937 : memref<513x128xf32, #tpu.memory_space<vmem_shared>>) offsets(%dma_start3A_934 : memref<128xi32, #tpu.memory_space<vmem>>) semaphore(%run_scoped3A_929 : memref<!tpu.dma_semaphore, #tpu.memory_space<semaphore_mem>>) {add = true}
      %dma_wait3A = arith.constant 256 : i32
      %dma_wait3A_938 = arith.constant 0 : i32
      %dma_wait3A_939 = tpu.memref_slice %arg8[%dma_wait3A, %dma_wait3A_938] : memref<640x128xf32, #tpu.memory_space<vmem>> -> memref<128x128xf32, #tpu.memory_space<vmem>>
      %dma_wait3A_940 = arith.constant 0 : i32
      %dma_wait3A_941 = tpu.memref_slice %arg7[%run_scoped3A_143, %dma_wait3A_940] : memref<25x128xi32, #tpu.memory_space<vmem>> -> memref<1x128xi32, #tpu.memory_space<vmem>>
      %dma_wait3A_942 = tpu.memref_squeeze %dma_wait3A_941 : memref<1x128xi32, #tpu.memory_space<vmem>> -> memref<128xi32, #tpu.memory_space<vmem>>
      %dma_wait3A_943 = arith.constant 0 : i32
      %dma_wait3A_944 = arith.constant 0 : i32
      %dma_wait3A_945 = tpu.memref_slice %arg10[%dma_wait3A_943, %dma_wait3A_944] : memref<513x128xf32, #tpu.memory_space<vmem_shared>> -> memref<513x128xf32, #tpu.memory_space<vmem_shared>>
      tpu.wait_indirect_dma semaphore(%run_scoped3A_929 : memref<!tpu.dma_semaphore, #tpu.memory_space<semaphore_mem>>) src(%dma_wait3A_939 : memref<128x128xf32, #tpu.memory_space<vmem>>) dst(%dma_wait3A_945 : memref<513x128xf32, #tpu.memory_space<vmem_shared>>)
      tpu.yield
    }) : () -> ()
    %get3A_144 = arith.constant 2 : i32
    %get3A_145 = arith.index_cast %get3A_144 : i32 to index
    %get3A_146 = arith.constant 0 : index
    %get3A_147 = tpu.vector_load %arg7[%get3A_145, %get3A_146] {strides = array<i32>} : memref<25x128xi32, #tpu.memory_space<vmem>>, vector<16xi32>,
    tpu.vector_store_idx %arg9[%get3A_147], %broadcast_in_dim3A_72 {add = true} : memref<544xf32, #tpu.memory_space<vmem>>[vector<16xi32>], vector<16xf32>,
    %get3A_148 = arith.constant 2 : i32
    %get3A_149 = arith.index_cast %get3A_148 : i32 to index
    %get3A_150 = arith.constant 16 : index
    %get3A_151 = tpu.vector_load %arg7[%get3A_149, %get3A_150] {strides = array<i32>} : memref<25x128xi32, #tpu.memory_space<vmem>>, vector<16xi32>,
    tpu.vector_store_idx %arg9[%get3A_151], %broadcast_in_dim3A_72 {add = true} : memref<544xf32, #tpu.memory_space<vmem>>[vector<16xi32>], vector<16xf32>,
    %get3A_152 = arith.constant 2 : i32
    %get3A_153 = arith.index_cast %get3A_152 : i32 to index
    %get3A_154 = arith.constant 32 : index
    %get3A_155 = tpu.vector_load %arg7[%get3A_153, %get3A_154] {strides = array<i32>} : memref<25x128xi32, #tpu.memory_space<vmem>>, vector<16xi32>,
    tpu.vector_store_idx %arg9[%get3A_155], %broadcast_in_dim3A_72 {add = true} : memref<544xf32, #tpu.memory_space<vmem>>[vector<16xi32>], vector<16xf32>,
    %get3A_156 = arith.constant 2 : i32
    %get3A_157 = arith.index_cast %get3A_156 : i32 to index
    %get3A_158 = arith.constant 48 : index
    %get3A_159 = tpu.vector_load %arg7[%get3A_157, %get3A_158] {strides = array<i32>} : memref<25x128xi32, #tpu.memory_space<vmem>>, vector<16xi32>,
    tpu.vector_store_idx %arg9[%get3A_159], %broadcast_in_dim3A_72 {add = true} : memref<544xf32, #tpu.memory_space<vmem>>[vector<16xi32>], vector<16xf32>,
    %get3A_160 = arith.constant 2 : i32
    %get3A_161 = arith.index_cast %get3A_160 : i32 to index
    %get3A_162 = arith.constant 64 : index
    %get3A_163 = tpu.vector_load %arg7[%get3A_161, %get3A_162] {strides = array<i32>} : memref<25x128xi32, #tpu.memory_space<vmem>>, vector<16xi32>,
    tpu.vector_store_idx %arg9[%get3A_163], %broadcast_in_dim3A_72 {add = true} : memref<544xf32, #tpu.memory_space<vmem>>[vector<16xi32>], vector<16xf32>,
    %get3A_164 = arith.constant 2 : i32
    %get3A_165 = arith.index_cast %get3A_164 : i32 to index
    %get3A_166 = arith.constant 80 : index
    %get3A_167 = tpu.vector_load %arg7[%get3A_165, %get3A_166] {strides = array<i32>} : memref<25x128xi32, #tpu.memory_space<vmem>>, vector<16xi32>,
    tpu.vector_store_idx %arg9[%get3A_167], %broadcast_in_dim3A_72 {add = true} : memref<544xf32, #tpu.memory_space<vmem>>[vector<16xi32>], vector<16xf32>,
    %get3A_168 = arith.constant 2 : i32
    %get3A_169 = arith.index_cast %get3A_168 : i32 to index
    %get3A_170 = arith.constant 96 : index
    %get3A_171 = tpu.vector_load %arg7[%get3A_169, %get3A_170] {strides = array<i32>} : memref<25x128xi32, #tpu.memory_space<vmem>>, vector<16xi32>,
    tpu.vector_store_idx %arg9[%get3A_171], %broadcast_in_dim3A_72 {add = true} : memref<544xf32, #tpu.memory_space<vmem>>[vector<16xi32>], vector<16xf32>,
    %get3A_172 = arith.constant 2 : i32
    %get3A_173 = arith.index_cast %get3A_172 : i32 to index
    %get3A_174 = arith.constant 112 : index
    %get3A_175 = tpu.vector_load %arg7[%get3A_173, %get3A_174] {strides = array<i32>} : memref<25x128xi32, #tpu.memory_space<vmem>>, vector<16xi32>,
    tpu.vector_store_idx %arg9[%get3A_175], %broadcast_in_dim3A_72 {add = true} : memref<544xf32, #tpu.memory_space<vmem>>[vector<16xi32>], vector<16xf32>,
    %run_scoped3A_176 = arith.constant 3 : i32
    "tpu.region"() ({
      %run_scoped3A_929 = tpu.sem_alloc : memref<!tpu.dma_semaphore, #tpu.memory_space<semaphore_mem>>
      %dma_start3A = arith.constant 384 : i32
      %dma_start3A_930 = arith.constant 0 : i32
      %dma_start3A_931 = tpu.memref_slice %arg8[%dma_start3A, %dma_start3A_930] : memref<640x128xf32, #tpu.memory_space<vmem>> -> memref<128x128xf32, #tpu.memory_space<vmem>>
      %dma_start3A_932 = arith.constant 0 : i32
      %dma_start3A_933 = tpu.memref_slice %arg7[%run_scoped3A_176, %dma_start3A_932] : memref<25x128xi32, #tpu.memory_space<vmem>> -> memref<1x128xi32, #tpu.memory_space<vmem>>
      %dma_start3A_934 = tpu.memref_squeeze %dma_start3A_933 : memref<1x128xi32, #tpu.memory_space<vmem>> -> memref<128xi32, #tpu.memory_space<vmem>>
      %dma_start3A_935 = arith.constant 0 : i32
      %dma_start3A_936 = arith.constant 0 : i32
      %dma_start3A_937 = tpu.memref_slice %arg10[%dma_start3A_935, %dma_start3A_936] : memref<513x128xf32, #tpu.memory_space<vmem_shared>> -> memref<513x128xf32, #tpu.memory_space<vmem_shared>>
      tpu.enqueue_indirect_dma source(%dma_start3A_931 : memref<128x128xf32, #tpu.memory_space<vmem>>) target(%dma_start3A_937 : memref<513x128xf32, #tpu.memory_space<vmem_shared>>) offsets(%dma_start3A_934 : memref<128xi32, #tpu.memory_space<vmem>>) semaphore(%run_scoped3A_929 : memref<!tpu.dma_semaphore, #tpu.memory_space<semaphore_mem>>) {add = true}
      %dma_wait3A = arith.constant 384 : i32
      %dma_wait3A_938 = arith.constant 0 : i32
      %dma_wait3A_939 = tpu.memref_slice %arg8[%dma_wait3A, %dma_wait3A_938] : memref<640x128xf32, #tpu.memory_space<vmem>> -> memref<128x128xf32, #tpu.memory_space<vmem>>
      %dma_wait3A_940 = arith.constant 0 : i32
      %dma_wait3A_941 = tpu.memref_slice %arg7[%run_scoped3A_176, %dma_wait3A_940] : memref<25x128xi32, #tpu.memory_space<vmem>> -> memref<1x128xi32, #tpu.memory_space<vmem>>
      %dma_wait3A_942 = tpu.memref_squeeze %dma_wait3A_941 : memref<1x128xi32, #tpu.memory_space<vmem>> -> memref<128xi32, #tpu.memory_space<vmem>>
      %dma_wait3A_943 = arith.constant 0 : i32
      %dma_wait3A_944 = arith.constant 0 : i32
      %dma_wait3A_945 = tpu.memref_slice %arg10[%dma_wait3A_943, %dma_wait3A_944] : memref<513x128xf32, #tpu.memory_space<vmem_shared>> -> memref<513x128xf32, #tpu.memory_space<vmem_shared>>
      tpu.wait_indirect_dma semaphore(%run_scoped3A_929 : memref<!tpu.dma_semaphore, #tpu.memory_space<semaphore_mem>>) src(%dma_wait3A_939 : memref<128x128xf32, #tpu.memory_space<vmem>>) dst(%dma_wait3A_945 : memref<513x128xf32, #tpu.memory_space<vmem_shared>>)
      tpu.yield
    }) : () -> ()
    %get3A_177 = arith.constant 3 : i32
    %get3A_178 = arith.index_cast %get3A_177 : i32 to index
    %get3A_179 = arith.constant 0 : index
    %get3A_180 = tpu.vector_load %arg7[%get3A_178, %get3A_179] {strides = array<i32>} : memref<25x128xi32, #tpu.memory_space<vmem>>, vector<16xi32>,
    tpu.vector_store_idx %arg9[%get3A_180], %broadcast_in_dim3A_72 {add = true} : memref<544xf32, #tpu.memory_space<vmem>>[vector<16xi32>], vector<16xf32>,
    %get3A_181 = arith.constant 3 : i32
    %get3A_182 = arith.index_cast %get3A_181 : i32 to index
    %get3A_183 = arith.constant 16 : index
    %get3A_184 = tpu.vector_load %arg7[%get3A_182, %get3A_183] {strides = array<i32>} : memref<25x128xi32, #tpu.memory_space<vmem>>, vector<16xi32>,
    tpu.vector_store_idx %arg9[%get3A_184], %broadcast_in_dim3A_72 {add = true} : memref<544xf32, #tpu.memory_space<vmem>>[vector<16xi32>], vector<16xf32>,
    %get3A_185 = arith.constant 3 : i32
    %get3A_186 = arith.index_cast %get3A_185 : i32 to index
    %get3A_187 = arith.constant 32 : index
    %get3A_188 = tpu.vector_load %arg7[%get3A_186, %get3A_187] {strides = array<i32>} : memref<25x128xi32, #tpu.memory_space<vmem>>, vector<16xi32>,
    tpu.vector_store_idx %arg9[%get3A_188], %broadcast_in_dim3A_72 {add = true} : memref<544xf32, #tpu.memory_space<vmem>>[vector<16xi32>], vector<16xf32>,
    %get3A_189 = arith.constant 3 : i32
    %get3A_190 = arith.index_cast %get3A_189 : i32 to index
    %get3A_191 = arith.constant 48 : index
    %get3A_192 = tpu.vector_load %arg7[%get3A_190, %get3A_191] {strides = array<i32>} : memref<25x128xi32, #tpu.memory_space<vmem>>, vector<16xi32>,
    tpu.vector_store_idx %arg9[%get3A_192], %broadcast_in_dim3A_72 {add = true} : memref<544xf32, #tpu.memory_space<vmem>>[vector<16xi32>], vector<16xf32>,
    %get3A_193 = arith.constant 3 : i32
    %get3A_194 = arith.index_cast %get3A_193 : i32 to index
    %get3A_195 = arith.constant 64 : index
    %get3A_196 = tpu.vector_load %arg7[%get3A_194, %get3A_195] {strides = array<i32>} : memref<25x128xi32, #tpu.memory_space<vmem>>, vector<16xi32>,
    tpu.vector_store_idx %arg9[%get3A_196], %broadcast_in_dim3A_72 {add = true} : memref<544xf32, #tpu.memory_space<vmem>>[vector<16xi32>], vector<16xf32>,
    %get3A_197 = arith.constant 3 : i32
    %get3A_198 = arith.index_cast %get3A_197 : i32 to index
    %get3A_199 = arith.constant 80 : index
    %get3A_200 = tpu.vector_load %arg7[%get3A_198, %get3A_199] {strides = array<i32>} : memref<25x128xi32, #tpu.memory_space<vmem>>, vector<16xi32>,
    tpu.vector_store_idx %arg9[%get3A_200], %broadcast_in_dim3A_72 {add = true} : memref<544xf32, #tpu.memory_space<vmem>>[vector<16xi32>], vector<16xf32>,
    %get3A_201 = arith.constant 3 : i32
    %get3A_202 = arith.index_cast %get3A_201 : i32 to index
    %get3A_203 = arith.constant 96 : index
    %get3A_204 = tpu.vector_load %arg7[%get3A_202, %get3A_203] {strides = array<i32>} : memref<25x128xi32, #tpu.memory_space<vmem>>, vector<16xi32>,
    tpu.vector_store_idx %arg9[%get3A_204], %broadcast_in_dim3A_72 {add = true} : memref<544xf32, #tpu.memory_space<vmem>>[vector<16xi32>], vector<16xf32>,
    %get3A_205 = arith.constant 3 : i32
    %get3A_206 = arith.index_cast %get3A_205 : i32 to index
    %get3A_207 = arith.constant 112 : index
    %get3A_208 = tpu.vector_load %arg7[%get3A_206, %get3A_207] {strides = array<i32>} : memref<25x128xi32, #tpu.memory_space<vmem>>, vector<16xi32>,
    tpu.vector_store_idx %arg9[%get3A_208], %broadcast_in_dim3A_72 {add = true} : memref<544xf32, #tpu.memory_space<vmem>>[vector<16xi32>], vector<16xf32>,
    %run_scoped3A_209 = arith.constant 4 : i32
    "tpu.region"() ({
      %run_scoped3A_929 = tpu.sem_alloc : memref<!tpu.dma_semaphore, #tpu.memory_space<semaphore_mem>>
      %dma_start3A = arith.constant 512 : i32
      %dma_start3A_930 = arith.constant 0 : i32
      %dma_start3A_931 = tpu.memref_slice %arg8[%dma_start3A, %dma_start3A_930] : memref<640x128xf32, #tpu.memory_space<vmem>> -> memref<128x128xf32, #tpu.memory_space<vmem>>
      %dma_start3A_932 = arith.constant 0 : i32
      %dma_start3A_933 = tpu.memref_slice %arg7[%run_scoped3A_209, %dma_start3A_932] : memref<25x128xi32, #tpu.memory_space<vmem>> -> memref<1x128xi32, #tpu.memory_space<vmem>>
      %dma_start3A_934 = tpu.memref_squeeze %dma_start3A_933 : memref<1x128xi32, #tpu.memory_space<vmem>> -> memref<128xi32, #tpu.memory_space<vmem>>
      %dma_start3A_935 = arith.constant 0 : i32
      %dma_start3A_936 = arith.constant 0 : i32
      %dma_start3A_937 = tpu.memref_slice %arg10[%dma_start3A_935, %dma_start3A_936] : memref<513x128xf32, #tpu.memory_space<vmem_shared>> -> memref<513x128xf32, #tpu.memory_space<vmem_shared>>
      tpu.enqueue_indirect_dma source(%dma_start3A_931 : memref<128x128xf32, #tpu.memory_space<vmem>>) target(%dma_start3A_937 : memref<513x128xf32, #tpu.memory_space<vmem_shared>>) offsets(%dma_start3A_934 : memref<128xi32, #tpu.memory_space<vmem>>) semaphore(%run_scoped3A_929 : memref<!tpu.dma_semaphore, #tpu.memory_space<semaphore_mem>>) {add = true}
      %dma_wait3A = arith.constant 512 : i32
      %dma_wait3A_938 = arith.constant 0 : i32
      %dma_wait3A_939 = tpu.memref_slice %arg8[%dma_wait3A, %dma_wait3A_938] : memref<640x128xf32, #tpu.memory_space<vmem>> -> memref<128x128xf32, #tpu.memory_space<vmem>>
      %dma_wait3A_940 = arith.constant 0 : i32
      %dma_wait3A_941 = tpu.memref_slice %arg7[%run_scoped3A_209, %dma_wait3A_940] : memref<25x128xi32, #tpu.memory_space<vmem>> -> memref<1x128xi32, #tpu.memory_space<vmem>>
      %dma_wait3A_942 = tpu.memref_squeeze %dma_wait3A_941 : memref<1x128xi32, #tpu.memory_space<vmem>> -> memref<128xi32, #tpu.memory_space<vmem>>
      %dma_wait3A_943 = arith.constant 0 : i32
      %dma_wait3A_944 = arith.constant 0 : i32
      %dma_wait3A_945 = tpu.memref_slice %arg10[%dma_wait3A_943, %dma_wait3A_944] : memref<513x128xf32, #tpu.memory_space<vmem_shared>> -> memref<513x128xf32, #tpu.memory_space<vmem_shared>>
      tpu.wait_indirect_dma semaphore(%run_scoped3A_929 : memref<!tpu.dma_semaphore, #tpu.memory_space<semaphore_mem>>) src(%dma_wait3A_939 : memref<128x128xf32, #tpu.memory_space<vmem>>) dst(%dma_wait3A_945 : memref<513x128xf32, #tpu.memory_space<vmem_shared>>)
      tpu.yield
    }) : () -> ()
    %get3A_210 = arith.constant 4 : i32
    %get3A_211 = arith.index_cast %get3A_210 : i32 to index
    %get3A_212 = arith.constant 0 : index
    %get3A_213 = tpu.vector_load %arg7[%get3A_211, %get3A_212] {strides = array<i32>} : memref<25x128xi32, #tpu.memory_space<vmem>>, vector<16xi32>,
    tpu.vector_store_idx %arg9[%get3A_213], %broadcast_in_dim3A_72 {add = true} : memref<544xf32, #tpu.memory_space<vmem>>[vector<16xi32>], vector<16xf32>,
    %get3A_214 = arith.constant 4 : i32
    %get3A_215 = arith.index_cast %get3A_214 : i32 to index
    %get3A_216 = arith.constant 16 : index
    %get3A_217 = tpu.vector_load %arg7[%get3A_215, %get3A_216] {strides = array<i32>} : memref<25x128xi32, #tpu.memory_space<vmem>>, vector<16xi32>,
    tpu.vector_store_idx %arg9[%get3A_217], %broadcast_in_dim3A_72 {add = true} : memref<544xf32, #tpu.memory_space<vmem>>[vector<16xi32>], vector<16xf32>,
    %get3A_218 = arith.constant 4 : i32
    %get3A_219 = arith.index_cast %get3A_218 : i32 to index
    %get3A_220 = arith.constant 32 : index
    %get3A_221 = tpu.vector_load %arg7[%get3A_219, %get3A_220] {strides = array<i32>} : memref<25x128xi32, #tpu.memory_space<vmem>>, vector<16xi32>,
    tpu.vector_store_idx %arg9[%get3A_221], %broadcast_in_dim3A_72 {add = true} : memref<544xf32, #tpu.memory_space<vmem>>[vector<16xi32>], vector<16xf32>,
    %get3A_222 = arith.constant 4 : i32
    %get3A_223 = arith.index_cast %get3A_222 : i32 to index
    %get3A_224 = arith.constant 48 : index
    %get3A_225 = tpu.vector_load %arg7[%get3A_223, %get3A_224] {strides = array<i32>} : memref<25x128xi32, #tpu.memory_space<vmem>>, vector<16xi32>,
    tpu.vector_store_idx %arg9[%get3A_225], %broadcast_in_dim3A_72 {add = true} : memref<544xf32, #tpu.memory_space<vmem>>[vector<16xi32>], vector<16xf32>,
    %get3A_226 = arith.constant 4 : i32
    %get3A_227 = arith.index_cast %get3A_226 : i32 to index
    %get3A_228 = arith.constant 64 : index
    %get3A_229 = tpu.vector_load %arg7[%get3A_227, %get3A_228] {strides = array<i32>} : memref<25x128xi32, #tpu.memory_space<vmem>>, vector<16xi32>,
    tpu.vector_store_idx %arg9[%get3A_229], %broadcast_in_dim3A_72 {add = true} : memref<544xf32, #tpu.memory_space<vmem>>[vector<16xi32>], vector<16xf32>,
    %get3A_230 = arith.constant 4 : i32
    %get3A_231 = arith.index_cast %get3A_230 : i32 to index
    %get3A_232 = arith.constant 80 : index
    %get3A_233 = tpu.vector_load %arg7[%get3A_231, %get3A_232] {strides = array<i32>} : memref<25x128xi32, #tpu.memory_space<vmem>>, vector<16xi32>,
    tpu.vector_store_idx %arg9[%get3A_233], %broadcast_in_dim3A_72 {add = true} : memref<544xf32, #tpu.memory_space<vmem>>[vector<16xi32>], vector<16xf32>,
    %get3A_234 = arith.constant 4 : i32
    %get3A_235 = arith.index_cast %get3A_234 : i32 to index
    %get3A_236 = arith.constant 96 : index
    %get3A_237 = tpu.vector_load %arg7[%get3A_235, %get3A_236] {strides = array<i32>} : memref<25x128xi32, #tpu.memory_space<vmem>>, vector<16xi32>,
    tpu.vector_store_idx %arg9[%get3A_237], %broadcast_in_dim3A_72 {add = true} : memref<544xf32, #tpu.memory_space<vmem>>[vector<16xi32>], vector<16xf32>,
    %get3A_238 = arith.constant 4 : i32
    %get3A_239 = arith.index_cast %get3A_238 : i32 to index
    %get3A_240 = arith.constant 112 : index
    %get3A_241 = tpu.vector_load %arg7[%get3A_239, %get3A_240] {strides = array<i32>} : memref<25x128xi32, #tpu.memory_space<vmem>>, vector<16xi32>,
    tpu.vector_store_idx %arg9[%get3A_241], %broadcast_in_dim3A_72 {add = true} : memref<544xf32, #tpu.memory_space<vmem>>[vector<16xi32>], vector<16xf32>,
    %add3A_242 = arith.constant 32 : i32
    %add3A_243 = arith.addi %add3A, %add3A_242 : i32
    %mul3A_244 = arith.constant 5 : i32
    %mul3A_245 = arith.muli %add3A_243, %mul3A_244 : i32
    %mul3A_246 = arith.constant 128 : i32
    %mul3A_247 = arith.muli %mul3A_245, %mul3A_246 : i32
    "tpu.region"() ({
      %run_scoped3A_929 = tpu.sem_alloc : memref<!tpu.dma_semaphore, #tpu.memory_space<semaphore_mem>>
      %dma_start3A = arith.constant 0 : i32
      %dma_start3A_930 = tpu.memref_slice %arg2[%mul3A_247, %dma_start3A] : memref<102400x128xf32, #tpu.memory_space<hbm>> -> memref<640x128xf32, #tpu.memory_space<hbm>>
      %dma_start3A_931 = arith.constant 0 : i32
      %dma_start3A_932 = tpu.memref_slice %arg2[%mul3A_247, %dma_start3A_931] : memref<102400x128xf32, #tpu.memory_space<hbm>> -> memref<640x128xf32, #tpu.memory_space<hbm>>
      tpu.enqueue_dma source(%dma_start3A_932 : memref<640x128xf32, #tpu.memory_space<hbm>>) target(%arg8 : memref<640x128xf32, #tpu.memory_space<vmem>>) target_semaphore(%run_scoped3A_929 : memref<!tpu.dma_semaphore, #tpu.memory_space<semaphore_mem>>)
      %dma_wait3A = arith.constant 0 : i32
      %dma_wait3A_933 = tpu.memref_slice %arg2[%mul3A_247, %dma_wait3A] : memref<102400x128xf32, #tpu.memory_space<hbm>> -> memref<640x128xf32, #tpu.memory_space<hbm>>
      %dma_wait3A_934 = arith.constant 0 : i32
      %dma_wait3A_935 = tpu.memref_slice %arg2[%mul3A_247, %dma_wait3A_934] : memref<102400x128xf32, #tpu.memory_space<hbm>> -> memref<640x128xf32, #tpu.memory_space<hbm>>
      tpu.wait_dma2 semaphore(%run_scoped3A_929 : memref<!tpu.dma_semaphore, #tpu.memory_space<semaphore_mem>>) src(%dma_wait3A_935 : memref<640x128xf32, #tpu.memory_space<hbm>>) dst(%arg8 : memref<640x128xf32, #tpu.memory_space<vmem>>)
      tpu.yield
    }) : () -> ()
    %run_scoped3A_248 = arith.constant 5 : i32
    "tpu.region"() ({
      %run_scoped3A_929 = tpu.sem_alloc : memref<!tpu.dma_semaphore, #tpu.memory_space<semaphore_mem>>
      %dma_start3A = arith.constant 0 : i32
      %dma_start3A_930 = arith.constant 0 : i32
      %dma_start3A_931 = tpu.memref_slice %arg8[%dma_start3A, %dma_start3A_930] : memref<640x128xf32, #tpu.memory_space<vmem>> -> memref<128x128xf32, #tpu.memory_space<vmem>>
      %dma_start3A_932 = arith.constant 0 : i32
      %dma_start3A_933 = tpu.memref_slice %arg7[%run_scoped3A_248, %dma_start3A_932] : memref<25x128xi32, #tpu.memory_space<vmem>> -> memref<1x128xi32, #tpu.memory_space<vmem>>
      %dma_start3A_934 = tpu.memref_squeeze %dma_start3A_933 : memref<1x128xi32, #tpu.memory_space<vmem>> -> memref<128xi32, #tpu.memory_space<vmem>>
      %dma_start3A_935 = arith.constant 0 : i32
      %dma_start3A_936 = arith.constant 0 : i32
      %dma_start3A_937 = tpu.memref_slice %arg10[%dma_start3A_935, %dma_start3A_936] : memref<513x128xf32, #tpu.memory_space<vmem_shared>> -> memref<513x128xf32, #tpu.memory_space<vmem_shared>>
      tpu.enqueue_indirect_dma source(%dma_start3A_931 : memref<128x128xf32, #tpu.memory_space<vmem>>) target(%dma_start3A_937 : memref<513x128xf32, #tpu.memory_space<vmem_shared>>) offsets(%dma_start3A_934 : memref<128xi32, #tpu.memory_space<vmem>>) semaphore(%run_scoped3A_929 : memref<!tpu.dma_semaphore, #tpu.memory_space<semaphore_mem>>) {add = true}
      %dma_wait3A = arith.constant 0 : i32
      %dma_wait3A_938 = arith.constant 0 : i32
      %dma_wait3A_939 = tpu.memref_slice %arg8[%dma_wait3A, %dma_wait3A_938] : memref<640x128xf32, #tpu.memory_space<vmem>> -> memref<128x128xf32, #tpu.memory_space<vmem>>
      %dma_wait3A_940 = arith.constant 0 : i32
      %dma_wait3A_941 = tpu.memref_slice %arg7[%run_scoped3A_248, %dma_wait3A_940] : memref<25x128xi32, #tpu.memory_space<vmem>> -> memref<1x128xi32, #tpu.memory_space<vmem>>
      %dma_wait3A_942 = tpu.memref_squeeze %dma_wait3A_941 : memref<1x128xi32, #tpu.memory_space<vmem>> -> memref<128xi32, #tpu.memory_space<vmem>>
      %dma_wait3A_943 = arith.constant 0 : i32
      %dma_wait3A_944 = arith.constant 0 : i32
      %dma_wait3A_945 = tpu.memref_slice %arg10[%dma_wait3A_943, %dma_wait3A_944] : memref<513x128xf32, #tpu.memory_space<vmem_shared>> -> memref<513x128xf32, #tpu.memory_space<vmem_shared>>
      tpu.wait_indirect_dma semaphore(%run_scoped3A_929 : memref<!tpu.dma_semaphore, #tpu.memory_space<semaphore_mem>>) src(%dma_wait3A_939 : memref<128x128xf32, #tpu.memory_space<vmem>>) dst(%dma_wait3A_945 : memref<513x128xf32, #tpu.memory_space<vmem_shared>>)
      tpu.yield
    }) : () -> ()
    %get3A_249 = arith.constant 5 : i32
    %get3A_250 = arith.index_cast %get3A_249 : i32 to index
    %get3A_251 = arith.constant 0 : index
    %get3A_252 = tpu.vector_load %arg7[%get3A_250, %get3A_251] {strides = array<i32>} : memref<25x128xi32, #tpu.memory_space<vmem>>, vector<16xi32>,
    tpu.vector_store_idx %arg9[%get3A_252], %broadcast_in_dim3A_72 {add = true} : memref<544xf32, #tpu.memory_space<vmem>>[vector<16xi32>], vector<16xf32>,
    %get3A_253 = arith.constant 5 : i32
    %get3A_254 = arith.index_cast %get3A_253 : i32 to index
    %get3A_255 = arith.constant 16 : index
    %get3A_256 = tpu.vector_load %arg7[%get3A_254, %get3A_255] {strides = array<i32>} : memref<25x128xi32, #tpu.memory_space<vmem>>, vector<16xi32>,
    tpu.vector_store_idx %arg9[%get3A_256], %broadcast_in_dim3A_72 {add = true} : memref<544xf32, #tpu.memory_space<vmem>>[vector<16xi32>], vector<16xf32>,
    %get3A_257 = arith.constant 5 : i32
    %get3A_258 = arith.index_cast %get3A_257 : i32 to index
    %get3A_259 = arith.constant 32 : index
    %get3A_260 = tpu.vector_load %arg7[%get3A_258, %get3A_259] {strides = array<i32>} : memref<25x128xi32, #tpu.memory_space<vmem>>, vector<16xi32>,
    tpu.vector_store_idx %arg9[%get3A_260], %broadcast_in_dim3A_72 {add = true} : memref<544xf32, #tpu.memory_space<vmem>>[vector<16xi32>], vector<16xf32>,
    %get3A_261 = arith.constant 5 : i32
    %get3A_262 = arith.index_cast %get3A_261 : i32 to index
    %get3A_263 = arith.constant 48 : index
    %get3A_264 = tpu.vector_load %arg7[%get3A_262, %get3A_263] {strides = array<i32>} : memref<25x128xi32, #tpu.memory_space<vmem>>, vector<16xi32>,
    tpu.vector_store_idx %arg9[%get3A_264], %broadcast_in_dim3A_72 {add = true} : memref<544xf32, #tpu.memory_space<vmem>>[vector<16xi32>], vector<16xf32>,
    %get3A_265 = arith.constant 5 : i32
    %get3A_266 = arith.index_cast %get3A_265 : i32 to index
    %get3A_267 = arith.constant 64 : index
    %get3A_268 = tpu.vector_load %arg7[%get3A_266, %get3A_267] {strides = array<i32>} : memref<25x128xi32, #tpu.memory_space<vmem>>, vector<16xi32>,
    tpu.vector_store_idx %arg9[%get3A_268], %broadcast_in_dim3A_72 {add = true} : memref<544xf32, #tpu.memory_space<vmem>>[vector<16xi32>], vector<16xf32>,
    %get3A_269 = arith.constant 5 : i32
    %get3A_270 = arith.index_cast %get3A_269 : i32 to index
    %get3A_271 = arith.constant 80 : index
    %get3A_272 = tpu.vector_load %arg7[%get3A_270, %get3A_271] {strides = array<i32>} : memref<25x128xi32, #tpu.memory_space<vmem>>, vector<16xi32>,
    tpu.vector_store_idx %arg9[%get3A_272], %broadcast_in_dim3A_72 {add = true} : memref<544xf32, #tpu.memory_space<vmem>>[vector<16xi32>], vector<16xf32>,
    %get3A_273 = arith.constant 5 : i32
    %get3A_274 = arith.index_cast %get3A_273 : i32 to index
    %get3A_275 = arith.constant 96 : index
    %get3A_276 = tpu.vector_load %arg7[%get3A_274, %get3A_275] {strides = array<i32>} : memref<25x128xi32, #tpu.memory_space<vmem>>, vector<16xi32>,
    tpu.vector_store_idx %arg9[%get3A_276], %broadcast_in_dim3A_72 {add = true} : memref<544xf32, #tpu.memory_space<vmem>>[vector<16xi32>], vector<16xf32>,
    %get3A_277 = arith.constant 5 : i32
    %get3A_278 = arith.index_cast %get3A_277 : i32 to index
    %get3A_279 = arith.constant 112 : index
    %get3A_280 = tpu.vector_load %arg7[%get3A_278, %get3A_279] {strides = array<i32>} : memref<25x128xi32, #tpu.memory_space<vmem>>, vector<16xi32>,
    tpu.vector_store_idx %arg9[%get3A_280], %broadcast_in_dim3A_72 {add = true} : memref<544xf32, #tpu.memory_space<vmem>>[vector<16xi32>], vector<16xf32>,
    %run_scoped3A_281 = arith.constant 6 : i32
    "tpu.region"() ({
      %run_scoped3A_929 = tpu.sem_alloc : memref<!tpu.dma_semaphore, #tpu.memory_space<semaphore_mem>>
      %dma_start3A = arith.constant 128 : i32
      %dma_start3A_930 = arith.constant 0 : i32
      %dma_start3A_931 = tpu.memref_slice %arg8[%dma_start3A, %dma_start3A_930] : memref<640x128xf32, #tpu.memory_space<vmem>> -> memref<128x128xf32, #tpu.memory_space<vmem>>
      %dma_start3A_932 = arith.constant 0 : i32
      %dma_start3A_933 = tpu.memref_slice %arg7[%run_scoped3A_281, %dma_start3A_932] : memref<25x128xi32, #tpu.memory_space<vmem>> -> memref<1x128xi32, #tpu.memory_space<vmem>>
      %dma_start3A_934 = tpu.memref_squeeze %dma_start3A_933 : memref<1x128xi32, #tpu.memory_space<vmem>> -> memref<128xi32, #tpu.memory_space<vmem>>
      %dma_start3A_935 = arith.constant 0 : i32
      %dma_start3A_936 = arith.constant 0 : i32
      %dma_start3A_937 = tpu.memref_slice %arg10[%dma_start3A_935, %dma_start3A_936] : memref<513x128xf32, #tpu.memory_space<vmem_shared>> -> memref<513x128xf32, #tpu.memory_space<vmem_shared>>
      tpu.enqueue_indirect_dma source(%dma_start3A_931 : memref<128x128xf32, #tpu.memory_space<vmem>>) target(%dma_start3A_937 : memref<513x128xf32, #tpu.memory_space<vmem_shared>>) offsets(%dma_start3A_934 : memref<128xi32, #tpu.memory_space<vmem>>) semaphore(%run_scoped3A_929 : memref<!tpu.dma_semaphore, #tpu.memory_space<semaphore_mem>>) {add = true}
      %dma_wait3A = arith.constant 128 : i32
      %dma_wait3A_938 = arith.constant 0 : i32
      %dma_wait3A_939 = tpu.memref_slice %arg8[%dma_wait3A, %dma_wait3A_938] : memref<640x128xf32, #tpu.memory_space<vmem>> -> memref<128x128xf32, #tpu.memory_space<vmem>>
      %dma_wait3A_940 = arith.constant 0 : i32
      %dma_wait3A_941 = tpu.memref_slice %arg7[%run_scoped3A_281, %dma_wait3A_940] : memref<25x128xi32, #tpu.memory_space<vmem>> -> memref<1x128xi32, #tpu.memory_space<vmem>>
      %dma_wait3A_942 = tpu.memref_squeeze %dma_wait3A_941 : memref<1x128xi32, #tpu.memory_space<vmem>> -> memref<128xi32, #tpu.memory_space<vmem>>
      %dma_wait3A_943 = arith.constant 0 : i32
      %dma_wait3A_944 = arith.constant 0 : i32
      %dma_wait3A_945 = tpu.memref_slice %arg10[%dma_wait3A_943, %dma_wait3A_944] : memref<513x128xf32, #tpu.memory_space<vmem_shared>> -> memref<513x128xf32, #tpu.memory_space<vmem_shared>>
      tpu.wait_indirect_dma semaphore(%run_scoped3A_929 : memref<!tpu.dma_semaphore, #tpu.memory_space<semaphore_mem>>) src(%dma_wait3A_939 : memref<128x128xf32, #tpu.memory_space<vmem>>) dst(%dma_wait3A_945 : memref<513x128xf32, #tpu.memory_space<vmem_shared>>)
      tpu.yield
    }) : () -> ()
    %get3A_282 = arith.constant 6 : i32
    %get3A_283 = arith.index_cast %get3A_282 : i32 to index
    %get3A_284 = arith.constant 0 : index
    %get3A_285 = tpu.vector_load %arg7[%get3A_283, %get3A_284] {strides = array<i32>} : memref<25x128xi32, #tpu.memory_space<vmem>>, vector<16xi32>,
    tpu.vector_store_idx %arg9[%get3A_285], %broadcast_in_dim3A_72 {add = true} : memref<544xf32, #tpu.memory_space<vmem>>[vector<16xi32>], vector<16xf32>,
    %get3A_286 = arith.constant 6 : i32
    %get3A_287 = arith.index_cast %get3A_286 : i32 to index
    %get3A_288 = arith.constant 16 : index
    %get3A_289 = tpu.vector_load %arg7[%get3A_287, %get3A_288] {strides = array<i32>} : memref<25x128xi32, #tpu.memory_space<vmem>>, vector<16xi32>,
    tpu.vector_store_idx %arg9[%get3A_289], %broadcast_in_dim3A_72 {add = true} : memref<544xf32, #tpu.memory_space<vmem>>[vector<16xi32>], vector<16xf32>,
    %get3A_290 = arith.constant 6 : i32
    %get3A_291 = arith.index_cast %get3A_290 : i32 to index
    %get3A_292 = arith.constant 32 : index
    %get3A_293 = tpu.vector_load %arg7[%get3A_291, %get3A_292] {strides = array<i32>} : memref<25x128xi32, #tpu.memory_space<vmem>>, vector<16xi32>,
    tpu.vector_store_idx %arg9[%get3A_293], %broadcast_in_dim3A_72 {add = true} : memref<544xf32, #tpu.memory_space<vmem>>[vector<16xi32>], vector<16xf32>,
    %get3A_294 = arith.constant 6 : i32
    %get3A_295 = arith.index_cast %get3A_294 : i32 to index
    %get3A_296 = arith.constant 48 : index
    %get3A_297 = tpu.vector_load %arg7[%get3A_295, %get3A_296] {strides = array<i32>} : memref<25x128xi32, #tpu.memory_space<vmem>>, vector<16xi32>,
    tpu.vector_store_idx %arg9[%get3A_297], %broadcast_in_dim3A_72 {add = true} : memref<544xf32, #tpu.memory_space<vmem>>[vector<16xi32>], vector<16xf32>,
    %get3A_298 = arith.constant 6 : i32
    %get3A_299 = arith.index_cast %get3A_298 : i32 to index
    %get3A_300 = arith.constant 64 : index
    %get3A_301 = tpu.vector_load %arg7[%get3A_299, %get3A_300] {strides = array<i32>} : memref<25x128xi32, #tpu.memory_space<vmem>>, vector<16xi32>,
    tpu.vector_store_idx %arg9[%get3A_301], %broadcast_in_dim3A_72 {add = true} : memref<544xf32, #tpu.memory_space<vmem>>[vector<16xi32>], vector<16xf32>,
    %get3A_302 = arith.constant 6 : i32
    %get3A_303 = arith.index_cast %get3A_302 : i32 to index
    %get3A_304 = arith.constant 80 : index
    %get3A_305 = tpu.vector_load %arg7[%get3A_303, %get3A_304] {strides = array<i32>} : memref<25x128xi32, #tpu.memory_space<vmem>>, vector<16xi32>,
    tpu.vector_store_idx %arg9[%get3A_305], %broadcast_in_dim3A_72 {add = true} : memref<544xf32, #tpu.memory_space<vmem>>[vector<16xi32>], vector<16xf32>,
    %get3A_306 = arith.constant 6 : i32
    %get3A_307 = arith.index_cast %get3A_306 : i32 to index
    %get3A_308 = arith.constant 96 : index
    %get3A_309 = tpu.vector_load %arg7[%get3A_307, %get3A_308] {strides = array<i32>} : memref<25x128xi32, #tpu.memory_space<vmem>>, vector<16xi32>,
    tpu.vector_store_idx %arg9[%get3A_309], %broadcast_in_dim3A_72 {add = true} : memref<544xf32, #tpu.memory_space<vmem>>[vector<16xi32>], vector<16xf32>,
    %get3A_310 = arith.constant 6 : i32
    %get3A_311 = arith.index_cast %get3A_310 : i32 to index
    %get3A_312 = arith.constant 112 : index
    %get3A_313 = tpu.vector_load %arg7[%get3A_311, %get3A_312] {strides = array<i32>} : memref<25x128xi32, #tpu.memory_space<vmem>>, vector<16xi32>,
    tpu.vector_store_idx %arg9[%get3A_313], %broadcast_in_dim3A_72 {add = true} : memref<544xf32, #tpu.memory_space<vmem>>[vector<16xi32>], vector<16xf32>,
    %run_scoped3A_314 = arith.constant 7 : i32
    "tpu.region"() ({
      %run_scoped3A_929 = tpu.sem_alloc : memref<!tpu.dma_semaphore, #tpu.memory_space<semaphore_mem>>
      %dma_start3A = arith.constant 256 : i32
      %dma_start3A_930 = arith.constant 0 : i32
      %dma_start3A_931 = tpu.memref_slice %arg8[%dma_start3A, %dma_start3A_930] : memref<640x128xf32, #tpu.memory_space<vmem>> -> memref<128x128xf32, #tpu.memory_space<vmem>>
      %dma_start3A_932 = arith.constant 0 : i32
      %dma_start3A_933 = tpu.memref_slice %arg7[%run_scoped3A_314, %dma_start3A_932] : memref<25x128xi32, #tpu.memory_space<vmem>> -> memref<1x128xi32, #tpu.memory_space<vmem>>
      %dma_start3A_934 = tpu.memref_squeeze %dma_start3A_933 : memref<1x128xi32, #tpu.memory_space<vmem>> -> memref<128xi32, #tpu.memory_space<vmem>>
      %dma_start3A_935 = arith.constant 0 : i32
      %dma_start3A_936 = arith.constant 0 : i32
      %dma_start3A_937 = tpu.memref_slice %arg10[%dma_start3A_935, %dma_start3A_936] : memref<513x128xf32, #tpu.memory_space<vmem_shared>> -> memref<513x128xf32, #tpu.memory_space<vmem_shared>>
      tpu.enqueue_indirect_dma source(%dma_start3A_931 : memref<128x128xf32, #tpu.memory_space<vmem>>) target(%dma_start3A_937 : memref<513x128xf32, #tpu.memory_space<vmem_shared>>) offsets(%dma_start3A_934 : memref<128xi32, #tpu.memory_space<vmem>>) semaphore(%run_scoped3A_929 : memref<!tpu.dma_semaphore, #tpu.memory_space<semaphore_mem>>) {add = true}
      %dma_wait3A = arith.constant 256 : i32
      %dma_wait3A_938 = arith.constant 0 : i32
      %dma_wait3A_939 = tpu.memref_slice %arg8[%dma_wait3A, %dma_wait3A_938] : memref<640x128xf32, #tpu.memory_space<vmem>> -> memref<128x128xf32, #tpu.memory_space<vmem>>
      %dma_wait3A_940 = arith.constant 0 : i32
      %dma_wait3A_941 = tpu.memref_slice %arg7[%run_scoped3A_314, %dma_wait3A_940] : memref<25x128xi32, #tpu.memory_space<vmem>> -> memref<1x128xi32, #tpu.memory_space<vmem>>
      %dma_wait3A_942 = tpu.memref_squeeze %dma_wait3A_941 : memref<1x128xi32, #tpu.memory_space<vmem>> -> memref<128xi32, #tpu.memory_space<vmem>>
      %dma_wait3A_943 = arith.constant 0 : i32
      %dma_wait3A_944 = arith.constant 0 : i32
      %dma_wait3A_945 = tpu.memref_slice %arg10[%dma_wait3A_943, %dma_wait3A_944] : memref<513x128xf32, #tpu.memory_space<vmem_shared>> -> memref<513x128xf32, #tpu.memory_space<vmem_shared>>
      tpu.wait_indirect_dma semaphore(%run_scoped3A_929 : memref<!tpu.dma_semaphore, #tpu.memory_space<semaphore_mem>>) src(%dma_wait3A_939 : memref<128x128xf32, #tpu.memory_space<vmem>>) dst(%dma_wait3A_945 : memref<513x128xf32, #tpu.memory_space<vmem_shared>>)
      tpu.yield
    }) : () -> ()
    %get3A_315 = arith.constant 7 : i32
    %get3A_316 = arith.index_cast %get3A_315 : i32 to index
    %get3A_317 = arith.constant 0 : index
    %get3A_318 = tpu.vector_load %arg7[%get3A_316, %get3A_317] {strides = array<i32>} : memref<25x128xi32, #tpu.memory_space<vmem>>, vector<16xi32>,
    tpu.vector_store_idx %arg9[%get3A_318], %broadcast_in_dim3A_72 {add = true} : memref<544xf32, #tpu.memory_space<vmem>>[vector<16xi32>], vector<16xf32>,
    %get3A_319 = arith.constant 7 : i32
    %get3A_320 = arith.index_cast %get3A_319 : i32 to index
    %get3A_321 = arith.constant 16 : index
    %get3A_322 = tpu.vector_load %arg7[%get3A_320, %get3A_321] {strides = array<i32>} : memref<25x128xi32, #tpu.memory_space<vmem>>, vector<16xi32>,
    tpu.vector_store_idx %arg9[%get3A_322], %broadcast_in_dim3A_72 {add = true} : memref<544xf32, #tpu.memory_space<vmem>>[vector<16xi32>], vector<16xf32>,
    %get3A_323 = arith.constant 7 : i32
    %get3A_324 = arith.index_cast %get3A_323 : i32 to index
    %get3A_325 = arith.constant 32 : index
    %get3A_326 = tpu.vector_load %arg7[%get3A_324, %get3A_325] {strides = array<i32>} : memref<25x128xi32, #tpu.memory_space<vmem>>, vector<16xi32>,
    tpu.vector_store_idx %arg9[%get3A_326], %broadcast_in_dim3A_72 {add = true} : memref<544xf32, #tpu.memory_space<vmem>>[vector<16xi32>], vector<16xf32>,
    %get3A_327 = arith.constant 7 : i32
    %get3A_328 = arith.index_cast %get3A_327 : i32 to index
    %get3A_329 = arith.constant 48 : index
    %get3A_330 = tpu.vector_load %arg7[%get3A_328, %get3A_329] {strides = array<i32>} : memref<25x128xi32, #tpu.memory_space<vmem>>, vector<16xi32>,
    tpu.vector_store_idx %arg9[%get3A_330], %broadcast_in_dim3A_72 {add = true} : memref<544xf32, #tpu.memory_space<vmem>>[vector<16xi32>], vector<16xf32>,
    %get3A_331 = arith.constant 7 : i32
    %get3A_332 = arith.index_cast %get3A_331 : i32 to index
    %get3A_333 = arith.constant 64 : index
    %get3A_334 = tpu.vector_load %arg7[%get3A_332, %get3A_333] {strides = array<i32>} : memref<25x128xi32, #tpu.memory_space<vmem>>, vector<16xi32>,
    tpu.vector_store_idx %arg9[%get3A_334], %broadcast_in_dim3A_72 {add = true} : memref<544xf32, #tpu.memory_space<vmem>>[vector<16xi32>], vector<16xf32>,
    %get3A_335 = arith.constant 7 : i32
    %get3A_336 = arith.index_cast %get3A_335 : i32 to index
    %get3A_337 = arith.constant 80 : index
    %get3A_338 = tpu.vector_load %arg7[%get3A_336, %get3A_337] {strides = array<i32>} : memref<25x128xi32, #tpu.memory_space<vmem>>, vector<16xi32>,
    tpu.vector_store_idx %arg9[%get3A_338], %broadcast_in_dim3A_72 {add = true} : memref<544xf32, #tpu.memory_space<vmem>>[vector<16xi32>], vector<16xf32>,
    %get3A_339 = arith.constant 7 : i32
    %get3A_340 = arith.index_cast %get3A_339 : i32 to index
    %get3A_341 = arith.constant 96 : index
    %get3A_342 = tpu.vector_load %arg7[%get3A_340, %get3A_341] {strides = array<i32>} : memref<25x128xi32, #tpu.memory_space<vmem>>, vector<16xi32>,
    tpu.vector_store_idx %arg9[%get3A_342], %broadcast_in_dim3A_72 {add = true} : memref<544xf32, #tpu.memory_space<vmem>>[vector<16xi32>], vector<16xf32>,
    %get3A_343 = arith.constant 7 : i32
    %get3A_344 = arith.index_cast %get3A_343 : i32 to index
    %get3A_345 = arith.constant 112 : index
    %get3A_346 = tpu.vector_load %arg7[%get3A_344, %get3A_345] {strides = array<i32>} : memref<25x128xi32, #tpu.memory_space<vmem>>, vector<16xi32>,
    tpu.vector_store_idx %arg9[%get3A_346], %broadcast_in_dim3A_72 {add = true} : memref<544xf32, #tpu.memory_space<vmem>>[vector<16xi32>], vector<16xf32>,
    %run_scoped3A_347 = arith.constant 8 : i32
    "tpu.region"() ({
      %run_scoped3A_929 = tpu.sem_alloc : memref<!tpu.dma_semaphore, #tpu.memory_space<semaphore_mem>>
      %dma_start3A = arith.constant 384 : i32
      %dma_start3A_930 = arith.constant 0 : i32
      %dma_start3A_931 = tpu.memref_slice %arg8[%dma_start3A, %dma_start3A_930] : memref<640x128xf32, #tpu.memory_space<vmem>> -> memref<128x128xf32, #tpu.memory_space<vmem>>
      %dma_start3A_932 = arith.constant 0 : i32
      %dma_start3A_933 = tpu.memref_slice %arg7[%run_scoped3A_347, %dma_start3A_932] : memref<25x128xi32, #tpu.memory_space<vmem>> -> memref<1x128xi32, #tpu.memory_space<vmem>>
      %dma_start3A_934 = tpu.memref_squeeze %dma_start3A_933 : memref<1x128xi32, #tpu.memory_space<vmem>> -> memref<128xi32, #tpu.memory_space<vmem>>
      %dma_start3A_935 = arith.constant 0 : i32
      %dma_start3A_936 = arith.constant 0 : i32
      %dma_start3A_937 = tpu.memref_slice %arg10[%dma_start3A_935, %dma_start3A_936] : memref<513x128xf32, #tpu.memory_space<vmem_shared>> -> memref<513x128xf32, #tpu.memory_space<vmem_shared>>
      tpu.enqueue_indirect_dma source(%dma_start3A_931 : memref<128x128xf32, #tpu.memory_space<vmem>>) target(%dma_start3A_937 : memref<513x128xf32, #tpu.memory_space<vmem_shared>>) offsets(%dma_start3A_934 : memref<128xi32, #tpu.memory_space<vmem>>) semaphore(%run_scoped3A_929 : memref<!tpu.dma_semaphore, #tpu.memory_space<semaphore_mem>>) {add = true}
      %dma_wait3A = arith.constant 384 : i32
      %dma_wait3A_938 = arith.constant 0 : i32
      %dma_wait3A_939 = tpu.memref_slice %arg8[%dma_wait3A, %dma_wait3A_938] : memref<640x128xf32, #tpu.memory_space<vmem>> -> memref<128x128xf32, #tpu.memory_space<vmem>>
      %dma_wait3A_940 = arith.constant 0 : i32
      %dma_wait3A_941 = tpu.memref_slice %arg7[%run_scoped3A_347, %dma_wait3A_940] : memref<25x128xi32, #tpu.memory_space<vmem>> -> memref<1x128xi32, #tpu.memory_space<vmem>>
      %dma_wait3A_942 = tpu.memref_squeeze %dma_wait3A_941 : memref<1x128xi32, #tpu.memory_space<vmem>> -> memref<128xi32, #tpu.memory_space<vmem>>
      %dma_wait3A_943 = arith.constant 0 : i32
      %dma_wait3A_944 = arith.constant 0 : i32
      %dma_wait3A_945 = tpu.memref_slice %arg10[%dma_wait3A_943, %dma_wait3A_944] : memref<513x128xf32, #tpu.memory_space<vmem_shared>> -> memref<513x128xf32, #tpu.memory_space<vmem_shared>>
      tpu.wait_indirect_dma semaphore(%run_scoped3A_929 : memref<!tpu.dma_semaphore, #tpu.memory_space<semaphore_mem>>) src(%dma_wait3A_939 : memref<128x128xf32, #tpu.memory_space<vmem>>) dst(%dma_wait3A_945 : memref<513x128xf32, #tpu.memory_space<vmem_shared>>)
      tpu.yield
    }) : () -> ()
    %get3A_348 = arith.constant 8 : i32
    %get3A_349 = arith.index_cast %get3A_348 : i32 to index
    %get3A_350 = arith.constant 0 : index
    %get3A_351 = tpu.vector_load %arg7[%get3A_349, %get3A_350] {strides = array<i32>} : memref<25x128xi32, #tpu.memory_space<vmem>>, vector<16xi32>,
    tpu.vector_store_idx %arg9[%get3A_351], %broadcast_in_dim3A_72 {add = true} : memref<544xf32, #tpu.memory_space<vmem>>[vector<16xi32>], vector<16xf32>,
    %get3A_352 = arith.constant 8 : i32
    %get3A_353 = arith.index_cast %get3A_352 : i32 to index
    %get3A_354 = arith.constant 16 : index
    %get3A_355 = tpu.vector_load %arg7[%get3A_353, %get3A_354] {strides = array<i32>} : memref<25x128xi32, #tpu.memory_space<vmem>>, vector<16xi32>,
    tpu.vector_store_idx %arg9[%get3A_355], %broadcast_in_dim3A_72 {add = true} : memref<544xf32, #tpu.memory_space<vmem>>[vector<16xi32>], vector<16xf32>,
    %get3A_356 = arith.constant 8 : i32
    %get3A_357 = arith.index_cast %get3A_356 : i32 to index
    %get3A_358 = arith.constant 32 : index
    %get3A_359 = tpu.vector_load %arg7[%get3A_357, %get3A_358] {strides = array<i32>} : memref<25x128xi32, #tpu.memory_space<vmem>>, vector<16xi32>,
    tpu.vector_store_idx %arg9[%get3A_359], %broadcast_in_dim3A_72 {add = true} : memref<544xf32, #tpu.memory_space<vmem>>[vector<16xi32>], vector<16xf32>,
    %get3A_360 = arith.constant 8 : i32
    %get3A_361 = arith.index_cast %get3A_360 : i32 to index
    %get3A_362 = arith.constant 48 : index
    %get3A_363 = tpu.vector_load %arg7[%get3A_361, %get3A_362] {strides = array<i32>} : memref<25x128xi32, #tpu.memory_space<vmem>>, vector<16xi32>,
    tpu.vector_store_idx %arg9[%get3A_363], %broadcast_in_dim3A_72 {add = true} : memref<544xf32, #tpu.memory_space<vmem>>[vector<16xi32>], vector<16xf32>,
    %get3A_364 = arith.constant 8 : i32
    %get3A_365 = arith.index_cast %get3A_364 : i32 to index
    %get3A_366 = arith.constant 64 : index
    %get3A_367 = tpu.vector_load %arg7[%get3A_365, %get3A_366] {strides = array<i32>} : memref<25x128xi32, #tpu.memory_space<vmem>>, vector<16xi32>,
    tpu.vector_store_idx %arg9[%get3A_367], %broadcast_in_dim3A_72 {add = true} : memref<544xf32, #tpu.memory_space<vmem>>[vector<16xi32>], vector<16xf32>,
    %get3A_368 = arith.constant 8 : i32
    %get3A_369 = arith.index_cast %get3A_368 : i32 to index
    %get3A_370 = arith.constant 80 : index
    %get3A_371 = tpu.vector_load %arg7[%get3A_369, %get3A_370] {strides = array<i32>} : memref<25x128xi32, #tpu.memory_space<vmem>>, vector<16xi32>,
    tpu.vector_store_idx %arg9[%get3A_371], %broadcast_in_dim3A_72 {add = true} : memref<544xf32, #tpu.memory_space<vmem>>[vector<16xi32>], vector<16xf32>,
    %get3A_372 = arith.constant 8 : i32
    %get3A_373 = arith.index_cast %get3A_372 : i32 to index
    %get3A_374 = arith.constant 96 : index
    %get3A_375 = tpu.vector_load %arg7[%get3A_373, %get3A_374] {strides = array<i32>} : memref<25x128xi32, #tpu.memory_space<vmem>>, vector<16xi32>,
    tpu.vector_store_idx %arg9[%get3A_375], %broadcast_in_dim3A_72 {add = true} : memref<544xf32, #tpu.memory_space<vmem>>[vector<16xi32>], vector<16xf32>,
    %get3A_376 = arith.constant 8 : i32
    %get3A_377 = arith.index_cast %get3A_376 : i32 to index
    %get3A_378 = arith.constant 112 : index
    %get3A_379 = tpu.vector_load %arg7[%get3A_377, %get3A_378] {strides = array<i32>} : memref<25x128xi32, #tpu.memory_space<vmem>>, vector<16xi32>,
    tpu.vector_store_idx %arg9[%get3A_379], %broadcast_in_dim3A_72 {add = true} : memref<544xf32, #tpu.memory_space<vmem>>[vector<16xi32>], vector<16xf32>,
    %run_scoped3A_380 = arith.constant 9 : i32
    "tpu.region"() ({
      %run_scoped3A_929 = tpu.sem_alloc : memref<!tpu.dma_semaphore, #tpu.memory_space<semaphore_mem>>
      %dma_start3A = arith.constant 512 : i32
      %dma_start3A_930 = arith.constant 0 : i32
      %dma_start3A_931 = tpu.memref_slice %arg8[%dma_start3A, %dma_start3A_930] : memref<640x128xf32, #tpu.memory_space<vmem>> -> memref<128x128xf32, #tpu.memory_space<vmem>>
      %dma_start3A_932 = arith.constant 0 : i32
      %dma_start3A_933 = tpu.memref_slice %arg7[%run_scoped3A_380, %dma_start3A_932] : memref<25x128xi32, #tpu.memory_space<vmem>> -> memref<1x128xi32, #tpu.memory_space<vmem>>
      %dma_start3A_934 = tpu.memref_squeeze %dma_start3A_933 : memref<1x128xi32, #tpu.memory_space<vmem>> -> memref<128xi32, #tpu.memory_space<vmem>>
      %dma_start3A_935 = arith.constant 0 : i32
      %dma_start3A_936 = arith.constant 0 : i32
      %dma_start3A_937 = tpu.memref_slice %arg10[%dma_start3A_935, %dma_start3A_936] : memref<513x128xf32, #tpu.memory_space<vmem_shared>> -> memref<513x128xf32, #tpu.memory_space<vmem_shared>>
      tpu.enqueue_indirect_dma source(%dma_start3A_931 : memref<128x128xf32, #tpu.memory_space<vmem>>) target(%dma_start3A_937 : memref<513x128xf32, #tpu.memory_space<vmem_shared>>) offsets(%dma_start3A_934 : memref<128xi32, #tpu.memory_space<vmem>>) semaphore(%run_scoped3A_929 : memref<!tpu.dma_semaphore, #tpu.memory_space<semaphore_mem>>) {add = true}
      %dma_wait3A = arith.constant 512 : i32
      %dma_wait3A_938 = arith.constant 0 : i32
      %dma_wait3A_939 = tpu.memref_slice %arg8[%dma_wait3A, %dma_wait3A_938] : memref<640x128xf32, #tpu.memory_space<vmem>> -> memref<128x128xf32, #tpu.memory_space<vmem>>
      %dma_wait3A_940 = arith.constant 0 : i32
      %dma_wait3A_941 = tpu.memref_slice %arg7[%run_scoped3A_380, %dma_wait3A_940] : memref<25x128xi32, #tpu.memory_space<vmem>> -> memref<1x128xi32, #tpu.memory_space<vmem>>
      %dma_wait3A_942 = tpu.memref_squeeze %dma_wait3A_941 : memref<1x128xi32, #tpu.memory_space<vmem>> -> memref<128xi32, #tpu.memory_space<vmem>>
      %dma_wait3A_943 = arith.constant 0 : i32
      %dma_wait3A_944 = arith.constant 0 : i32
      %dma_wait3A_945 = tpu.memref_slice %arg10[%dma_wait3A_943, %dma_wait3A_944] : memref<513x128xf32, #tpu.memory_space<vmem_shared>> -> memref<513x128xf32, #tpu.memory_space<vmem_shared>>
      tpu.wait_indirect_dma semaphore(%run_scoped3A_929 : memref<!tpu.dma_semaphore, #tpu.memory_space<semaphore_mem>>) src(%dma_wait3A_939 : memref<128x128xf32, #tpu.memory_space<vmem>>) dst(%dma_wait3A_945 : memref<513x128xf32, #tpu.memory_space<vmem_shared>>)
      tpu.yield
    }) : () -> ()
    %get3A_381 = arith.constant 9 : i32
    %get3A_382 = arith.index_cast %get3A_381 : i32 to index
    %get3A_383 = arith.constant 0 : index
    %get3A_384 = tpu.vector_load %arg7[%get3A_382, %get3A_383] {strides = array<i32>} : memref<25x128xi32, #tpu.memory_space<vmem>>, vector<16xi32>,
    tpu.vector_store_idx %arg9[%get3A_384], %broadcast_in_dim3A_72 {add = true} : memref<544xf32, #tpu.memory_space<vmem>>[vector<16xi32>], vector<16xf32>,
    %get3A_385 = arith.constant 9 : i32
    %get3A_386 = arith.index_cast %get3A_385 : i32 to index
    %get3A_387 = arith.constant 16 : index
    %get3A_388 = tpu.vector_load %arg7[%get3A_386, %get3A_387] {strides = array<i32>} : memref<25x128xi32, #tpu.memory_space<vmem>>, vector<16xi32>,
    tpu.vector_store_idx %arg9[%get3A_388], %broadcast_in_dim3A_72 {add = true} : memref<544xf32, #tpu.memory_space<vmem>>[vector<16xi32>], vector<16xf32>,
    %get3A_389 = arith.constant 9 : i32
    %get3A_390 = arith.index_cast %get3A_389 : i32 to index
    %get3A_391 = arith.constant 32 : index
    %get3A_392 = tpu.vector_load %arg7[%get3A_390, %get3A_391] {strides = array<i32>} : memref<25x128xi32, #tpu.memory_space<vmem>>, vector<16xi32>,
    tpu.vector_store_idx %arg9[%get3A_392], %broadcast_in_dim3A_72 {add = true} : memref<544xf32, #tpu.memory_space<vmem>>[vector<16xi32>], vector<16xf32>,
    %get3A_393 = arith.constant 9 : i32
    %get3A_394 = arith.index_cast %get3A_393 : i32 to index
    %get3A_395 = arith.constant 48 : index
    %get3A_396 = tpu.vector_load %arg7[%get3A_394, %get3A_395] {strides = array<i32>} : memref<25x128xi32, #tpu.memory_space<vmem>>, vector<16xi32>,
    tpu.vector_store_idx %arg9[%get3A_396], %broadcast_in_dim3A_72 {add = true} : memref<544xf32, #tpu.memory_space<vmem>>[vector<16xi32>], vector<16xf32>,
    %get3A_397 = arith.constant 9 : i32
    %get3A_398 = arith.index_cast %get3A_397 : i32 to index
    %get3A_399 = arith.constant 64 : index
    %get3A_400 = tpu.vector_load %arg7[%get3A_398, %get3A_399] {strides = array<i32>} : memref<25x128xi32, #tpu.memory_space<vmem>>, vector<16xi32>,
    tpu.vector_store_idx %arg9[%get3A_400], %broadcast_in_dim3A_72 {add = true} : memref<544xf32, #tpu.memory_space<vmem>>[vector<16xi32>], vector<16xf32>,
    %get3A_401 = arith.constant 9 : i32
    %get3A_402 = arith.index_cast %get3A_401 : i32 to index
    %get3A_403 = arith.constant 80 : index
    %get3A_404 = tpu.vector_load %arg7[%get3A_402, %get3A_403] {strides = array<i32>} : memref<25x128xi32, #tpu.memory_space<vmem>>, vector<16xi32>,
    tpu.vector_store_idx %arg9[%get3A_404], %broadcast_in_dim3A_72 {add = true} : memref<544xf32, #tpu.memory_space<vmem>>[vector<16xi32>], vector<16xf32>,
    %get3A_405 = arith.constant 9 : i32
    %get3A_406 = arith.index_cast %get3A_405 : i32 to index
    %get3A_407 = arith.constant 96 : index
    %get3A_408 = tpu.vector_load %arg7[%get3A_406, %get3A_407] {strides = array<i32>} : memref<25x128xi32, #tpu.memory_space<vmem>>, vector<16xi32>,
    tpu.vector_store_idx %arg9[%get3A_408], %broadcast_in_dim3A_72 {add = true} : memref<544xf32, #tpu.memory_space<vmem>>[vector<16xi32>], vector<16xf32>,
    %get3A_409 = arith.constant 9 : i32
    %get3A_410 = arith.index_cast %get3A_409 : i32 to index
    %get3A_411 = arith.constant 112 : index
    %get3A_412 = tpu.vector_load %arg7[%get3A_410, %get3A_411] {strides = array<i32>} : memref<25x128xi32, #tpu.memory_space<vmem>>, vector<16xi32>,
    tpu.vector_store_idx %arg9[%get3A_412], %broadcast_in_dim3A_72 {add = true} : memref<544xf32, #tpu.memory_space<vmem>>[vector<16xi32>], vector<16xf32>,
    %add3A_413 = arith.constant 64 : i32
    %add3A_414 = arith.addi %add3A, %add3A_413 : i32
    %mul3A_415 = arith.constant 5 : i32
    %mul3A_416 = arith.muli %add3A_414, %mul3A_415 : i32
    %mul3A_417 = arith.constant 128 : i32
    %mul3A_418 = arith.muli %mul3A_416, %mul3A_417 : i32
    "tpu.region"() ({
      %run_scoped3A_929 = tpu.sem_alloc : memref<!tpu.dma_semaphore, #tpu.memory_space<semaphore_mem>>
      %dma_start3A = arith.constant 0 : i32
      %dma_start3A_930 = tpu.memref_slice %arg2[%mul3A_418, %dma_start3A] : memref<102400x128xf32, #tpu.memory_space<hbm>> -> memref<640x128xf32, #tpu.memory_space<hbm>>
      %dma_start3A_931 = arith.constant 0 : i32
      %dma_start3A_932 = tpu.memref_slice %arg2[%mul3A_418, %dma_start3A_931] : memref<102400x128xf32, #tpu.memory_space<hbm>> -> memref<640x128xf32, #tpu.memory_space<hbm>>
      tpu.enqueue_dma source(%dma_start3A_932 : memref<640x128xf32, #tpu.memory_space<hbm>>) target(%arg8 : memref<640x128xf32, #tpu.memory_space<vmem>>) target_semaphore(%run_scoped3A_929 : memref<!tpu.dma_semaphore, #tpu.memory_space<semaphore_mem>>)
      %dma_wait3A = arith.constant 0 : i32
      %dma_wait3A_933 = tpu.memref_slice %arg2[%mul3A_418, %dma_wait3A] : memref<102400x128xf32, #tpu.memory_space<hbm>> -> memref<640x128xf32, #tpu.memory_space<hbm>>
      %dma_wait3A_934 = arith.constant 0 : i32
      %dma_wait3A_935 = tpu.memref_slice %arg2[%mul3A_418, %dma_wait3A_934] : memref<102400x128xf32, #tpu.memory_space<hbm>> -> memref<640x128xf32, #tpu.memory_space<hbm>>
      tpu.wait_dma2 semaphore(%run_scoped3A_929 : memref<!tpu.dma_semaphore, #tpu.memory_space<semaphore_mem>>) src(%dma_wait3A_935 : memref<640x128xf32, #tpu.memory_space<hbm>>) dst(%arg8 : memref<640x128xf32, #tpu.memory_space<vmem>>)
      tpu.yield
    }) : () -> ()
    %run_scoped3A_419 = arith.constant 10 : i32
    "tpu.region"() ({
      %run_scoped3A_929 = tpu.sem_alloc : memref<!tpu.dma_semaphore, #tpu.memory_space<semaphore_mem>>
      %dma_start3A = arith.constant 0 : i32
      %dma_start3A_930 = arith.constant 0 : i32
      %dma_start3A_931 = tpu.memref_slice %arg8[%dma_start3A, %dma_start3A_930] : memref<640x128xf32, #tpu.memory_space<vmem>> -> memref<128x128xf32, #tpu.memory_space<vmem>>
      %dma_start3A_932 = arith.constant 0 : i32
      %dma_start3A_933 = tpu.memref_slice %arg7[%run_scoped3A_419, %dma_start3A_932] : memref<25x128xi32, #tpu.memory_space<vmem>> -> memref<1x128xi32, #tpu.memory_space<vmem>>
      %dma_start3A_934 = tpu.memref_squeeze %dma_start3A_933 : memref<1x128xi32, #tpu.memory_space<vmem>> -> memref<128xi32, #tpu.memory_space<vmem>>
      %dma_start3A_935 = arith.constant 0 : i32
      %dma_start3A_936 = arith.constant 0 : i32
      %dma_start3A_937 = tpu.memref_slice %arg10[%dma_start3A_935, %dma_start3A_936] : memref<513x128xf32, #tpu.memory_space<vmem_shared>> -> memref<513x128xf32, #tpu.memory_space<vmem_shared>>
      tpu.enqueue_indirect_dma source(%dma_start3A_931 : memref<128x128xf32, #tpu.memory_space<vmem>>) target(%dma_start3A_937 : memref<513x128xf32, #tpu.memory_space<vmem_shared>>) offsets(%dma_start3A_934 : memref<128xi32, #tpu.memory_space<vmem>>) semaphore(%run_scoped3A_929 : memref<!tpu.dma_semaphore, #tpu.memory_space<semaphore_mem>>) {add = true}
      %dma_wait3A = arith.constant 0 : i32
      %dma_wait3A_938 = arith.constant 0 : i32
      %dma_wait3A_939 = tpu.memref_slice %arg8[%dma_wait3A, %dma_wait3A_938] : memref<640x128xf32, #tpu.memory_space<vmem>> -> memref<128x128xf32, #tpu.memory_space<vmem>>
      %dma_wait3A_940 = arith.constant 0 : i32
      %dma_wait3A_941 = tpu.memref_slice %arg7[%run_scoped3A_419, %dma_wait3A_940] : memref<25x128xi32, #tpu.memory_space<vmem>> -> memref<1x128xi32, #tpu.memory_space<vmem>>
      %dma_wait3A_942 = tpu.memref_squeeze %dma_wait3A_941 : memref<1x128xi32, #tpu.memory_space<vmem>> -> memref<128xi32, #tpu.memory_space<vmem>>
      %dma_wait3A_943 = arith.constant 0 : i32
      %dma_wait3A_944 = arith.constant 0 : i32
      %dma_wait3A_945 = tpu.memref_slice %arg10[%dma_wait3A_943, %dma_wait3A_944] : memref<513x128xf32, #tpu.memory_space<vmem_shared>> -> memref<513x128xf32, #tpu.memory_space<vmem_shared>>
      tpu.wait_indirect_dma semaphore(%run_scoped3A_929 : memref<!tpu.dma_semaphore, #tpu.memory_space<semaphore_mem>>) src(%dma_wait3A_939 : memref<128x128xf32, #tpu.memory_space<vmem>>) dst(%dma_wait3A_945 : memref<513x128xf32, #tpu.memory_space<vmem_shared>>)
      tpu.yield
    }) : () -> ()
    %get3A_420 = arith.constant 10 : i32
    %get3A_421 = arith.index_cast %get3A_420 : i32 to index
    %get3A_422 = arith.constant 0 : index
    %get3A_423 = tpu.vector_load %arg7[%get3A_421, %get3A_422] {strides = array<i32>} : memref<25x128xi32, #tpu.memory_space<vmem>>, vector<16xi32>,
    tpu.vector_store_idx %arg9[%get3A_423], %broadcast_in_dim3A_72 {add = true} : memref<544xf32, #tpu.memory_space<vmem>>[vector<16xi32>], vector<16xf32>,
    %get3A_424 = arith.constant 10 : i32
    %get3A_425 = arith.index_cast %get3A_424 : i32 to index
    %get3A_426 = arith.constant 16 : index
    %get3A_427 = tpu.vector_load %arg7[%get3A_425, %get3A_426] {strides = array<i32>} : memref<25x128xi32, #tpu.memory_space<vmem>>, vector<16xi32>,
    tpu.vector_store_idx %arg9[%get3A_427], %broadcast_in_dim3A_72 {add = true} : memref<544xf32, #tpu.memory_space<vmem>>[vector<16xi32>], vector<16xf32>,
    %get3A_428 = arith.constant 10 : i32
    %get3A_429 = arith.index_cast %get3A_428 : i32 to index
    %get3A_430 = arith.constant 32 : index
    %get3A_431 = tpu.vector_load %arg7[%get3A_429, %get3A_430] {strides = array<i32>} : memref<25x128xi32, #tpu.memory_space<vmem>>, vector<16xi32>,
    tpu.vector_store_idx %arg9[%get3A_431], %broadcast_in_dim3A_72 {add = true} : memref<544xf32, #tpu.memory_space<vmem>>[vector<16xi32>], vector<16xf32>,
    %get3A_432 = arith.constant 10 : i32
    %get3A_433 = arith.index_cast %get3A_432 : i32 to index
    %get3A_434 = arith.constant 48 : index
    %get3A_435 = tpu.vector_load %arg7[%get3A_433, %get3A_434] {strides = array<i32>} : memref<25x128xi32, #tpu.memory_space<vmem>>, vector<16xi32>,
    tpu.vector_store_idx %arg9[%get3A_435], %broadcast_in_dim3A_72 {add = true} : memref<544xf32, #tpu.memory_space<vmem>>[vector<16xi32>], vector<16xf32>,
    %get3A_436 = arith.constant 10 : i32
    %get3A_437 = arith.index_cast %get3A_436 : i32 to index
    %get3A_438 = arith.constant 64 : index
    %get3A_439 = tpu.vector_load %arg7[%get3A_437, %get3A_438] {strides = array<i32>} : memref<25x128xi32, #tpu.memory_space<vmem>>, vector<16xi32>,
    tpu.vector_store_idx %arg9[%get3A_439], %broadcast_in_dim3A_72 {add = true} : memref<544xf32, #tpu.memory_space<vmem>>[vector<16xi32>], vector<16xf32>,
    %get3A_440 = arith.constant 10 : i32
    %get3A_441 = arith.index_cast %get3A_440 : i32 to index
    %get3A_442 = arith.constant 80 : index
    %get3A_443 = tpu.vector_load %arg7[%get3A_441, %get3A_442] {strides = array<i32>} : memref<25x128xi32, #tpu.memory_space<vmem>>, vector<16xi32>,
    tpu.vector_store_idx %arg9[%get3A_443], %broadcast_in_dim3A_72 {add = true} : memref<544xf32, #tpu.memory_space<vmem>>[vector<16xi32>], vector<16xf32>,
    %get3A_444 = arith.constant 10 : i32
    %get3A_445 = arith.index_cast %get3A_444 : i32 to index
    %get3A_446 = arith.constant 96 : index
    %get3A_447 = tpu.vector_load %arg7[%get3A_445, %get3A_446] {strides = array<i32>} : memref<25x128xi32, #tpu.memory_space<vmem>>, vector<16xi32>,
    tpu.vector_store_idx %arg9[%get3A_447], %broadcast_in_dim3A_72 {add = true} : memref<544xf32, #tpu.memory_space<vmem>>[vector<16xi32>], vector<16xf32>,
    %get3A_448 = arith.constant 10 : i32
    %get3A_449 = arith.index_cast %get3A_448 : i32 to index
    %get3A_450 = arith.constant 112 : index
    %get3A_451 = tpu.vector_load %arg7[%get3A_449, %get3A_450] {strides = array<i32>} : memref<25x128xi32, #tpu.memory_space<vmem>>, vector<16xi32>,
    tpu.vector_store_idx %arg9[%get3A_451], %broadcast_in_dim3A_72 {add = true} : memref<544xf32, #tpu.memory_space<vmem>>[vector<16xi32>], vector<16xf32>,
    %run_scoped3A_452 = arith.constant 11 : i32
    "tpu.region"() ({
      %run_scoped3A_929 = tpu.sem_alloc : memref<!tpu.dma_semaphore, #tpu.memory_space<semaphore_mem>>
      %dma_start3A = arith.constant 128 : i32
      %dma_start3A_930 = arith.constant 0 : i32
      %dma_start3A_931 = tpu.memref_slice %arg8[%dma_start3A, %dma_start3A_930] : memref<640x128xf32, #tpu.memory_space<vmem>> -> memref<128x128xf32, #tpu.memory_space<vmem>>
      %dma_start3A_932 = arith.constant 0 : i32
      %dma_start3A_933 = tpu.memref_slice %arg7[%run_scoped3A_452, %dma_start3A_932] : memref<25x128xi32, #tpu.memory_space<vmem>> -> memref<1x128xi32, #tpu.memory_space<vmem>>
      %dma_start3A_934 = tpu.memref_squeeze %dma_start3A_933 : memref<1x128xi32, #tpu.memory_space<vmem>> -> memref<128xi32, #tpu.memory_space<vmem>>
      %dma_start3A_935 = arith.constant 0 : i32
      %dma_start3A_936 = arith.constant 0 : i32
      %dma_start3A_937 = tpu.memref_slice %arg10[%dma_start3A_935, %dma_start3A_936] : memref<513x128xf32, #tpu.memory_space<vmem_shared>> -> memref<513x128xf32, #tpu.memory_space<vmem_shared>>
      tpu.enqueue_indirect_dma source(%dma_start3A_931 : memref<128x128xf32, #tpu.memory_space<vmem>>) target(%dma_start3A_937 : memref<513x128xf32, #tpu.memory_space<vmem_shared>>) offsets(%dma_start3A_934 : memref<128xi32, #tpu.memory_space<vmem>>) semaphore(%run_scoped3A_929 : memref<!tpu.dma_semaphore, #tpu.memory_space<semaphore_mem>>) {add = true}
      %dma_wait3A = arith.constant 128 : i32
      %dma_wait3A_938 = arith.constant 0 : i32
      %dma_wait3A_939 = tpu.memref_slice %arg8[%dma_wait3A, %dma_wait3A_938] : memref<640x128xf32, #tpu.memory_space<vmem>> -> memref<128x128xf32, #tpu.memory_space<vmem>>
      %dma_wait3A_940 = arith.constant 0 : i32
      %dma_wait3A_941 = tpu.memref_slice %arg7[%run_scoped3A_452, %dma_wait3A_940] : memref<25x128xi32, #tpu.memory_space<vmem>> -> memref<1x128xi32, #tpu.memory_space<vmem>>
      %dma_wait3A_942 = tpu.memref_squeeze %dma_wait3A_941 : memref<1x128xi32, #tpu.memory_space<vmem>> -> memref<128xi32, #tpu.memory_space<vmem>>
      %dma_wait3A_943 = arith.constant 0 : i32
      %dma_wait3A_944 = arith.constant 0 : i32
      %dma_wait3A_945 = tpu.memref_slice %arg10[%dma_wait3A_943, %dma_wait3A_944] : memref<513x128xf32, #tpu.memory_space<vmem_shared>> -> memref<513x128xf32, #tpu.memory_space<vmem_shared>>
      tpu.wait_indirect_dma semaphore(%run_scoped3A_929 : memref<!tpu.dma_semaphore, #tpu.memory_space<semaphore_mem>>) src(%dma_wait3A_939 : memref<128x128xf32, #tpu.memory_space<vmem>>) dst(%dma_wait3A_945 : memref<513x128xf32, #tpu.memory_space<vmem_shared>>)
      tpu.yield
    }) : () -> ()
    %get3A_453 = arith.constant 11 : i32
    %get3A_454 = arith.index_cast %get3A_453 : i32 to index
    %get3A_455 = arith.constant 0 : index
    %get3A_456 = tpu.vector_load %arg7[%get3A_454, %get3A_455] {strides = array<i32>} : memref<25x128xi32, #tpu.memory_space<vmem>>, vector<16xi32>,
    tpu.vector_store_idx %arg9[%get3A_456], %broadcast_in_dim3A_72 {add = true} : memref<544xf32, #tpu.memory_space<vmem>>[vector<16xi32>], vector<16xf32>,
    %get3A_457 = arith.constant 11 : i32
    %get3A_458 = arith.index_cast %get3A_457 : i32 to index
    %get3A_459 = arith.constant 16 : index
    %get3A_460 = tpu.vector_load %arg7[%get3A_458, %get3A_459] {strides = array<i32>} : memref<25x128xi32, #tpu.memory_space<vmem>>, vector<16xi32>,
    tpu.vector_store_idx %arg9[%get3A_460], %broadcast_in_dim3A_72 {add = true} : memref<544xf32, #tpu.memory_space<vmem>>[vector<16xi32>], vector<16xf32>,
    %get3A_461 = arith.constant 11 : i32
    %get3A_462 = arith.index_cast %get3A_461 : i32 to index
    %get3A_463 = arith.constant 32 : index
    %get3A_464 = tpu.vector_load %arg7[%get3A_462, %get3A_463] {strides = array<i32>} : memref<25x128xi32, #tpu.memory_space<vmem>>, vector<16xi32>,
    tpu.vector_store_idx %arg9[%get3A_464], %broadcast_in_dim3A_72 {add = true} : memref<544xf32, #tpu.memory_space<vmem>>[vector<16xi32>], vector<16xf32>,
    %get3A_465 = arith.constant 11 : i32
    %get3A_466 = arith.index_cast %get3A_465 : i32 to index
    %get3A_467 = arith.constant 48 : index
    %get3A_468 = tpu.vector_load %arg7[%get3A_466, %get3A_467] {strides = array<i32>} : memref<25x128xi32, #tpu.memory_space<vmem>>, vector<16xi32>,
    tpu.vector_store_idx %arg9[%get3A_468], %broadcast_in_dim3A_72 {add = true} : memref<544xf32, #tpu.memory_space<vmem>>[vector<16xi32>], vector<16xf32>,
    %get3A_469 = arith.constant 11 : i32
    %get3A_470 = arith.index_cast %get3A_469 : i32 to index
    %get3A_471 = arith.constant 64 : index
    %get3A_472 = tpu.vector_load %arg7[%get3A_470, %get3A_471] {strides = array<i32>} : memref<25x128xi32, #tpu.memory_space<vmem>>, vector<16xi32>,
    tpu.vector_store_idx %arg9[%get3A_472], %broadcast_in_dim3A_72 {add = true} : memref<544xf32, #tpu.memory_space<vmem>>[vector<16xi32>], vector<16xf32>,
    %get3A_473 = arith.constant 11 : i32
    %get3A_474 = arith.index_cast %get3A_473 : i32 to index
    %get3A_475 = arith.constant 80 : index
    %get3A_476 = tpu.vector_load %arg7[%get3A_474, %get3A_475] {strides = array<i32>} : memref<25x128xi32, #tpu.memory_space<vmem>>, vector<16xi32>,
    tpu.vector_store_idx %arg9[%get3A_476], %broadcast_in_dim3A_72 {add = true} : memref<544xf32, #tpu.memory_space<vmem>>[vector<16xi32>], vector<16xf32>,
    %get3A_477 = arith.constant 11 : i32
    %get3A_478 = arith.index_cast %get3A_477 : i32 to index
    %get3A_479 = arith.constant 96 : index
    %get3A_480 = tpu.vector_load %arg7[%get3A_478, %get3A_479] {strides = array<i32>} : memref<25x128xi32, #tpu.memory_space<vmem>>, vector<16xi32>,
    tpu.vector_store_idx %arg9[%get3A_480], %broadcast_in_dim3A_72 {add = true} : memref<544xf32, #tpu.memory_space<vmem>>[vector<16xi32>], vector<16xf32>,
    %get3A_481 = arith.constant 11 : i32
    %get3A_482 = arith.index_cast %get3A_481 : i32 to index
    %get3A_483 = arith.constant 112 : index
    %get3A_484 = tpu.vector_load %arg7[%get3A_482, %get3A_483] {strides = array<i32>} : memref<25x128xi32, #tpu.memory_space<vmem>>, vector<16xi32>,
    tpu.vector_store_idx %arg9[%get3A_484], %broadcast_in_dim3A_72 {add = true} : memref<544xf32, #tpu.memory_space<vmem>>[vector<16xi32>], vector<16xf32>,
    %run_scoped3A_485 = arith.constant 12 : i32
    "tpu.region"() ({
      %run_scoped3A_929 = tpu.sem_alloc : memref<!tpu.dma_semaphore, #tpu.memory_space<semaphore_mem>>
      %dma_start3A = arith.constant 256 : i32
      %dma_start3A_930 = arith.constant 0 : i32
      %dma_start3A_931 = tpu.memref_slice %arg8[%dma_start3A, %dma_start3A_930] : memref<640x128xf32, #tpu.memory_space<vmem>> -> memref<128x128xf32, #tpu.memory_space<vmem>>
      %dma_start3A_932 = arith.constant 0 : i32
      %dma_start3A_933 = tpu.memref_slice %arg7[%run_scoped3A_485, %dma_start3A_932] : memref<25x128xi32, #tpu.memory_space<vmem>> -> memref<1x128xi32, #tpu.memory_space<vmem>>
      %dma_start3A_934 = tpu.memref_squeeze %dma_start3A_933 : memref<1x128xi32, #tpu.memory_space<vmem>> -> memref<128xi32, #tpu.memory_space<vmem>>
      %dma_start3A_935 = arith.constant 0 : i32
      %dma_start3A_936 = arith.constant 0 : i32
      %dma_start3A_937 = tpu.memref_slice %arg10[%dma_start3A_935, %dma_start3A_936] : memref<513x128xf32, #tpu.memory_space<vmem_shared>> -> memref<513x128xf32, #tpu.memory_space<vmem_shared>>
      tpu.enqueue_indirect_dma source(%dma_start3A_931 : memref<128x128xf32, #tpu.memory_space<vmem>>) target(%dma_start3A_937 : memref<513x128xf32, #tpu.memory_space<vmem_shared>>) offsets(%dma_start3A_934 : memref<128xi32, #tpu.memory_space<vmem>>) semaphore(%run_scoped3A_929 : memref<!tpu.dma_semaphore, #tpu.memory_space<semaphore_mem>>) {add = true}
      %dma_wait3A = arith.constant 256 : i32
      %dma_wait3A_938 = arith.constant 0 : i32
      %dma_wait3A_939 = tpu.memref_slice %arg8[%dma_wait3A, %dma_wait3A_938] : memref<640x128xf32, #tpu.memory_space<vmem>> -> memref<128x128xf32, #tpu.memory_space<vmem>>
      %dma_wait3A_940 = arith.constant 0 : i32
      %dma_wait3A_941 = tpu.memref_slice %arg7[%run_scoped3A_485, %dma_wait3A_940] : memref<25x128xi32, #tpu.memory_space<vmem>> -> memref<1x128xi32, #tpu.memory_space<vmem>>
      %dma_wait3A_942 = tpu.memref_squeeze %dma_wait3A_941 : memref<1x128xi32, #tpu.memory_space<vmem>> -> memref<128xi32, #tpu.memory_space<vmem>>
      %dma_wait3A_943 = arith.constant 0 : i32
      %dma_wait3A_944 = arith.constant 0 : i32
      %dma_wait3A_945 = tpu.memref_slice %arg10[%dma_wait3A_943, %dma_wait3A_944] : memref<513x128xf32, #tpu.memory_space<vmem_shared>> -> memref<513x128xf32, #tpu.memory_space<vmem_shared>>
      tpu.wait_indirect_dma semaphore(%run_scoped3A_929 : memref<!tpu.dma_semaphore, #tpu.memory_space<semaphore_mem>>) src(%dma_wait3A_939 : memref<128x128xf32, #tpu.memory_space<vmem>>) dst(%dma_wait3A_945 : memref<513x128xf32, #tpu.memory_space<vmem_shared>>)
      tpu.yield
    }) : () -> ()
    %get3A_486 = arith.constant 12 : i32
    %get3A_487 = arith.index_cast %get3A_486 : i32 to index
    %get3A_488 = arith.constant 0 : index
    %get3A_489 = tpu.vector_load %arg7[%get3A_487, %get3A_488] {strides = array<i32>} : memref<25x128xi32, #tpu.memory_space<vmem>>, vector<16xi32>,
    tpu.vector_store_idx %arg9[%get3A_489], %broadcast_in_dim3A_72 {add = true} : memref<544xf32, #tpu.memory_space<vmem>>[vector<16xi32>], vector<16xf32>,
    %get3A_490 = arith.constant 12 : i32
    %get3A_491 = arith.index_cast %get3A_490 : i32 to index
    %get3A_492 = arith.constant 16 : index
    %get3A_493 = tpu.vector_load %arg7[%get3A_491, %get3A_492] {strides = array<i32>} : memref<25x128xi32, #tpu.memory_space<vmem>>, vector<16xi32>,
    tpu.vector_store_idx %arg9[%get3A_493], %broadcast_in_dim3A_72 {add = true} : memref<544xf32, #tpu.memory_space<vmem>>[vector<16xi32>], vector<16xf32>,
    %get3A_494 = arith.constant 12 : i32
    %get3A_495 = arith.index_cast %get3A_494 : i32 to index
    %get3A_496 = arith.constant 32 : index
    %get3A_497 = tpu.vector_load %arg7[%get3A_495, %get3A_496] {strides = array<i32>} : memref<25x128xi32, #tpu.memory_space<vmem>>, vector<16xi32>,
    tpu.vector_store_idx %arg9[%get3A_497], %broadcast_in_dim3A_72 {add = true} : memref<544xf32, #tpu.memory_space<vmem>>[vector<16xi32>], vector<16xf32>,
    %get3A_498 = arith.constant 12 : i32
    %get3A_499 = arith.index_cast %get3A_498 : i32 to index
    %get3A_500 = arith.constant 48 : index
    %get3A_501 = tpu.vector_load %arg7[%get3A_499, %get3A_500] {strides = array<i32>} : memref<25x128xi32, #tpu.memory_space<vmem>>, vector<16xi32>,
    tpu.vector_store_idx %arg9[%get3A_501], %broadcast_in_dim3A_72 {add = true} : memref<544xf32, #tpu.memory_space<vmem>>[vector<16xi32>], vector<16xf32>,
    %get3A_502 = arith.constant 12 : i32
    %get3A_503 = arith.index_cast %get3A_502 : i32 to index
    %get3A_504 = arith.constant 64 : index
    %get3A_505 = tpu.vector_load %arg7[%get3A_503, %get3A_504] {strides = array<i32>} : memref<25x128xi32, #tpu.memory_space<vmem>>, vector<16xi32>,
    tpu.vector_store_idx %arg9[%get3A_505], %broadcast_in_dim3A_72 {add = true} : memref<544xf32, #tpu.memory_space<vmem>>[vector<16xi32>], vector<16xf32>,
    %get3A_506 = arith.constant 12 : i32
    %get3A_507 = arith.index_cast %get3A_506 : i32 to index
    %get3A_508 = arith.constant 80 : index
    %get3A_509 = tpu.vector_load %arg7[%get3A_507, %get3A_508] {strides = array<i32>} : memref<25x128xi32, #tpu.memory_space<vmem>>, vector<16xi32>,
    tpu.vector_store_idx %arg9[%get3A_509], %broadcast_in_dim3A_72 {add = true} : memref<544xf32, #tpu.memory_space<vmem>>[vector<16xi32>], vector<16xf32>,
    %get3A_510 = arith.constant 12 : i32
    %get3A_511 = arith.index_cast %get3A_510 : i32 to index
    %get3A_512 = arith.constant 96 : index
    %get3A_513 = tpu.vector_load %arg7[%get3A_511, %get3A_512] {strides = array<i32>} : memref<25x128xi32, #tpu.memory_space<vmem>>, vector<16xi32>,
    tpu.vector_store_idx %arg9[%get3A_513], %broadcast_in_dim3A_72 {add = true} : memref<544xf32, #tpu.memory_space<vmem>>[vector<16xi32>], vector<16xf32>,
    %get3A_514 = arith.constant 12 : i32
    %get3A_515 = arith.index_cast %get3A_514 : i32 to index
    %get3A_516 = arith.constant 112 : index
    %get3A_517 = tpu.vector_load %arg7[%get3A_515, %get3A_516] {strides = array<i32>} : memref<25x128xi32, #tpu.memory_space<vmem>>, vector<16xi32>,
    tpu.vector_store_idx %arg9[%get3A_517], %broadcast_in_dim3A_72 {add = true} : memref<544xf32, #tpu.memory_space<vmem>>[vector<16xi32>], vector<16xf32>,
    %run_scoped3A_518 = arith.constant 13 : i32
    "tpu.region"() ({
      %run_scoped3A_929 = tpu.sem_alloc : memref<!tpu.dma_semaphore, #tpu.memory_space<semaphore_mem>>
      %dma_start3A = arith.constant 384 : i32
      %dma_start3A_930 = arith.constant 0 : i32
      %dma_start3A_931 = tpu.memref_slice %arg8[%dma_start3A, %dma_start3A_930] : memref<640x128xf32, #tpu.memory_space<vmem>> -> memref<128x128xf32, #tpu.memory_space<vmem>>
      %dma_start3A_932 = arith.constant 0 : i32
      %dma_start3A_933 = tpu.memref_slice %arg7[%run_scoped3A_518, %dma_start3A_932] : memref<25x128xi32, #tpu.memory_space<vmem>> -> memref<1x128xi32, #tpu.memory_space<vmem>>
      %dma_start3A_934 = tpu.memref_squeeze %dma_start3A_933 : memref<1x128xi32, #tpu.memory_space<vmem>> -> memref<128xi32, #tpu.memory_space<vmem>>
      %dma_start3A_935 = arith.constant 0 : i32
      %dma_start3A_936 = arith.constant 0 : i32
      %dma_start3A_937 = tpu.memref_slice %arg10[%dma_start3A_935, %dma_start3A_936] : memref<513x128xf32, #tpu.memory_space<vmem_shared>> -> memref<513x128xf32, #tpu.memory_space<vmem_shared>>
      tpu.enqueue_indirect_dma source(%dma_start3A_931 : memref<128x128xf32, #tpu.memory_space<vmem>>) target(%dma_start3A_937 : memref<513x128xf32, #tpu.memory_space<vmem_shared>>) offsets(%dma_start3A_934 : memref<128xi32, #tpu.memory_space<vmem>>) semaphore(%run_scoped3A_929 : memref<!tpu.dma_semaphore, #tpu.memory_space<semaphore_mem>>) {add = true}
      %dma_wait3A = arith.constant 384 : i32
      %dma_wait3A_938 = arith.constant 0 : i32
      %dma_wait3A_939 = tpu.memref_slice %arg8[%dma_wait3A, %dma_wait3A_938] : memref<640x128xf32, #tpu.memory_space<vmem>> -> memref<128x128xf32, #tpu.memory_space<vmem>>
      %dma_wait3A_940 = arith.constant 0 : i32
      %dma_wait3A_941 = tpu.memref_slice %arg7[%run_scoped3A_518, %dma_wait3A_940] : memref<25x128xi32, #tpu.memory_space<vmem>> -> memref<1x128xi32, #tpu.memory_space<vmem>>
      %dma_wait3A_942 = tpu.memref_squeeze %dma_wait3A_941 : memref<1x128xi32, #tpu.memory_space<vmem>> -> memref<128xi32, #tpu.memory_space<vmem>>
      %dma_wait3A_943 = arith.constant 0 : i32
      %dma_wait3A_944 = arith.constant 0 : i32
      %dma_wait3A_945 = tpu.memref_slice %arg10[%dma_wait3A_943, %dma_wait3A_944] : memref<513x128xf32, #tpu.memory_space<vmem_shared>> -> memref<513x128xf32, #tpu.memory_space<vmem_shared>>
      tpu.wait_indirect_dma semaphore(%run_scoped3A_929 : memref<!tpu.dma_semaphore, #tpu.memory_space<semaphore_mem>>) src(%dma_wait3A_939 : memref<128x128xf32, #tpu.memory_space<vmem>>) dst(%dma_wait3A_945 : memref<513x128xf32, #tpu.memory_space<vmem_shared>>)
      tpu.yield
    }) : () -> ()
    %get3A_519 = arith.constant 13 : i32
    %get3A_520 = arith.index_cast %get3A_519 : i32 to index
    %get3A_521 = arith.constant 0 : index
    %get3A_522 = tpu.vector_load %arg7[%get3A_520, %get3A_521] {strides = array<i32>} : memref<25x128xi32, #tpu.memory_space<vmem>>, vector<16xi32>,
    tpu.vector_store_idx %arg9[%get3A_522], %broadcast_in_dim3A_72 {add = true} : memref<544xf32, #tpu.memory_space<vmem>>[vector<16xi32>], vector<16xf32>,
    %get3A_523 = arith.constant 13 : i32
    %get3A_524 = arith.index_cast %get3A_523 : i32 to index
    %get3A_525 = arith.constant 16 : index
    %get3A_526 = tpu.vector_load %arg7[%get3A_524, %get3A_525] {strides = array<i32>} : memref<25x128xi32, #tpu.memory_space<vmem>>, vector<16xi32>,
    tpu.vector_store_idx %arg9[%get3A_526], %broadcast_in_dim3A_72 {add = true} : memref<544xf32, #tpu.memory_space<vmem>>[vector<16xi32>], vector<16xf32>,
    %get3A_527 = arith.constant 13 : i32
    %get3A_528 = arith.index_cast %get3A_527 : i32 to index
    %get3A_529 = arith.constant 32 : index
    %get3A_530 = tpu.vector_load %arg7[%get3A_528, %get3A_529] {strides = array<i32>} : memref<25x128xi32, #tpu.memory_space<vmem>>, vector<16xi32>,
    tpu.vector_store_idx %arg9[%get3A_530], %broadcast_in_dim3A_72 {add = true} : memref<544xf32, #tpu.memory_space<vmem>>[vector<16xi32>], vector<16xf32>,
    %get3A_531 = arith.constant 13 : i32
    %get3A_532 = arith.index_cast %get3A_531 : i32 to index
    %get3A_533 = arith.constant 48 : index
    %get3A_534 = tpu.vector_load %arg7[%get3A_532, %get3A_533] {strides = array<i32>} : memref<25x128xi32, #tpu.memory_space<vmem>>, vector<16xi32>,
    tpu.vector_store_idx %arg9[%get3A_534], %broadcast_in_dim3A_72 {add = true} : memref<544xf32, #tpu.memory_space<vmem>>[vector<16xi32>], vector<16xf32>,
    %get3A_535 = arith.constant 13 : i32
    %get3A_536 = arith.index_cast %get3A_535 : i32 to index
    %get3A_537 = arith.constant 64 : index
    %get3A_538 = tpu.vector_load %arg7[%get3A_536, %get3A_537] {strides = array<i32>} : memref<25x128xi32, #tpu.memory_space<vmem>>, vector<16xi32>,
    tpu.vector_store_idx %arg9[%get3A_538], %broadcast_in_dim3A_72 {add = true} : memref<544xf32, #tpu.memory_space<vmem>>[vector<16xi32>], vector<16xf32>,
    %get3A_539 = arith.constant 13 : i32
    %get3A_540 = arith.index_cast %get3A_539 : i32 to index
    %get3A_541 = arith.constant 80 : index
    %get3A_542 = tpu.vector_load %arg7[%get3A_540, %get3A_541] {strides = array<i32>} : memref<25x128xi32, #tpu.memory_space<vmem>>, vector<16xi32>,
    tpu.vector_store_idx %arg9[%get3A_542], %broadcast_in_dim3A_72 {add = true} : memref<544xf32, #tpu.memory_space<vmem>>[vector<16xi32>], vector<16xf32>,
    %get3A_543 = arith.constant 13 : i32
    %get3A_544 = arith.index_cast %get3A_543 : i32 to index
    %get3A_545 = arith.constant 96 : index
    %get3A_546 = tpu.vector_load %arg7[%get3A_544, %get3A_545] {strides = array<i32>} : memref<25x128xi32, #tpu.memory_space<vmem>>, vector<16xi32>,
    tpu.vector_store_idx %arg9[%get3A_546], %broadcast_in_dim3A_72 {add = true} : memref<544xf32, #tpu.memory_space<vmem>>[vector<16xi32>], vector<16xf32>,
    %get3A_547 = arith.constant 13 : i32
    %get3A_548 = arith.index_cast %get3A_547 : i32 to index
    %get3A_549 = arith.constant 112 : index
    %get3A_550 = tpu.vector_load %arg7[%get3A_548, %get3A_549] {strides = array<i32>} : memref<25x128xi32, #tpu.memory_space<vmem>>, vector<16xi32>,
    tpu.vector_store_idx %arg9[%get3A_550], %broadcast_in_dim3A_72 {add = true} : memref<544xf32, #tpu.memory_space<vmem>>[vector<16xi32>], vector<16xf32>,
    %run_scoped3A_551 = arith.constant 14 : i32
    "tpu.region"() ({
      %run_scoped3A_929 = tpu.sem_alloc : memref<!tpu.dma_semaphore, #tpu.memory_space<semaphore_mem>>
      %dma_start3A = arith.constant 512 : i32
      %dma_start3A_930 = arith.constant 0 : i32
      %dma_start3A_931 = tpu.memref_slice %arg8[%dma_start3A, %dma_start3A_930] : memref<640x128xf32, #tpu.memory_space<vmem>> -> memref<128x128xf32, #tpu.memory_space<vmem>>
      %dma_start3A_932 = arith.constant 0 : i32
      %dma_start3A_933 = tpu.memref_slice %arg7[%run_scoped3A_551, %dma_start3A_932] : memref<25x128xi32, #tpu.memory_space<vmem>> -> memref<1x128xi32, #tpu.memory_space<vmem>>
      %dma_start3A_934 = tpu.memref_squeeze %dma_start3A_933 : memref<1x128xi32, #tpu.memory_space<vmem>> -> memref<128xi32, #tpu.memory_space<vmem>>
      %dma_start3A_935 = arith.constant 0 : i32
      %dma_start3A_936 = arith.constant 0 : i32
      %dma_start3A_937 = tpu.memref_slice %arg10[%dma_start3A_935, %dma_start3A_936] : memref<513x128xf32, #tpu.memory_space<vmem_shared>> -> memref<513x128xf32, #tpu.memory_space<vmem_shared>>
      tpu.enqueue_indirect_dma source(%dma_start3A_931 : memref<128x128xf32, #tpu.memory_space<vmem>>) target(%dma_start3A_937 : memref<513x128xf32, #tpu.memory_space<vmem_shared>>) offsets(%dma_start3A_934 : memref<128xi32, #tpu.memory_space<vmem>>) semaphore(%run_scoped3A_929 : memref<!tpu.dma_semaphore, #tpu.memory_space<semaphore_mem>>) {add = true}
      %dma_wait3A = arith.constant 512 : i32
      %dma_wait3A_938 = arith.constant 0 : i32
      %dma_wait3A_939 = tpu.memref_slice %arg8[%dma_wait3A, %dma_wait3A_938] : memref<640x128xf32, #tpu.memory_space<vmem>> -> memref<128x128xf32, #tpu.memory_space<vmem>>
      %dma_wait3A_940 = arith.constant 0 : i32
      %dma_wait3A_941 = tpu.memref_slice %arg7[%run_scoped3A_551, %dma_wait3A_940] : memref<25x128xi32, #tpu.memory_space<vmem>> -> memref<1x128xi32, #tpu.memory_space<vmem>>
      %dma_wait3A_942 = tpu.memref_squeeze %dma_wait3A_941 : memref<1x128xi32, #tpu.memory_space<vmem>> -> memref<128xi32, #tpu.memory_space<vmem>>
      %dma_wait3A_943 = arith.constant 0 : i32
      %dma_wait3A_944 = arith.constant 0 : i32
      %dma_wait3A_945 = tpu.memref_slice %arg10[%dma_wait3A_943, %dma_wait3A_944] : memref<513x128xf32, #tpu.memory_space<vmem_shared>> -> memref<513x128xf32, #tpu.memory_space<vmem_shared>>
      tpu.wait_indirect_dma semaphore(%run_scoped3A_929 : memref<!tpu.dma_semaphore, #tpu.memory_space<semaphore_mem>>) src(%dma_wait3A_939 : memref<128x128xf32, #tpu.memory_space<vmem>>) dst(%dma_wait3A_945 : memref<513x128xf32, #tpu.memory_space<vmem_shared>>)
      tpu.yield
    }) : () -> ()
    %get3A_552 = arith.constant 14 : i32
    %get3A_553 = arith.index_cast %get3A_552 : i32 to index
    %get3A_554 = arith.constant 0 : index
    %get3A_555 = tpu.vector_load %arg7[%get3A_553, %get3A_554] {strides = array<i32>} : memref<25x128xi32, #tpu.memory_space<vmem>>, vector<16xi32>,
    tpu.vector_store_idx %arg9[%get3A_555], %broadcast_in_dim3A_72 {add = true} : memref<544xf32, #tpu.memory_space<vmem>>[vector<16xi32>], vector<16xf32>,
    %get3A_556 = arith.constant 14 : i32
    %get3A_557 = arith.index_cast %get3A_556 : i32 to index
    %get3A_558 = arith.constant 16 : index
    %get3A_559 = tpu.vector_load %arg7[%get3A_557, %get3A_558] {strides = array<i32>} : memref<25x128xi32, #tpu.memory_space<vmem>>, vector<16xi32>,
    tpu.vector_store_idx %arg9[%get3A_559], %broadcast_in_dim3A_72 {add = true} : memref<544xf32, #tpu.memory_space<vmem>>[vector<16xi32>], vector<16xf32>,
    %get3A_560 = arith.constant 14 : i32
    %get3A_561 = arith.index_cast %get3A_560 : i32 to index
    %get3A_562 = arith.constant 32 : index
    %get3A_563 = tpu.vector_load %arg7[%get3A_561, %get3A_562] {strides = array<i32>} : memref<25x128xi32, #tpu.memory_space<vmem>>, vector<16xi32>,
    tpu.vector_store_idx %arg9[%get3A_563], %broadcast_in_dim3A_72 {add = true} : memref<544xf32, #tpu.memory_space<vmem>>[vector<16xi32>], vector<16xf32>,
    %get3A_564 = arith.constant 14 : i32
    %get3A_565 = arith.index_cast %get3A_564 : i32 to index
    %get3A_566 = arith.constant 48 : index
    %get3A_567 = tpu.vector_load %arg7[%get3A_565, %get3A_566] {strides = array<i32>} : memref<25x128xi32, #tpu.memory_space<vmem>>, vector<16xi32>,
    tpu.vector_store_idx %arg9[%get3A_567], %broadcast_in_dim3A_72 {add = true} : memref<544xf32, #tpu.memory_space<vmem>>[vector<16xi32>], vector<16xf32>,
    %get3A_568 = arith.constant 14 : i32
    %get3A_569 = arith.index_cast %get3A_568 : i32 to index
    %get3A_570 = arith.constant 64 : index
    %get3A_571 = tpu.vector_load %arg7[%get3A_569, %get3A_570] {strides = array<i32>} : memref<25x128xi32, #tpu.memory_space<vmem>>, vector<16xi32>,
    tpu.vector_store_idx %arg9[%get3A_571], %broadcast_in_dim3A_72 {add = true} : memref<544xf32, #tpu.memory_space<vmem>>[vector<16xi32>], vector<16xf32>,
    %get3A_572 = arith.constant 14 : i32
    %get3A_573 = arith.index_cast %get3A_572 : i32 to index
    %get3A_574 = arith.constant 80 : index
    %get3A_575 = tpu.vector_load %arg7[%get3A_573, %get3A_574] {strides = array<i32>} : memref<25x128xi32, #tpu.memory_space<vmem>>, vector<16xi32>,
    tpu.vector_store_idx %arg9[%get3A_575], %broadcast_in_dim3A_72 {add = true} : memref<544xf32, #tpu.memory_space<vmem>>[vector<16xi32>], vector<16xf32>,
    %get3A_576 = arith.constant 14 : i32
    %get3A_577 = arith.index_cast %get3A_576 : i32 to index
    %get3A_578 = arith.constant 96 : index
    %get3A_579 = tpu.vector_load %arg7[%get3A_577, %get3A_578] {strides = array<i32>} : memref<25x128xi32, #tpu.memory_space<vmem>>, vector<16xi32>,
    tpu.vector_store_idx %arg9[%get3A_579], %broadcast_in_dim3A_72 {add = true} : memref<544xf32, #tpu.memory_space<vmem>>[vector<16xi32>], vector<16xf32>,
    %get3A_580 = arith.constant 14 : i32
    %get3A_581 = arith.index_cast %get3A_580 : i32 to index
    %get3A_582 = arith.constant 112 : index
    %get3A_583 = tpu.vector_load %arg7[%get3A_581, %get3A_582] {strides = array<i32>} : memref<25x128xi32, #tpu.memory_space<vmem>>, vector<16xi32>,
    tpu.vector_store_idx %arg9[%get3A_583], %broadcast_in_dim3A_72 {add = true} : memref<544xf32, #tpu.memory_space<vmem>>[vector<16xi32>], vector<16xf32>,
    %add3A_584 = arith.constant 96 : i32
    %add3A_585 = arith.addi %add3A, %add3A_584 : i32
    %mul3A_586 = arith.constant 5 : i32
    %mul3A_587 = arith.muli %add3A_585, %mul3A_586 : i32
    %mul3A_588 = arith.constant 128 : i32
    %mul3A_589 = arith.muli %mul3A_587, %mul3A_588 : i32
    "tpu.region"() ({
      %run_scoped3A_929 = tpu.sem_alloc : memref<!tpu.dma_semaphore, #tpu.memory_space<semaphore_mem>>
      %dma_start3A = arith.constant 0 : i32
      %dma_start3A_930 = tpu.memref_slice %arg2[%mul3A_589, %dma_start3A] : memref<102400x128xf32, #tpu.memory_space<hbm>> -> memref<640x128xf32, #tpu.memory_space<hbm>>
      %dma_start3A_931 = arith.constant 0 : i32
      %dma_start3A_932 = tpu.memref_slice %arg2[%mul3A_589, %dma_start3A_931] : memref<102400x128xf32, #tpu.memory_space<hbm>> -> memref<640x128xf32, #tpu.memory_space<hbm>>
      tpu.enqueue_dma source(%dma_start3A_932 : memref<640x128xf32, #tpu.memory_space<hbm>>) target(%arg8 : memref<640x128xf32, #tpu.memory_space<vmem>>) target_semaphore(%run_scoped3A_929 : memref<!tpu.dma_semaphore, #tpu.memory_space<semaphore_mem>>)
      %dma_wait3A = arith.constant 0 : i32
      %dma_wait3A_933 = tpu.memref_slice %arg2[%mul3A_589, %dma_wait3A] : memref<102400x128xf32, #tpu.memory_space<hbm>> -> memref<640x128xf32, #tpu.memory_space<hbm>>
      %dma_wait3A_934 = arith.constant 0 : i32
      %dma_wait3A_935 = tpu.memref_slice %arg2[%mul3A_589, %dma_wait3A_934] : memref<102400x128xf32, #tpu.memory_space<hbm>> -> memref<640x128xf32, #tpu.memory_space<hbm>>
      tpu.wait_dma2 semaphore(%run_scoped3A_929 : memref<!tpu.dma_semaphore, #tpu.memory_space<semaphore_mem>>) src(%dma_wait3A_935 : memref<640x128xf32, #tpu.memory_space<hbm>>) dst(%arg8 : memref<640x128xf32, #tpu.memory_space<vmem>>)
      tpu.yield
    }) : () -> ()
    %run_scoped3A_590 = arith.constant 15 : i32
    "tpu.region"() ({
      %run_scoped3A_929 = tpu.sem_alloc : memref<!tpu.dma_semaphore, #tpu.memory_space<semaphore_mem>>
      %dma_start3A = arith.constant 0 : i32
      %dma_start3A_930 = arith.constant 0 : i32
      %dma_start3A_931 = tpu.memref_slice %arg8[%dma_start3A, %dma_start3A_930] : memref<640x128xf32, #tpu.memory_space<vmem>> -> memref<128x128xf32, #tpu.memory_space<vmem>>
      %dma_start3A_932 = arith.constant 0 : i32
      %dma_start3A_933 = tpu.memref_slice %arg7[%run_scoped3A_590, %dma_start3A_932] : memref<25x128xi32, #tpu.memory_space<vmem>> -> memref<1x128xi32, #tpu.memory_space<vmem>>
      %dma_start3A_934 = tpu.memref_squeeze %dma_start3A_933 : memref<1x128xi32, #tpu.memory_space<vmem>> -> memref<128xi32, #tpu.memory_space<vmem>>
      %dma_start3A_935 = arith.constant 0 : i32
      %dma_start3A_936 = arith.constant 0 : i32
      %dma_start3A_937 = tpu.memref_slice %arg10[%dma_start3A_935, %dma_start3A_936] : memref<513x128xf32, #tpu.memory_space<vmem_shared>> -> memref<513x128xf32, #tpu.memory_space<vmem_shared>>
      tpu.enqueue_indirect_dma source(%dma_start3A_931 : memref<128x128xf32, #tpu.memory_space<vmem>>) target(%dma_start3A_937 : memref<513x128xf32, #tpu.memory_space<vmem_shared>>) offsets(%dma_start3A_934 : memref<128xi32, #tpu.memory_space<vmem>>) semaphore(%run_scoped3A_929 : memref<!tpu.dma_semaphore, #tpu.memory_space<semaphore_mem>>) {add = true}
      %dma_wait3A = arith.constant 0 : i32
      %dma_wait3A_938 = arith.constant 0 : i32
      %dma_wait3A_939 = tpu.memref_slice %arg8[%dma_wait3A, %dma_wait3A_938] : memref<640x128xf32, #tpu.memory_space<vmem>> -> memref<128x128xf32, #tpu.memory_space<vmem>>
      %dma_wait3A_940 = arith.constant 0 : i32
      %dma_wait3A_941 = tpu.memref_slice %arg7[%run_scoped3A_590, %dma_wait3A_940] : memref<25x128xi32, #tpu.memory_space<vmem>> -> memref<1x128xi32, #tpu.memory_space<vmem>>
      %dma_wait3A_942 = tpu.memref_squeeze %dma_wait3A_941 : memref<1x128xi32, #tpu.memory_space<vmem>> -> memref<128xi32, #tpu.memory_space<vmem>>
      %dma_wait3A_943 = arith.constant 0 : i32
      %dma_wait3A_944 = arith.constant 0 : i32
      %dma_wait3A_945 = tpu.memref_slice %arg10[%dma_wait3A_943, %dma_wait3A_944] : memref<513x128xf32, #tpu.memory_space<vmem_shared>> -> memref<513x128xf32, #tpu.memory_space<vmem_shared>>
      tpu.wait_indirect_dma semaphore(%run_scoped3A_929 : memref<!tpu.dma_semaphore, #tpu.memory_space<semaphore_mem>>) src(%dma_wait3A_939 : memref<128x128xf32, #tpu.memory_space<vmem>>) dst(%dma_wait3A_945 : memref<513x128xf32, #tpu.memory_space<vmem_shared>>)
      tpu.yield
    }) : () -> ()
    %get3A_591 = arith.constant 15 : i32
    %get3A_592 = arith.index_cast %get3A_591 : i32 to index
    %get3A_593 = arith.constant 0 : index
    %get3A_594 = tpu.vector_load %arg7[%get3A_592, %get3A_593] {strides = array<i32>} : memref<25x128xi32, #tpu.memory_space<vmem>>, vector<16xi32>,
    tpu.vector_store_idx %arg9[%get3A_594], %broadcast_in_dim3A_72 {add = true} : memref<544xf32, #tpu.memory_space<vmem>>[vector<16xi32>], vector<16xf32>,
    %get3A_595 = arith.constant 15 : i32
    %get3A_596 = arith.index_cast %get3A_595 : i32 to index
    %get3A_597 = arith.constant 16 : index
    %get3A_598 = tpu.vector_load %arg7[%get3A_596, %get3A_597] {strides = array<i32>} : memref<25x128xi32, #tpu.memory_space<vmem>>, vector<16xi32>,
    tpu.vector_store_idx %arg9[%get3A_598], %broadcast_in_dim3A_72 {add = true} : memref<544xf32, #tpu.memory_space<vmem>>[vector<16xi32>], vector<16xf32>,
    %get3A_599 = arith.constant 15 : i32
    %get3A_600 = arith.index_cast %get3A_599 : i32 to index
    %get3A_601 = arith.constant 32 : index
    %get3A_602 = tpu.vector_load %arg7[%get3A_600, %get3A_601] {strides = array<i32>} : memref<25x128xi32, #tpu.memory_space<vmem>>, vector<16xi32>,
    tpu.vector_store_idx %arg9[%get3A_602], %broadcast_in_dim3A_72 {add = true} : memref<544xf32, #tpu.memory_space<vmem>>[vector<16xi32>], vector<16xf32>,
    %get3A_603 = arith.constant 15 : i32
    %get3A_604 = arith.index_cast %get3A_603 : i32 to index
    %get3A_605 = arith.constant 48 : index
    %get3A_606 = tpu.vector_load %arg7[%get3A_604, %get3A_605] {strides = array<i32>} : memref<25x128xi32, #tpu.memory_space<vmem>>, vector<16xi32>,
    tpu.vector_store_idx %arg9[%get3A_606], %broadcast_in_dim3A_72 {add = true} : memref<544xf32, #tpu.memory_space<vmem>>[vector<16xi32>], vector<16xf32>,
    %get3A_607 = arith.constant 15 : i32
    %get3A_608 = arith.index_cast %get3A_607 : i32 to index
    %get3A_609 = arith.constant 64 : index
    %get3A_610 = tpu.vector_load %arg7[%get3A_608, %get3A_609] {strides = array<i32>} : memref<25x128xi32, #tpu.memory_space<vmem>>, vector<16xi32>,
    tpu.vector_store_idx %arg9[%get3A_610], %broadcast_in_dim3A_72 {add = true} : memref<544xf32, #tpu.memory_space<vmem>>[vector<16xi32>], vector<16xf32>,
    %get3A_611 = arith.constant 15 : i32
    %get3A_612 = arith.index_cast %get3A_611 : i32 to index
    %get3A_613 = arith.constant 80 : index
    %get3A_614 = tpu.vector_load %arg7[%get3A_612, %get3A_613] {strides = array<i32>} : memref<25x128xi32, #tpu.memory_space<vmem>>, vector<16xi32>,
    tpu.vector_store_idx %arg9[%get3A_614], %broadcast_in_dim3A_72 {add = true} : memref<544xf32, #tpu.memory_space<vmem>>[vector<16xi32>], vector<16xf32>,
    %get3A_615 = arith.constant 15 : i32
    %get3A_616 = arith.index_cast %get3A_615 : i32 to index
    %get3A_617 = arith.constant 96 : index
    %get3A_618 = tpu.vector_load %arg7[%get3A_616, %get3A_617] {strides = array<i32>} : memref<25x128xi32, #tpu.memory_space<vmem>>, vector<16xi32>,
    tpu.vector_store_idx %arg9[%get3A_618], %broadcast_in_dim3A_72 {add = true} : memref<544xf32, #tpu.memory_space<vmem>>[vector<16xi32>], vector<16xf32>,
    %get3A_619 = arith.constant 15 : i32
    %get3A_620 = arith.index_cast %get3A_619 : i32 to index
    %get3A_621 = arith.constant 112 : index
    %get3A_622 = tpu.vector_load %arg7[%get3A_620, %get3A_621] {strides = array<i32>} : memref<25x128xi32, #tpu.memory_space<vmem>>, vector<16xi32>,
    tpu.vector_store_idx %arg9[%get3A_622], %broadcast_in_dim3A_72 {add = true} : memref<544xf32, #tpu.memory_space<vmem>>[vector<16xi32>], vector<16xf32>,
    %run_scoped3A_623 = arith.constant 16 : i32
    "tpu.region"() ({
      %run_scoped3A_929 = tpu.sem_alloc : memref<!tpu.dma_semaphore, #tpu.memory_space<semaphore_mem>>
      %dma_start3A = arith.constant 128 : i32
      %dma_start3A_930 = arith.constant 0 : i32
      %dma_start3A_931 = tpu.memref_slice %arg8[%dma_start3A, %dma_start3A_930] : memref<640x128xf32, #tpu.memory_space<vmem>> -> memref<128x128xf32, #tpu.memory_space<vmem>>
      %dma_start3A_932 = arith.constant 0 : i32
      %dma_start3A_933 = tpu.memref_slice %arg7[%run_scoped3A_623, %dma_start3A_932] : memref<25x128xi32, #tpu.memory_space<vmem>> -> memref<1x128xi32, #tpu.memory_space<vmem>>
      %dma_start3A_934 = tpu.memref_squeeze %dma_start3A_933 : memref<1x128xi32, #tpu.memory_space<vmem>> -> memref<128xi32, #tpu.memory_space<vmem>>
      %dma_start3A_935 = arith.constant 0 : i32
      %dma_start3A_936 = arith.constant 0 : i32
      %dma_start3A_937 = tpu.memref_slice %arg10[%dma_start3A_935, %dma_start3A_936] : memref<513x128xf32, #tpu.memory_space<vmem_shared>> -> memref<513x128xf32, #tpu.memory_space<vmem_shared>>
      tpu.enqueue_indirect_dma source(%dma_start3A_931 : memref<128x128xf32, #tpu.memory_space<vmem>>) target(%dma_start3A_937 : memref<513x128xf32, #tpu.memory_space<vmem_shared>>) offsets(%dma_start3A_934 : memref<128xi32, #tpu.memory_space<vmem>>) semaphore(%run_scoped3A_929 : memref<!tpu.dma_semaphore, #tpu.memory_space<semaphore_mem>>) {add = true}
      %dma_wait3A = arith.constant 128 : i32
      %dma_wait3A_938 = arith.constant 0 : i32
      %dma_wait3A_939 = tpu.memref_slice %arg8[%dma_wait3A, %dma_wait3A_938] : memref<640x128xf32, #tpu.memory_space<vmem>> -> memref<128x128xf32, #tpu.memory_space<vmem>>
      %dma_wait3A_940 = arith.constant 0 : i32
      %dma_wait3A_941 = tpu.memref_slice %arg7[%run_scoped3A_623, %dma_wait3A_940] : memref<25x128xi32, #tpu.memory_space<vmem>> -> memref<1x128xi32, #tpu.memory_space<vmem>>
      %dma_wait3A_942 = tpu.memref_squeeze %dma_wait3A_941 : memref<1x128xi32, #tpu.memory_space<vmem>> -> memref<128xi32, #tpu.memory_space<vmem>>
      %dma_wait3A_943 = arith.constant 0 : i32
      %dma_wait3A_944 = arith.constant 0 : i32
      %dma_wait3A_945 = tpu.memref_slice %arg10[%dma_wait3A_943, %dma_wait3A_944] : memref<513x128xf32, #tpu.memory_space<vmem_shared>> -> memref<513x128xf32, #tpu.memory_space<vmem_shared>>
      tpu.wait_indirect_dma semaphore(%run_scoped3A_929 : memref<!tpu.dma_semaphore, #tpu.memory_space<semaphore_mem>>) src(%dma_wait3A_939 : memref<128x128xf32, #tpu.memory_space<vmem>>) dst(%dma_wait3A_945 : memref<513x128xf32, #tpu.memory_space<vmem_shared>>)
      tpu.yield
    }) : () -> ()
    %get3A_624 = arith.constant 16 : i32
    %get3A_625 = arith.index_cast %get3A_624 : i32 to index
    %get3A_626 = arith.constant 0 : index
    %get3A_627 = tpu.vector_load %arg7[%get3A_625, %get3A_626] {strides = array<i32>} : memref<25x128xi32, #tpu.memory_space<vmem>>, vector<16xi32>,
    tpu.vector_store_idx %arg9[%get3A_627], %broadcast_in_dim3A_72 {add = true} : memref<544xf32, #tpu.memory_space<vmem>>[vector<16xi32>], vector<16xf32>,
    %get3A_628 = arith.constant 16 : i32
    %get3A_629 = arith.index_cast %get3A_628 : i32 to index
    %get3A_630 = arith.constant 16 : index
    %get3A_631 = tpu.vector_load %arg7[%get3A_629, %get3A_630] {strides = array<i32>} : memref<25x128xi32, #tpu.memory_space<vmem>>, vector<16xi32>,
    tpu.vector_store_idx %arg9[%get3A_631], %broadcast_in_dim3A_72 {add = true} : memref<544xf32, #tpu.memory_space<vmem>>[vector<16xi32>], vector<16xf32>,
    %get3A_632 = arith.constant 16 : i32
    %get3A_633 = arith.index_cast %get3A_632 : i32 to index
    %get3A_634 = arith.constant 32 : index
    %get3A_635 = tpu.vector_load %arg7[%get3A_633, %get3A_634] {strides = array<i32>} : memref<25x128xi32, #tpu.memory_space<vmem>>, vector<16xi32>,
    tpu.vector_store_idx %arg9[%get3A_635], %broadcast_in_dim3A_72 {add = true} : memref<544xf32, #tpu.memory_space<vmem>>[vector<16xi32>], vector<16xf32>,
    %get3A_636 = arith.constant 16 : i32
    %get3A_637 = arith.index_cast %get3A_636 : i32 to index
    %get3A_638 = arith.constant 48 : index
    %get3A_639 = tpu.vector_load %arg7[%get3A_637, %get3A_638] {strides = array<i32>} : memref<25x128xi32, #tpu.memory_space<vmem>>, vector<16xi32>,
    tpu.vector_store_idx %arg9[%get3A_639], %broadcast_in_dim3A_72 {add = true} : memref<544xf32, #tpu.memory_space<vmem>>[vector<16xi32>], vector<16xf32>,
    %get3A_640 = arith.constant 16 : i32
    %get3A_641 = arith.index_cast %get3A_640 : i32 to index
    %get3A_642 = arith.constant 64 : index
    %get3A_643 = tpu.vector_load %arg7[%get3A_641, %get3A_642] {strides = array<i32>} : memref<25x128xi32, #tpu.memory_space<vmem>>, vector<16xi32>,
    tpu.vector_store_idx %arg9[%get3A_643], %broadcast_in_dim3A_72 {add = true} : memref<544xf32, #tpu.memory_space<vmem>>[vector<16xi32>], vector<16xf32>,
    %get3A_644 = arith.constant 16 : i32
    %get3A_645 = arith.index_cast %get3A_644 : i32 to index
    %get3A_646 = arith.constant 80 : index
    %get3A_647 = tpu.vector_load %arg7[%get3A_645, %get3A_646] {strides = array<i32>} : memref<25x128xi32, #tpu.memory_space<vmem>>, vector<16xi32>,
    tpu.vector_store_idx %arg9[%get3A_647], %broadcast_in_dim3A_72 {add = true} : memref<544xf32, #tpu.memory_space<vmem>>[vector<16xi32>], vector<16xf32>,
    %get3A_648 = arith.constant 16 : i32
    %get3A_649 = arith.index_cast %get3A_648 : i32 to index
    %get3A_650 = arith.constant 96 : index
    %get3A_651 = tpu.vector_load %arg7[%get3A_649, %get3A_650] {strides = array<i32>} : memref<25x128xi32, #tpu.memory_space<vmem>>, vector<16xi32>,
    tpu.vector_store_idx %arg9[%get3A_651], %broadcast_in_dim3A_72 {add = true} : memref<544xf32, #tpu.memory_space<vmem>>[vector<16xi32>], vector<16xf32>,
    %get3A_652 = arith.constant 16 : i32
    %get3A_653 = arith.index_cast %get3A_652 : i32 to index
    %get3A_654 = arith.constant 112 : index
    %get3A_655 = tpu.vector_load %arg7[%get3A_653, %get3A_654] {strides = array<i32>} : memref<25x128xi32, #tpu.memory_space<vmem>>, vector<16xi32>,
    tpu.vector_store_idx %arg9[%get3A_655], %broadcast_in_dim3A_72 {add = true} : memref<544xf32, #tpu.memory_space<vmem>>[vector<16xi32>], vector<16xf32>,
    %run_scoped3A_656 = arith.constant 17 : i32
    "tpu.region"() ({
      %run_scoped3A_929 = tpu.sem_alloc : memref<!tpu.dma_semaphore, #tpu.memory_space<semaphore_mem>>
      %dma_start3A = arith.constant 256 : i32
      %dma_start3A_930 = arith.constant 0 : i32
      %dma_start3A_931 = tpu.memref_slice %arg8[%dma_start3A, %dma_start3A_930] : memref<640x128xf32, #tpu.memory_space<vmem>> -> memref<128x128xf32, #tpu.memory_space<vmem>>
      %dma_start3A_932 = arith.constant 0 : i32
      %dma_start3A_933 = tpu.memref_slice %arg7[%run_scoped3A_656, %dma_start3A_932] : memref<25x128xi32, #tpu.memory_space<vmem>> -> memref<1x128xi32, #tpu.memory_space<vmem>>
      %dma_start3A_934 = tpu.memref_squeeze %dma_start3A_933 : memref<1x128xi32, #tpu.memory_space<vmem>> -> memref<128xi32, #tpu.memory_space<vmem>>
      %dma_start3A_935 = arith.constant 0 : i32
      %dma_start3A_936 = arith.constant 0 : i32
      %dma_start3A_937 = tpu.memref_slice %arg10[%dma_start3A_935, %dma_start3A_936] : memref<513x128xf32, #tpu.memory_space<vmem_shared>> -> memref<513x128xf32, #tpu.memory_space<vmem_shared>>
      tpu.enqueue_indirect_dma source(%dma_start3A_931 : memref<128x128xf32, #tpu.memory_space<vmem>>) target(%dma_start3A_937 : memref<513x128xf32, #tpu.memory_space<vmem_shared>>) offsets(%dma_start3A_934 : memref<128xi32, #tpu.memory_space<vmem>>) semaphore(%run_scoped3A_929 : memref<!tpu.dma_semaphore, #tpu.memory_space<semaphore_mem>>) {add = true}
      %dma_wait3A = arith.constant 256 : i32
      %dma_wait3A_938 = arith.constant 0 : i32
      %dma_wait3A_939 = tpu.memref_slice %arg8[%dma_wait3A, %dma_wait3A_938] : memref<640x128xf32, #tpu.memory_space<vmem>> -> memref<128x128xf32, #tpu.memory_space<vmem>>
      %dma_wait3A_940 = arith.constant 0 : i32
      %dma_wait3A_941 = tpu.memref_slice %arg7[%run_scoped3A_656, %dma_wait3A_940] : memref<25x128xi32, #tpu.memory_space<vmem>> -> memref<1x128xi32, #tpu.memory_space<vmem>>
      %dma_wait3A_942 = tpu.memref_squeeze %dma_wait3A_941 : memref<1x128xi32, #tpu.memory_space<vmem>> -> memref<128xi32, #tpu.memory_space<vmem>>
      %dma_wait3A_943 = arith.constant 0 : i32
      %dma_wait3A_944 = arith.constant 0 : i32
      %dma_wait3A_945 = tpu.memref_slice %arg10[%dma_wait3A_943, %dma_wait3A_944] : memref<513x128xf32, #tpu.memory_space<vmem_shared>> -> memref<513x128xf32, #tpu.memory_space<vmem_shared>>
      tpu.wait_indirect_dma semaphore(%run_scoped3A_929 : memref<!tpu.dma_semaphore, #tpu.memory_space<semaphore_mem>>) src(%dma_wait3A_939 : memref<128x128xf32, #tpu.memory_space<vmem>>) dst(%dma_wait3A_945 : memref<513x128xf32, #tpu.memory_space<vmem_shared>>)
      tpu.yield
    }) : () -> ()
    %get3A_657 = arith.constant 17 : i32
    %get3A_658 = arith.index_cast %get3A_657 : i32 to index
    %get3A_659 = arith.constant 0 : index
    %get3A_660 = tpu.vector_load %arg7[%get3A_658, %get3A_659] {strides = array<i32>} : memref<25x128xi32, #tpu.memory_space<vmem>>, vector<16xi32>,
    tpu.vector_store_idx %arg9[%get3A_660], %broadcast_in_dim3A_72 {add = true} : memref<544xf32, #tpu.memory_space<vmem>>[vector<16xi32>], vector<16xf32>,
    %get3A_661 = arith.constant 17 : i32
    %get3A_662 = arith.index_cast %get3A_661 : i32 to index
    %get3A_663 = arith.constant 16 : index
    %get3A_664 = tpu.vector_load %arg7[%get3A_662, %get3A_663] {strides = array<i32>} : memref<25x128xi32, #tpu.memory_space<vmem>>, vector<16xi32>,
    tpu.vector_store_idx %arg9[%get3A_664], %broadcast_in_dim3A_72 {add = true} : memref<544xf32, #tpu.memory_space<vmem>>[vector<16xi32>], vector<16xf32>,
    %get3A_665 = arith.constant 17 : i32
    %get3A_666 = arith.index_cast %get3A_665 : i32 to index
    %get3A_667 = arith.constant 32 : index
    %get3A_668 = tpu.vector_load %arg7[%get3A_666, %get3A_667] {strides = array<i32>} : memref<25x128xi32, #tpu.memory_space<vmem>>, vector<16xi32>,
    tpu.vector_store_idx %arg9[%get3A_668], %broadcast_in_dim3A_72 {add = true} : memref<544xf32, #tpu.memory_space<vmem>>[vector<16xi32>], vector<16xf32>,
    %get3A_669 = arith.constant 17 : i32
    %get3A_670 = arith.index_cast %get3A_669 : i32 to index
    %get3A_671 = arith.constant 48 : index
    %get3A_672 = tpu.vector_load %arg7[%get3A_670, %get3A_671] {strides = array<i32>} : memref<25x128xi32, #tpu.memory_space<vmem>>, vector<16xi32>,
    tpu.vector_store_idx %arg9[%get3A_672], %broadcast_in_dim3A_72 {add = true} : memref<544xf32, #tpu.memory_space<vmem>>[vector<16xi32>], vector<16xf32>,
    %get3A_673 = arith.constant 17 : i32
    %get3A_674 = arith.index_cast %get3A_673 : i32 to index
    %get3A_675 = arith.constant 64 : index
    %get3A_676 = tpu.vector_load %arg7[%get3A_674, %get3A_675] {strides = array<i32>} : memref<25x128xi32, #tpu.memory_space<vmem>>, vector<16xi32>,
    tpu.vector_store_idx %arg9[%get3A_676], %broadcast_in_dim3A_72 {add = true} : memref<544xf32, #tpu.memory_space<vmem>>[vector<16xi32>], vector<16xf32>,
    %get3A_677 = arith.constant 17 : i32
    %get3A_678 = arith.index_cast %get3A_677 : i32 to index
    %get3A_679 = arith.constant 80 : index
    %get3A_680 = tpu.vector_load %arg7[%get3A_678, %get3A_679] {strides = array<i32>} : memref<25x128xi32, #tpu.memory_space<vmem>>, vector<16xi32>,
    tpu.vector_store_idx %arg9[%get3A_680], %broadcast_in_dim3A_72 {add = true} : memref<544xf32, #tpu.memory_space<vmem>>[vector<16xi32>], vector<16xf32>,
    %get3A_681 = arith.constant 17 : i32
    %get3A_682 = arith.index_cast %get3A_681 : i32 to index
    %get3A_683 = arith.constant 96 : index
    %get3A_684 = tpu.vector_load %arg7[%get3A_682, %get3A_683] {strides = array<i32>} : memref<25x128xi32, #tpu.memory_space<vmem>>, vector<16xi32>,
    tpu.vector_store_idx %arg9[%get3A_684], %broadcast_in_dim3A_72 {add = true} : memref<544xf32, #tpu.memory_space<vmem>>[vector<16xi32>], vector<16xf32>,
    %get3A_685 = arith.constant 17 : i32
    %get3A_686 = arith.index_cast %get3A_685 : i32 to index
    %get3A_687 = arith.constant 112 : index
    %get3A_688 = tpu.vector_load %arg7[%get3A_686, %get3A_687] {strides = array<i32>} : memref<25x128xi32, #tpu.memory_space<vmem>>, vector<16xi32>,
    tpu.vector_store_idx %arg9[%get3A_688], %broadcast_in_dim3A_72 {add = true} : memref<544xf32, #tpu.memory_space<vmem>>[vector<16xi32>], vector<16xf32>,
    %run_scoped3A_689 = arith.constant 18 : i32
    "tpu.region"() ({
      %run_scoped3A_929 = tpu.sem_alloc : memref<!tpu.dma_semaphore, #tpu.memory_space<semaphore_mem>>
      %dma_start3A = arith.constant 384 : i32
      %dma_start3A_930 = arith.constant 0 : i32
      %dma_start3A_931 = tpu.memref_slice %arg8[%dma_start3A, %dma_start3A_930] : memref<640x128xf32, #tpu.memory_space<vmem>> -> memref<128x128xf32, #tpu.memory_space<vmem>>
      %dma_start3A_932 = arith.constant 0 : i32
      %dma_start3A_933 = tpu.memref_slice %arg7[%run_scoped3A_689, %dma_start3A_932] : memref<25x128xi32, #tpu.memory_space<vmem>> -> memref<1x128xi32, #tpu.memory_space<vmem>>
      %dma_start3A_934 = tpu.memref_squeeze %dma_start3A_933 : memref<1x128xi32, #tpu.memory_space<vmem>> -> memref<128xi32, #tpu.memory_space<vmem>>
      %dma_start3A_935 = arith.constant 0 : i32
      %dma_start3A_936 = arith.constant 0 : i32
      %dma_start3A_937 = tpu.memref_slice %arg10[%dma_start3A_935, %dma_start3A_936] : memref<513x128xf32, #tpu.memory_space<vmem_shared>> -> memref<513x128xf32, #tpu.memory_space<vmem_shared>>
      tpu.enqueue_indirect_dma source(%dma_start3A_931 : memref<128x128xf32, #tpu.memory_space<vmem>>) target(%dma_start3A_937 : memref<513x128xf32, #tpu.memory_space<vmem_shared>>) offsets(%dma_start3A_934 : memref<128xi32, #tpu.memory_space<vmem>>) semaphore(%run_scoped3A_929 : memref<!tpu.dma_semaphore, #tpu.memory_space<semaphore_mem>>) {add = true}
      %dma_wait3A = arith.constant 384 : i32
      %dma_wait3A_938 = arith.constant 0 : i32
      %dma_wait3A_939 = tpu.memref_slice %arg8[%dma_wait3A, %dma_wait3A_938] : memref<640x128xf32, #tpu.memory_space<vmem>> -> memref<128x128xf32, #tpu.memory_space<vmem>>
      %dma_wait3A_940 = arith.constant 0 : i32
      %dma_wait3A_941 = tpu.memref_slice %arg7[%run_scoped3A_689, %dma_wait3A_940] : memref<25x128xi32, #tpu.memory_space<vmem>> -> memref<1x128xi32, #tpu.memory_space<vmem>>
      %dma_wait3A_942 = tpu.memref_squeeze %dma_wait3A_941 : memref<1x128xi32, #tpu.memory_space<vmem>> -> memref<128xi32, #tpu.memory_space<vmem>>
      %dma_wait3A_943 = arith.constant 0 : i32
      %dma_wait3A_944 = arith.constant 0 : i32
      %dma_wait3A_945 = tpu.memref_slice %arg10[%dma_wait3A_943, %dma_wait3A_944] : memref<513x128xf32, #tpu.memory_space<vmem_shared>> -> memref<513x128xf32, #tpu.memory_space<vmem_shared>>
      tpu.wait_indirect_dma semaphore(%run_scoped3A_929 : memref<!tpu.dma_semaphore, #tpu.memory_space<semaphore_mem>>) src(%dma_wait3A_939 : memref<128x128xf32, #tpu.memory_space<vmem>>) dst(%dma_wait3A_945 : memref<513x128xf32, #tpu.memory_space<vmem_shared>>)
      tpu.yield
    }) : () -> ()
    %get3A_690 = arith.constant 18 : i32
    %get3A_691 = arith.index_cast %get3A_690 : i32 to index
    %get3A_692 = arith.constant 0 : index
    %get3A_693 = tpu.vector_load %arg7[%get3A_691, %get3A_692] {strides = array<i32>} : memref<25x128xi32, #tpu.memory_space<vmem>>, vector<16xi32>,
    tpu.vector_store_idx %arg9[%get3A_693], %broadcast_in_dim3A_72 {add = true} : memref<544xf32, #tpu.memory_space<vmem>>[vector<16xi32>], vector<16xf32>,
    %get3A_694 = arith.constant 18 : i32
    %get3A_695 = arith.index_cast %get3A_694 : i32 to index
    %get3A_696 = arith.constant 16 : index
    %get3A_697 = tpu.vector_load %arg7[%get3A_695, %get3A_696] {strides = array<i32>} : memref<25x128xi32, #tpu.memory_space<vmem>>, vector<16xi32>,
    tpu.vector_store_idx %arg9[%get3A_697], %broadcast_in_dim3A_72 {add = true} : memref<544xf32, #tpu.memory_space<vmem>>[vector<16xi32>], vector<16xf32>,
    %get3A_698 = arith.constant 18 : i32
    %get3A_699 = arith.index_cast %get3A_698 : i32 to index
    %get3A_700 = arith.constant 32 : index
    %get3A_701 = tpu.vector_load %arg7[%get3A_699, %get3A_700] {strides = array<i32>} : memref<25x128xi32, #tpu.memory_space<vmem>>, vector<16xi32>,
    tpu.vector_store_idx %arg9[%get3A_701], %broadcast_in_dim3A_72 {add = true} : memref<544xf32, #tpu.memory_space<vmem>>[vector<16xi32>], vector<16xf32>,
    %get3A_702 = arith.constant 18 : i32
    %get3A_703 = arith.index_cast %get3A_702 : i32 to index
    %get3A_704 = arith.constant 48 : index
    %get3A_705 = tpu.vector_load %arg7[%get3A_703, %get3A_704] {strides = array<i32>} : memref<25x128xi32, #tpu.memory_space<vmem>>, vector<16xi32>,
    tpu.vector_store_idx %arg9[%get3A_705], %broadcast_in_dim3A_72 {add = true} : memref<544xf32, #tpu.memory_space<vmem>>[vector<16xi32>], vector<16xf32>,
    %get3A_706 = arith.constant 18 : i32
    %get3A_707 = arith.index_cast %get3A_706 : i32 to index
    %get3A_708 = arith.constant 64 : index
    %get3A_709 = tpu.vector_load %arg7[%get3A_707, %get3A_708] {strides = array<i32>} : memref<25x128xi32, #tpu.memory_space<vmem>>, vector<16xi32>,
    tpu.vector_store_idx %arg9[%get3A_709], %broadcast_in_dim3A_72 {add = true} : memref<544xf32, #tpu.memory_space<vmem>>[vector<16xi32>], vector<16xf32>,
    %get3A_710 = arith.constant 18 : i32
    %get3A_711 = arith.index_cast %get3A_710 : i32 to index
    %get3A_712 = arith.constant 80 : index
    %get3A_713 = tpu.vector_load %arg7[%get3A_711, %get3A_712] {strides = array<i32>} : memref<25x128xi32, #tpu.memory_space<vmem>>, vector<16xi32>,
    tpu.vector_store_idx %arg9[%get3A_713], %broadcast_in_dim3A_72 {add = true} : memref<544xf32, #tpu.memory_space<vmem>>[vector<16xi32>], vector<16xf32>,
    %get3A_714 = arith.constant 18 : i32
    %get3A_715 = arith.index_cast %get3A_714 : i32 to index
    %get3A_716 = arith.constant 96 : index
    %get3A_717 = tpu.vector_load %arg7[%get3A_715, %get3A_716] {strides = array<i32>} : memref<25x128xi32, #tpu.memory_space<vmem>>, vector<16xi32>,
    tpu.vector_store_idx %arg9[%get3A_717], %broadcast_in_dim3A_72 {add = true} : memref<544xf32, #tpu.memory_space<vmem>>[vector<16xi32>], vector<16xf32>,
    %get3A_718 = arith.constant 18 : i32
    %get3A_719 = arith.index_cast %get3A_718 : i32 to index
    %get3A_720 = arith.constant 112 : index
    %get3A_721 = tpu.vector_load %arg7[%get3A_719, %get3A_720] {strides = array<i32>} : memref<25x128xi32, #tpu.memory_space<vmem>>, vector<16xi32>,
    tpu.vector_store_idx %arg9[%get3A_721], %broadcast_in_dim3A_72 {add = true} : memref<544xf32, #tpu.memory_space<vmem>>[vector<16xi32>], vector<16xf32>,
    %run_scoped3A_722 = arith.constant 19 : i32
    "tpu.region"() ({
      %run_scoped3A_929 = tpu.sem_alloc : memref<!tpu.dma_semaphore, #tpu.memory_space<semaphore_mem>>
      %dma_start3A = arith.constant 512 : i32
      %dma_start3A_930 = arith.constant 0 : i32
      %dma_start3A_931 = tpu.memref_slice %arg8[%dma_start3A, %dma_start3A_930] : memref<640x128xf32, #tpu.memory_space<vmem>> -> memref<128x128xf32, #tpu.memory_space<vmem>>
      %dma_start3A_932 = arith.constant 0 : i32
      %dma_start3A_933 = tpu.memref_slice %arg7[%run_scoped3A_722, %dma_start3A_932] : memref<25x128xi32, #tpu.memory_space<vmem>> -> memref<1x128xi32, #tpu.memory_space<vmem>>
      %dma_start3A_934 = tpu.memref_squeeze %dma_start3A_933 : memref<1x128xi32, #tpu.memory_space<vmem>> -> memref<128xi32, #tpu.memory_space<vmem>>
      %dma_start3A_935 = arith.constant 0 : i32
      %dma_start3A_936 = arith.constant 0 : i32
      %dma_start3A_937 = tpu.memref_slice %arg10[%dma_start3A_935, %dma_start3A_936] : memref<513x128xf32, #tpu.memory_space<vmem_shared>> -> memref<513x128xf32, #tpu.memory_space<vmem_shared>>
      tpu.enqueue_indirect_dma source(%dma_start3A_931 : memref<128x128xf32, #tpu.memory_space<vmem>>) target(%dma_start3A_937 : memref<513x128xf32, #tpu.memory_space<vmem_shared>>) offsets(%dma_start3A_934 : memref<128xi32, #tpu.memory_space<vmem>>) semaphore(%run_scoped3A_929 : memref<!tpu.dma_semaphore, #tpu.memory_space<semaphore_mem>>) {add = true}
      %dma_wait3A = arith.constant 512 : i32
      %dma_wait3A_938 = arith.constant 0 : i32
      %dma_wait3A_939 = tpu.memref_slice %arg8[%dma_wait3A, %dma_wait3A_938] : memref<640x128xf32, #tpu.memory_space<vmem>> -> memref<128x128xf32, #tpu.memory_space<vmem>>
      %dma_wait3A_940 = arith.constant 0 : i32
      %dma_wait3A_941 = tpu.memref_slice %arg7[%run_scoped3A_722, %dma_wait3A_940] : memref<25x128xi32, #tpu.memory_space<vmem>> -> memref<1x128xi32, #tpu.memory_space<vmem>>
      %dma_wait3A_942 = tpu.memref_squeeze %dma_wait3A_941 : memref<1x128xi32, #tpu.memory_space<vmem>> -> memref<128xi32, #tpu.memory_space<vmem>>
      %dma_wait3A_943 = arith.constant 0 : i32
      %dma_wait3A_944 = arith.constant 0 : i32
      %dma_wait3A_945 = tpu.memref_slice %arg10[%dma_wait3A_943, %dma_wait3A_944] : memref<513x128xf32, #tpu.memory_space<vmem_shared>> -> memref<513x128xf32, #tpu.memory_space<vmem_shared>>
      tpu.wait_indirect_dma semaphore(%run_scoped3A_929 : memref<!tpu.dma_semaphore, #tpu.memory_space<semaphore_mem>>) src(%dma_wait3A_939 : memref<128x128xf32, #tpu.memory_space<vmem>>) dst(%dma_wait3A_945 : memref<513x128xf32, #tpu.memory_space<vmem_shared>>)
      tpu.yield
    }) : () -> ()
    %get3A_723 = arith.constant 19 : i32
    %get3A_724 = arith.index_cast %get3A_723 : i32 to index
    %get3A_725 = arith.constant 0 : index
    %get3A_726 = tpu.vector_load %arg7[%get3A_724, %get3A_725] {strides = array<i32>} : memref<25x128xi32, #tpu.memory_space<vmem>>, vector<16xi32>,
    tpu.vector_store_idx %arg9[%get3A_726], %broadcast_in_dim3A_72 {add = true} : memref<544xf32, #tpu.memory_space<vmem>>[vector<16xi32>], vector<16xf32>,
    %get3A_727 = arith.constant 19 : i32
    %get3A_728 = arith.index_cast %get3A_727 : i32 to index
    %get3A_729 = arith.constant 16 : index
    %get3A_730 = tpu.vector_load %arg7[%get3A_728, %get3A_729] {strides = array<i32>} : memref<25x128xi32, #tpu.memory_space<vmem>>, vector<16xi32>,
    tpu.vector_store_idx %arg9[%get3A_730], %broadcast_in_dim3A_72 {add = true} : memref<544xf32, #tpu.memory_space<vmem>>[vector<16xi32>], vector<16xf32>,
    %get3A_731 = arith.constant 19 : i32
    %get3A_732 = arith.index_cast %get3A_731 : i32 to index
    %get3A_733 = arith.constant 32 : index
    %get3A_734 = tpu.vector_load %arg7[%get3A_732, %get3A_733] {strides = array<i32>} : memref<25x128xi32, #tpu.memory_space<vmem>>, vector<16xi32>,
    tpu.vector_store_idx %arg9[%get3A_734], %broadcast_in_dim3A_72 {add = true} : memref<544xf32, #tpu.memory_space<vmem>>[vector<16xi32>], vector<16xf32>,
    %get3A_735 = arith.constant 19 : i32
    %get3A_736 = arith.index_cast %get3A_735 : i32 to index
    %get3A_737 = arith.constant 48 : index
    %get3A_738 = tpu.vector_load %arg7[%get3A_736, %get3A_737] {strides = array<i32>} : memref<25x128xi32, #tpu.memory_space<vmem>>, vector<16xi32>,
    tpu.vector_store_idx %arg9[%get3A_738], %broadcast_in_dim3A_72 {add = true} : memref<544xf32, #tpu.memory_space<vmem>>[vector<16xi32>], vector<16xf32>,
    %get3A_739 = arith.constant 19 : i32
    %get3A_740 = arith.index_cast %get3A_739 : i32 to index
    %get3A_741 = arith.constant 64 : index
    %get3A_742 = tpu.vector_load %arg7[%get3A_740, %get3A_741] {strides = array<i32>} : memref<25x128xi32, #tpu.memory_space<vmem>>, vector<16xi32>,
    tpu.vector_store_idx %arg9[%get3A_742], %broadcast_in_dim3A_72 {add = true} : memref<544xf32, #tpu.memory_space<vmem>>[vector<16xi32>], vector<16xf32>,
    %get3A_743 = arith.constant 19 : i32
    %get3A_744 = arith.index_cast %get3A_743 : i32 to index
    %get3A_745 = arith.constant 80 : index
    %get3A_746 = tpu.vector_load %arg7[%get3A_744, %get3A_745] {strides = array<i32>} : memref<25x128xi32, #tpu.memory_space<vmem>>, vector<16xi32>,
    tpu.vector_store_idx %arg9[%get3A_746], %broadcast_in_dim3A_72 {add = true} : memref<544xf32, #tpu.memory_space<vmem>>[vector<16xi32>], vector<16xf32>,
    %get3A_747 = arith.constant 19 : i32
    %get3A_748 = arith.index_cast %get3A_747 : i32 to index
    %get3A_749 = arith.constant 96 : index
    %get3A_750 = tpu.vector_load %arg7[%get3A_748, %get3A_749] {strides = array<i32>} : memref<25x128xi32, #tpu.memory_space<vmem>>, vector<16xi32>,
    tpu.vector_store_idx %arg9[%get3A_750], %broadcast_in_dim3A_72 {add = true} : memref<544xf32, #tpu.memory_space<vmem>>[vector<16xi32>], vector<16xf32>,
    %get3A_751 = arith.constant 19 : i32
    %get3A_752 = arith.index_cast %get3A_751 : i32 to index
    %get3A_753 = arith.constant 112 : index
    %get3A_754 = tpu.vector_load %arg7[%get3A_752, %get3A_753] {strides = array<i32>} : memref<25x128xi32, #tpu.memory_space<vmem>>, vector<16xi32>,
    tpu.vector_store_idx %arg9[%get3A_754], %broadcast_in_dim3A_72 {add = true} : memref<544xf32, #tpu.memory_space<vmem>>[vector<16xi32>], vector<16xf32>,
    %add3A_755 = arith.constant 128 : i32
    %add3A_756 = arith.addi %add3A, %add3A_755 : i32
    %mul3A_757 = arith.constant 5 : i32
    %mul3A_758 = arith.muli %add3A_756, %mul3A_757 : i32
    %mul3A_759 = arith.constant 128 : i32
    %mul3A_760 = arith.muli %mul3A_758, %mul3A_759 : i32
    "tpu.region"() ({
      %run_scoped3A_929 = tpu.sem_alloc : memref<!tpu.dma_semaphore, #tpu.memory_space<semaphore_mem>>
      %dma_start3A = arith.constant 0 : i32
      %dma_start3A_930 = tpu.memref_slice %arg2[%mul3A_760, %dma_start3A] : memref<102400x128xf32, #tpu.memory_space<hbm>> -> memref<640x128xf32, #tpu.memory_space<hbm>>
      %dma_start3A_931 = arith.constant 0 : i32
      %dma_start3A_932 = tpu.memref_slice %arg2[%mul3A_760, %dma_start3A_931] : memref<102400x128xf32, #tpu.memory_space<hbm>> -> memref<640x128xf32, #tpu.memory_space<hbm>>
      tpu.enqueue_dma source(%dma_start3A_932 : memref<640x128xf32, #tpu.memory_space<hbm>>) target(%arg8 : memref<640x128xf32, #tpu.memory_space<vmem>>) target_semaphore(%run_scoped3A_929 : memref<!tpu.dma_semaphore, #tpu.memory_space<semaphore_mem>>)
      %dma_wait3A = arith.constant 0 : i32
      %dma_wait3A_933 = tpu.memref_slice %arg2[%mul3A_760, %dma_wait3A] : memref<102400x128xf32, #tpu.memory_space<hbm>> -> memref<640x128xf32, #tpu.memory_space<hbm>>
      %dma_wait3A_934 = arith.constant 0 : i32
      %dma_wait3A_935 = tpu.memref_slice %arg2[%mul3A_760, %dma_wait3A_934] : memref<102400x128xf32, #tpu.memory_space<hbm>> -> memref<640x128xf32, #tpu.memory_space<hbm>>
      tpu.wait_dma2 semaphore(%run_scoped3A_929 : memref<!tpu.dma_semaphore, #tpu.memory_space<semaphore_mem>>) src(%dma_wait3A_935 : memref<640x128xf32, #tpu.memory_space<hbm>>) dst(%arg8 : memref<640x128xf32, #tpu.memory_space<vmem>>)
      tpu.yield
    }) : () -> ()
    %run_scoped3A_761 = arith.constant 20 : i32
    "tpu.region"() ({
      %run_scoped3A_929 = tpu.sem_alloc : memref<!tpu.dma_semaphore, #tpu.memory_space<semaphore_mem>>
      %dma_start3A = arith.constant 0 : i32
      %dma_start3A_930 = arith.constant 0 : i32
      %dma_start3A_931 = tpu.memref_slice %arg8[%dma_start3A, %dma_start3A_930] : memref<640x128xf32, #tpu.memory_space<vmem>> -> memref<128x128xf32, #tpu.memory_space<vmem>>
      %dma_start3A_932 = arith.constant 0 : i32
      %dma_start3A_933 = tpu.memref_slice %arg7[%run_scoped3A_761, %dma_start3A_932] : memref<25x128xi32, #tpu.memory_space<vmem>> -> memref<1x128xi32, #tpu.memory_space<vmem>>
      %dma_start3A_934 = tpu.memref_squeeze %dma_start3A_933 : memref<1x128xi32, #tpu.memory_space<vmem>> -> memref<128xi32, #tpu.memory_space<vmem>>
      %dma_start3A_935 = arith.constant 0 : i32
      %dma_start3A_936 = arith.constant 0 : i32
      %dma_start3A_937 = tpu.memref_slice %arg10[%dma_start3A_935, %dma_start3A_936] : memref<513x128xf32, #tpu.memory_space<vmem_shared>> -> memref<513x128xf32, #tpu.memory_space<vmem_shared>>
      tpu.enqueue_indirect_dma source(%dma_start3A_931 : memref<128x128xf32, #tpu.memory_space<vmem>>) target(%dma_start3A_937 : memref<513x128xf32, #tpu.memory_space<vmem_shared>>) offsets(%dma_start3A_934 : memref<128xi32, #tpu.memory_space<vmem>>) semaphore(%run_scoped3A_929 : memref<!tpu.dma_semaphore, #tpu.memory_space<semaphore_mem>>) {add = true}
      %dma_wait3A = arith.constant 0 : i32
      %dma_wait3A_938 = arith.constant 0 : i32
      %dma_wait3A_939 = tpu.memref_slice %arg8[%dma_wait3A, %dma_wait3A_938] : memref<640x128xf32, #tpu.memory_space<vmem>> -> memref<128x128xf32, #tpu.memory_space<vmem>>
      %dma_wait3A_940 = arith.constant 0 : i32
      %dma_wait3A_941 = tpu.memref_slice %arg7[%run_scoped3A_761, %dma_wait3A_940] : memref<25x128xi32, #tpu.memory_space<vmem>> -> memref<1x128xi32, #tpu.memory_space<vmem>>
      %dma_wait3A_942 = tpu.memref_squeeze %dma_wait3A_941 : memref<1x128xi32, #tpu.memory_space<vmem>> -> memref<128xi32, #tpu.memory_space<vmem>>
      %dma_wait3A_943 = arith.constant 0 : i32
      %dma_wait3A_944 = arith.constant 0 : i32
      %dma_wait3A_945 = tpu.memref_slice %arg10[%dma_wait3A_943, %dma_wait3A_944] : memref<513x128xf32, #tpu.memory_space<vmem_shared>> -> memref<513x128xf32, #tpu.memory_space<vmem_shared>>
      tpu.wait_indirect_dma semaphore(%run_scoped3A_929 : memref<!tpu.dma_semaphore, #tpu.memory_space<semaphore_mem>>) src(%dma_wait3A_939 : memref<128x128xf32, #tpu.memory_space<vmem>>) dst(%dma_wait3A_945 : memref<513x128xf32, #tpu.memory_space<vmem_shared>>)
      tpu.yield
    }) : () -> ()
    %get3A_762 = arith.constant 20 : i32
    %get3A_763 = arith.index_cast %get3A_762 : i32 to index
    %get3A_764 = arith.constant 0 : index
    %get3A_765 = tpu.vector_load %arg7[%get3A_763, %get3A_764] {strides = array<i32>} : memref<25x128xi32, #tpu.memory_space<vmem>>, vector<16xi32>,
    tpu.vector_store_idx %arg9[%get3A_765], %broadcast_in_dim3A_72 {add = true} : memref<544xf32, #tpu.memory_space<vmem>>[vector<16xi32>], vector<16xf32>,
    %get3A_766 = arith.constant 20 : i32
    %get3A_767 = arith.index_cast %get3A_766 : i32 to index
    %get3A_768 = arith.constant 16 : index
    %get3A_769 = tpu.vector_load %arg7[%get3A_767, %get3A_768] {strides = array<i32>} : memref<25x128xi32, #tpu.memory_space<vmem>>, vector<16xi32>,
    tpu.vector_store_idx %arg9[%get3A_769], %broadcast_in_dim3A_72 {add = true} : memref<544xf32, #tpu.memory_space<vmem>>[vector<16xi32>], vector<16xf32>,
    %get3A_770 = arith.constant 20 : i32
    %get3A_771 = arith.index_cast %get3A_770 : i32 to index
    %get3A_772 = arith.constant 32 : index
    %get3A_773 = tpu.vector_load %arg7[%get3A_771, %get3A_772] {strides = array<i32>} : memref<25x128xi32, #tpu.memory_space<vmem>>, vector<16xi32>,
    tpu.vector_store_idx %arg9[%get3A_773], %broadcast_in_dim3A_72 {add = true} : memref<544xf32, #tpu.memory_space<vmem>>[vector<16xi32>], vector<16xf32>,
    %get3A_774 = arith.constant 20 : i32
    %get3A_775 = arith.index_cast %get3A_774 : i32 to index
    %get3A_776 = arith.constant 48 : index
    %get3A_777 = tpu.vector_load %arg7[%get3A_775, %get3A_776] {strides = array<i32>} : memref<25x128xi32, #tpu.memory_space<vmem>>, vector<16xi32>,
    tpu.vector_store_idx %arg9[%get3A_777], %broadcast_in_dim3A_72 {add = true} : memref<544xf32, #tpu.memory_space<vmem>>[vector<16xi32>], vector<16xf32>,
    %get3A_778 = arith.constant 20 : i32
    %get3A_779 = arith.index_cast %get3A_778 : i32 to index
    %get3A_780 = arith.constant 64 : index
    %get3A_781 = tpu.vector_load %arg7[%get3A_779, %get3A_780] {strides = array<i32>} : memref<25x128xi32, #tpu.memory_space<vmem>>, vector<16xi32>,
    tpu.vector_store_idx %arg9[%get3A_781], %broadcast_in_dim3A_72 {add = true} : memref<544xf32, #tpu.memory_space<vmem>>[vector<16xi32>], vector<16xf32>,
    %get3A_782 = arith.constant 20 : i32
    %get3A_783 = arith.index_cast %get3A_782 : i32 to index
    %get3A_784 = arith.constant 80 : index
    %get3A_785 = tpu.vector_load %arg7[%get3A_783, %get3A_784] {strides = array<i32>} : memref<25x128xi32, #tpu.memory_space<vmem>>, vector<16xi32>,
    tpu.vector_store_idx %arg9[%get3A_785], %broadcast_in_dim3A_72 {add = true} : memref<544xf32, #tpu.memory_space<vmem>>[vector<16xi32>], vector<16xf32>,
    %get3A_786 = arith.constant 20 : i32
    %get3A_787 = arith.index_cast %get3A_786 : i32 to index
    %get3A_788 = arith.constant 96 : index
    %get3A_789 = tpu.vector_load %arg7[%get3A_787, %get3A_788] {strides = array<i32>} : memref<25x128xi32, #tpu.memory_space<vmem>>, vector<16xi32>,
    tpu.vector_store_idx %arg9[%get3A_789], %broadcast_in_dim3A_72 {add = true} : memref<544xf32, #tpu.memory_space<vmem>>[vector<16xi32>], vector<16xf32>,
    %get3A_790 = arith.constant 20 : i32
    %get3A_791 = arith.index_cast %get3A_790 : i32 to index
    %get3A_792 = arith.constant 112 : index
    %get3A_793 = tpu.vector_load %arg7[%get3A_791, %get3A_792] {strides = array<i32>} : memref<25x128xi32, #tpu.memory_space<vmem>>, vector<16xi32>,
    tpu.vector_store_idx %arg9[%get3A_793], %broadcast_in_dim3A_72 {add = true} : memref<544xf32, #tpu.memory_space<vmem>>[vector<16xi32>], vector<16xf32>,
    %run_scoped3A_794 = arith.constant 21 : i32
    "tpu.region"() ({
      %run_scoped3A_929 = tpu.sem_alloc : memref<!tpu.dma_semaphore, #tpu.memory_space<semaphore_mem>>
      %dma_start3A = arith.constant 128 : i32
      %dma_start3A_930 = arith.constant 0 : i32
      %dma_start3A_931 = tpu.memref_slice %arg8[%dma_start3A, %dma_start3A_930] : memref<640x128xf32, #tpu.memory_space<vmem>> -> memref<128x128xf32, #tpu.memory_space<vmem>>
      %dma_start3A_932 = arith.constant 0 : i32
      %dma_start3A_933 = tpu.memref_slice %arg7[%run_scoped3A_794, %dma_start3A_932] : memref<25x128xi32, #tpu.memory_space<vmem>> -> memref<1x128xi32, #tpu.memory_space<vmem>>
      %dma_start3A_934 = tpu.memref_squeeze %dma_start3A_933 : memref<1x128xi32, #tpu.memory_space<vmem>> -> memref<128xi32, #tpu.memory_space<vmem>>
      %dma_start3A_935 = arith.constant 0 : i32
      %dma_start3A_936 = arith.constant 0 : i32
      %dma_start3A_937 = tpu.memref_slice %arg10[%dma_start3A_935, %dma_start3A_936] : memref<513x128xf32, #tpu.memory_space<vmem_shared>> -> memref<513x128xf32, #tpu.memory_space<vmem_shared>>
      tpu.enqueue_indirect_dma source(%dma_start3A_931 : memref<128x128xf32, #tpu.memory_space<vmem>>) target(%dma_start3A_937 : memref<513x128xf32, #tpu.memory_space<vmem_shared>>) offsets(%dma_start3A_934 : memref<128xi32, #tpu.memory_space<vmem>>) semaphore(%run_scoped3A_929 : memref<!tpu.dma_semaphore, #tpu.memory_space<semaphore_mem>>) {add = true}
      %dma_wait3A = arith.constant 128 : i32
      %dma_wait3A_938 = arith.constant 0 : i32
      %dma_wait3A_939 = tpu.memref_slice %arg8[%dma_wait3A, %dma_wait3A_938] : memref<640x128xf32, #tpu.memory_space<vmem>> -> memref<128x128xf32, #tpu.memory_space<vmem>>
      %dma_wait3A_940 = arith.constant 0 : i32
      %dma_wait3A_941 = tpu.memref_slice %arg7[%run_scoped3A_794, %dma_wait3A_940] : memref<25x128xi32, #tpu.memory_space<vmem>> -> memref<1x128xi32, #tpu.memory_space<vmem>>
      %dma_wait3A_942 = tpu.memref_squeeze %dma_wait3A_941 : memref<1x128xi32, #tpu.memory_space<vmem>> -> memref<128xi32, #tpu.memory_space<vmem>>
      %dma_wait3A_943 = arith.constant 0 : i32
      %dma_wait3A_944 = arith.constant 0 : i32
      %dma_wait3A_945 = tpu.memref_slice %arg10[%dma_wait3A_943, %dma_wait3A_944] : memref<513x128xf32, #tpu.memory_space<vmem_shared>> -> memref<513x128xf32, #tpu.memory_space<vmem_shared>>
      tpu.wait_indirect_dma semaphore(%run_scoped3A_929 : memref<!tpu.dma_semaphore, #tpu.memory_space<semaphore_mem>>) src(%dma_wait3A_939 : memref<128x128xf32, #tpu.memory_space<vmem>>) dst(%dma_wait3A_945 : memref<513x128xf32, #tpu.memory_space<vmem_shared>>)
      tpu.yield
    }) : () -> ()
    %get3A_795 = arith.constant 21 : i32
    %get3A_796 = arith.index_cast %get3A_795 : i32 to index
    %get3A_797 = arith.constant 0 : index
    %get3A_798 = tpu.vector_load %arg7[%get3A_796, %get3A_797] {strides = array<i32>} : memref<25x128xi32, #tpu.memory_space<vmem>>, vector<16xi32>,
    tpu.vector_store_idx %arg9[%get3A_798], %broadcast_in_dim3A_72 {add = true} : memref<544xf32, #tpu.memory_space<vmem>>[vector<16xi32>], vector<16xf32>,
    %get3A_799 = arith.constant 21 : i32
    %get3A_800 = arith.index_cast %get3A_799 : i32 to index
    %get3A_801 = arith.constant 16 : index
    %get3A_802 = tpu.vector_load %arg7[%get3A_800, %get3A_801] {strides = array<i32>} : memref<25x128xi32, #tpu.memory_space<vmem>>, vector<16xi32>,
    tpu.vector_store_idx %arg9[%get3A_802], %broadcast_in_dim3A_72 {add = true} : memref<544xf32, #tpu.memory_space<vmem>>[vector<16xi32>], vector<16xf32>,
    %get3A_803 = arith.constant 21 : i32
    %get3A_804 = arith.index_cast %get3A_803 : i32 to index
    %get3A_805 = arith.constant 32 : index
    %get3A_806 = tpu.vector_load %arg7[%get3A_804, %get3A_805] {strides = array<i32>} : memref<25x128xi32, #tpu.memory_space<vmem>>, vector<16xi32>,
    tpu.vector_store_idx %arg9[%get3A_806], %broadcast_in_dim3A_72 {add = true} : memref<544xf32, #tpu.memory_space<vmem>>[vector<16xi32>], vector<16xf32>,
    %get3A_807 = arith.constant 21 : i32
    %get3A_808 = arith.index_cast %get3A_807 : i32 to index
    %get3A_809 = arith.constant 48 : index
    %get3A_810 = tpu.vector_load %arg7[%get3A_808, %get3A_809] {strides = array<i32>} : memref<25x128xi32, #tpu.memory_space<vmem>>, vector<16xi32>,
    tpu.vector_store_idx %arg9[%get3A_810], %broadcast_in_dim3A_72 {add = true} : memref<544xf32, #tpu.memory_space<vmem>>[vector<16xi32>], vector<16xf32>,
    %get3A_811 = arith.constant 21 : i32
    %get3A_812 = arith.index_cast %get3A_811 : i32 to index
    %get3A_813 = arith.constant 64 : index
    %get3A_814 = tpu.vector_load %arg7[%get3A_812, %get3A_813] {strides = array<i32>} : memref<25x128xi32, #tpu.memory_space<vmem>>, vector<16xi32>,
    tpu.vector_store_idx %arg9[%get3A_814], %broadcast_in_dim3A_72 {add = true} : memref<544xf32, #tpu.memory_space<vmem>>[vector<16xi32>], vector<16xf32>,
    %get3A_815 = arith.constant 21 : i32
    %get3A_816 = arith.index_cast %get3A_815 : i32 to index
    %get3A_817 = arith.constant 80 : index
    %get3A_818 = tpu.vector_load %arg7[%get3A_816, %get3A_817] {strides = array<i32>} : memref<25x128xi32, #tpu.memory_space<vmem>>, vector<16xi32>,
    tpu.vector_store_idx %arg9[%get3A_818], %broadcast_in_dim3A_72 {add = true} : memref<544xf32, #tpu.memory_space<vmem>>[vector<16xi32>], vector<16xf32>,
    %get3A_819 = arith.constant 21 : i32
    %get3A_820 = arith.index_cast %get3A_819 : i32 to index
    %get3A_821 = arith.constant 96 : index
    %get3A_822 = tpu.vector_load %arg7[%get3A_820, %get3A_821] {strides = array<i32>} : memref<25x128xi32, #tpu.memory_space<vmem>>, vector<16xi32>,
    tpu.vector_store_idx %arg9[%get3A_822], %broadcast_in_dim3A_72 {add = true} : memref<544xf32, #tpu.memory_space<vmem>>[vector<16xi32>], vector<16xf32>,
    %get3A_823 = arith.constant 21 : i32
    %get3A_824 = arith.index_cast %get3A_823 : i32 to index
    %get3A_825 = arith.constant 112 : index
    %get3A_826 = tpu.vector_load %arg7[%get3A_824, %get3A_825] {strides = array<i32>} : memref<25x128xi32, #tpu.memory_space<vmem>>, vector<16xi32>,
    tpu.vector_store_idx %arg9[%get3A_826], %broadcast_in_dim3A_72 {add = true} : memref<544xf32, #tpu.memory_space<vmem>>[vector<16xi32>], vector<16xf32>,
    %run_scoped3A_827 = arith.constant 22 : i32
    "tpu.region"() ({
      %run_scoped3A_929 = tpu.sem_alloc : memref<!tpu.dma_semaphore, #tpu.memory_space<semaphore_mem>>
      %dma_start3A = arith.constant 256 : i32
      %dma_start3A_930 = arith.constant 0 : i32
      %dma_start3A_931 = tpu.memref_slice %arg8[%dma_start3A, %dma_start3A_930] : memref<640x128xf32, #tpu.memory_space<vmem>> -> memref<128x128xf32, #tpu.memory_space<vmem>>
      %dma_start3A_932 = arith.constant 0 : i32
      %dma_start3A_933 = tpu.memref_slice %arg7[%run_scoped3A_827, %dma_start3A_932] : memref<25x128xi32, #tpu.memory_space<vmem>> -> memref<1x128xi32, #tpu.memory_space<vmem>>
      %dma_start3A_934 = tpu.memref_squeeze %dma_start3A_933 : memref<1x128xi32, #tpu.memory_space<vmem>> -> memref<128xi32, #tpu.memory_space<vmem>>
      %dma_start3A_935 = arith.constant 0 : i32
      %dma_start3A_936 = arith.constant 0 : i32
      %dma_start3A_937 = tpu.memref_slice %arg10[%dma_start3A_935, %dma_start3A_936] : memref<513x128xf32, #tpu.memory_space<vmem_shared>> -> memref<513x128xf32, #tpu.memory_space<vmem_shared>>
      tpu.enqueue_indirect_dma source(%dma_start3A_931 : memref<128x128xf32, #tpu.memory_space<vmem>>) target(%dma_start3A_937 : memref<513x128xf32, #tpu.memory_space<vmem_shared>>) offsets(%dma_start3A_934 : memref<128xi32, #tpu.memory_space<vmem>>) semaphore(%run_scoped3A_929 : memref<!tpu.dma_semaphore, #tpu.memory_space<semaphore_mem>>) {add = true}
      %dma_wait3A = arith.constant 256 : i32
      %dma_wait3A_938 = arith.constant 0 : i32
      %dma_wait3A_939 = tpu.memref_slice %arg8[%dma_wait3A, %dma_wait3A_938] : memref<640x128xf32, #tpu.memory_space<vmem>> -> memref<128x128xf32, #tpu.memory_space<vmem>>
      %dma_wait3A_940 = arith.constant 0 : i32
      %dma_wait3A_941 = tpu.memref_slice %arg7[%run_scoped3A_827, %dma_wait3A_940] : memref<25x128xi32, #tpu.memory_space<vmem>> -> memref<1x128xi32, #tpu.memory_space<vmem>>
      %dma_wait3A_942 = tpu.memref_squeeze %dma_wait3A_941 : memref<1x128xi32, #tpu.memory_space<vmem>> -> memref<128xi32, #tpu.memory_space<vmem>>
      %dma_wait3A_943 = arith.constant 0 : i32
      %dma_wait3A_944 = arith.constant 0 : i32
      %dma_wait3A_945 = tpu.memref_slice %arg10[%dma_wait3A_943, %dma_wait3A_944] : memref<513x128xf32, #tpu.memory_space<vmem_shared>> -> memref<513x128xf32, #tpu.memory_space<vmem_shared>>
      tpu.wait_indirect_dma semaphore(%run_scoped3A_929 : memref<!tpu.dma_semaphore, #tpu.memory_space<semaphore_mem>>) src(%dma_wait3A_939 : memref<128x128xf32, #tpu.memory_space<vmem>>) dst(%dma_wait3A_945 : memref<513x128xf32, #tpu.memory_space<vmem_shared>>)
      tpu.yield
    }) : () -> ()
    %get3A_828 = arith.constant 22 : i32
    %get3A_829 = arith.index_cast %get3A_828 : i32 to index
    %get3A_830 = arith.constant 0 : index
    %get3A_831 = tpu.vector_load %arg7[%get3A_829, %get3A_830] {strides = array<i32>} : memref<25x128xi32, #tpu.memory_space<vmem>>, vector<16xi32>,
    tpu.vector_store_idx %arg9[%get3A_831], %broadcast_in_dim3A_72 {add = true} : memref<544xf32, #tpu.memory_space<vmem>>[vector<16xi32>], vector<16xf32>,
    %get3A_832 = arith.constant 22 : i32
    %get3A_833 = arith.index_cast %get3A_832 : i32 to index
    %get3A_834 = arith.constant 16 : index
    %get3A_835 = tpu.vector_load %arg7[%get3A_833, %get3A_834] {strides = array<i32>} : memref<25x128xi32, #tpu.memory_space<vmem>>, vector<16xi32>,
    tpu.vector_store_idx %arg9[%get3A_835], %broadcast_in_dim3A_72 {add = true} : memref<544xf32, #tpu.memory_space<vmem>>[vector<16xi32>], vector<16xf32>,
    %get3A_836 = arith.constant 22 : i32
    %get3A_837 = arith.index_cast %get3A_836 : i32 to index
    %get3A_838 = arith.constant 32 : index
    %get3A_839 = tpu.vector_load %arg7[%get3A_837, %get3A_838] {strides = array<i32>} : memref<25x128xi32, #tpu.memory_space<vmem>>, vector<16xi32>,
    tpu.vector_store_idx %arg9[%get3A_839], %broadcast_in_dim3A_72 {add = true} : memref<544xf32, #tpu.memory_space<vmem>>[vector<16xi32>], vector<16xf32>,
    %get3A_840 = arith.constant 22 : i32
    %get3A_841 = arith.index_cast %get3A_840 : i32 to index
    %get3A_842 = arith.constant 48 : index
    %get3A_843 = tpu.vector_load %arg7[%get3A_841, %get3A_842] {strides = array<i32>} : memref<25x128xi32, #tpu.memory_space<vmem>>, vector<16xi32>,
    tpu.vector_store_idx %arg9[%get3A_843], %broadcast_in_dim3A_72 {add = true} : memref<544xf32, #tpu.memory_space<vmem>>[vector<16xi32>], vector<16xf32>,
    %get3A_844 = arith.constant 22 : i32
    %get3A_845 = arith.index_cast %get3A_844 : i32 to index
    %get3A_846 = arith.constant 64 : index
    %get3A_847 = tpu.vector_load %arg7[%get3A_845, %get3A_846] {strides = array<i32>} : memref<25x128xi32, #tpu.memory_space<vmem>>, vector<16xi32>,
    tpu.vector_store_idx %arg9[%get3A_847], %broadcast_in_dim3A_72 {add = true} : memref<544xf32, #tpu.memory_space<vmem>>[vector<16xi32>], vector<16xf32>,
    %get3A_848 = arith.constant 22 : i32
    %get3A_849 = arith.index_cast %get3A_848 : i32 to index
    %get3A_850 = arith.constant 80 : index
    %get3A_851 = tpu.vector_load %arg7[%get3A_849, %get3A_850] {strides = array<i32>} : memref<25x128xi32, #tpu.memory_space<vmem>>, vector<16xi32>,
    tpu.vector_store_idx %arg9[%get3A_851], %broadcast_in_dim3A_72 {add = true} : memref<544xf32, #tpu.memory_space<vmem>>[vector<16xi32>], vector<16xf32>,
    %get3A_852 = arith.constant 22 : i32
    %get3A_853 = arith.index_cast %get3A_852 : i32 to index
    %get3A_854 = arith.constant 96 : index
    %get3A_855 = tpu.vector_load %arg7[%get3A_853, %get3A_854] {strides = array<i32>} : memref<25x128xi32, #tpu.memory_space<vmem>>, vector<16xi32>,
    tpu.vector_store_idx %arg9[%get3A_855], %broadcast_in_dim3A_72 {add = true} : memref<544xf32, #tpu.memory_space<vmem>>[vector<16xi32>], vector<16xf32>,
    %get3A_856 = arith.constant 22 : i32
    %get3A_857 = arith.index_cast %get3A_856 : i32 to index
    %get3A_858 = arith.constant 112 : index
    %get3A_859 = tpu.vector_load %arg7[%get3A_857, %get3A_858] {strides = array<i32>} : memref<25x128xi32, #tpu.memory_space<vmem>>, vector<16xi32>,
    tpu.vector_store_idx %arg9[%get3A_859], %broadcast_in_dim3A_72 {add = true} : memref<544xf32, #tpu.memory_space<vmem>>[vector<16xi32>], vector<16xf32>,
    %run_scoped3A_860 = arith.constant 23 : i32
    "tpu.region"() ({
      %run_scoped3A_929 = tpu.sem_alloc : memref<!tpu.dma_semaphore, #tpu.memory_space<semaphore_mem>>
      %dma_start3A = arith.constant 384 : i32
      %dma_start3A_930 = arith.constant 0 : i32
      %dma_start3A_931 = tpu.memref_slice %arg8[%dma_start3A, %dma_start3A_930] : memref<640x128xf32, #tpu.memory_space<vmem>> -> memref<128x128xf32, #tpu.memory_space<vmem>>
      %dma_start3A_932 = arith.constant 0 : i32
      %dma_start3A_933 = tpu.memref_slice %arg7[%run_scoped3A_860, %dma_start3A_932] : memref<25x128xi32, #tpu.memory_space<vmem>> -> memref<1x128xi32, #tpu.memory_space<vmem>>
      %dma_start3A_934 = tpu.memref_squeeze %dma_start3A_933 : memref<1x128xi32, #tpu.memory_space<vmem>> -> memref<128xi32, #tpu.memory_space<vmem>>
      %dma_start3A_935 = arith.constant 0 : i32
      %dma_start3A_936 = arith.constant 0 : i32
      %dma_start3A_937 = tpu.memref_slice %arg10[%dma_start3A_935, %dma_start3A_936] : memref<513x128xf32, #tpu.memory_space<vmem_shared>> -> memref<513x128xf32, #tpu.memory_space<vmem_shared>>
      tpu.enqueue_indirect_dma source(%dma_start3A_931 : memref<128x128xf32, #tpu.memory_space<vmem>>) target(%dma_start3A_937 : memref<513x128xf32, #tpu.memory_space<vmem_shared>>) offsets(%dma_start3A_934 : memref<128xi32, #tpu.memory_space<vmem>>) semaphore(%run_scoped3A_929 : memref<!tpu.dma_semaphore, #tpu.memory_space<semaphore_mem>>) {add = true}
      %dma_wait3A = arith.constant 384 : i32
      %dma_wait3A_938 = arith.constant 0 : i32
      %dma_wait3A_939 = tpu.memref_slice %arg8[%dma_wait3A, %dma_wait3A_938] : memref<640x128xf32, #tpu.memory_space<vmem>> -> memref<128x128xf32, #tpu.memory_space<vmem>>
      %dma_wait3A_940 = arith.constant 0 : i32
      %dma_wait3A_941 = tpu.memref_slice %arg7[%run_scoped3A_860, %dma_wait3A_940] : memref<25x128xi32, #tpu.memory_space<vmem>> -> memref<1x128xi32, #tpu.memory_space<vmem>>
      %dma_wait3A_942 = tpu.memref_squeeze %dma_wait3A_941 : memref<1x128xi32, #tpu.memory_space<vmem>> -> memref<128xi32, #tpu.memory_space<vmem>>
      %dma_wait3A_943 = arith.constant 0 : i32
      %dma_wait3A_944 = arith.constant 0 : i32
      %dma_wait3A_945 = tpu.memref_slice %arg10[%dma_wait3A_943, %dma_wait3A_944] : memref<513x128xf32, #tpu.memory_space<vmem_shared>> -> memref<513x128xf32, #tpu.memory_space<vmem_shared>>
      tpu.wait_indirect_dma semaphore(%run_scoped3A_929 : memref<!tpu.dma_semaphore, #tpu.memory_space<semaphore_mem>>) src(%dma_wait3A_939 : memref<128x128xf32, #tpu.memory_space<vmem>>) dst(%dma_wait3A_945 : memref<513x128xf32, #tpu.memory_space<vmem_shared>>)
      tpu.yield
    }) : () -> ()
    %get3A_861 = arith.constant 23 : i32
    %get3A_862 = arith.index_cast %get3A_861 : i32 to index
    %get3A_863 = arith.constant 0 : index
    %get3A_864 = tpu.vector_load %arg7[%get3A_862, %get3A_863] {strides = array<i32>} : memref<25x128xi32, #tpu.memory_space<vmem>>, vector<16xi32>,
    tpu.vector_store_idx %arg9[%get3A_864], %broadcast_in_dim3A_72 {add = true} : memref<544xf32, #tpu.memory_space<vmem>>[vector<16xi32>], vector<16xf32>,
    %get3A_865 = arith.constant 23 : i32
    %get3A_866 = arith.index_cast %get3A_865 : i32 to index
    %get3A_867 = arith.constant 16 : index
    %get3A_868 = tpu.vector_load %arg7[%get3A_866, %get3A_867] {strides = array<i32>} : memref<25x128xi32, #tpu.memory_space<vmem>>, vector<16xi32>,
    tpu.vector_store_idx %arg9[%get3A_868], %broadcast_in_dim3A_72 {add = true} : memref<544xf32, #tpu.memory_space<vmem>>[vector<16xi32>], vector<16xf32>,
    %get3A_869 = arith.constant 23 : i32
    %get3A_870 = arith.index_cast %get3A_869 : i32 to index
    %get3A_871 = arith.constant 32 : index
    %get3A_872 = tpu.vector_load %arg7[%get3A_870, %get3A_871] {strides = array<i32>} : memref<25x128xi32, #tpu.memory_space<vmem>>, vector<16xi32>,
    tpu.vector_store_idx %arg9[%get3A_872], %broadcast_in_dim3A_72 {add = true} : memref<544xf32, #tpu.memory_space<vmem>>[vector<16xi32>], vector<16xf32>,
    %get3A_873 = arith.constant 23 : i32
    %get3A_874 = arith.index_cast %get3A_873 : i32 to index
    %get3A_875 = arith.constant 48 : index
    %get3A_876 = tpu.vector_load %arg7[%get3A_874, %get3A_875] {strides = array<i32>} : memref<25x128xi32, #tpu.memory_space<vmem>>, vector<16xi32>,
    tpu.vector_store_idx %arg9[%get3A_876], %broadcast_in_dim3A_72 {add = true} : memref<544xf32, #tpu.memory_space<vmem>>[vector<16xi32>], vector<16xf32>,
    %get3A_877 = arith.constant 23 : i32
    %get3A_878 = arith.index_cast %get3A_877 : i32 to index
    %get3A_879 = arith.constant 64 : index
    %get3A_880 = tpu.vector_load %arg7[%get3A_878, %get3A_879] {strides = array<i32>} : memref<25x128xi32, #tpu.memory_space<vmem>>, vector<16xi32>,
    tpu.vector_store_idx %arg9[%get3A_880], %broadcast_in_dim3A_72 {add = true} : memref<544xf32, #tpu.memory_space<vmem>>[vector<16xi32>], vector<16xf32>,
    %get3A_881 = arith.constant 23 : i32
    %get3A_882 = arith.index_cast %get3A_881 : i32 to index
    %get3A_883 = arith.constant 80 : index
    %get3A_884 = tpu.vector_load %arg7[%get3A_882, %get3A_883] {strides = array<i32>} : memref<25x128xi32, #tpu.memory_space<vmem>>, vector<16xi32>,
    tpu.vector_store_idx %arg9[%get3A_884], %broadcast_in_dim3A_72 {add = true} : memref<544xf32, #tpu.memory_space<vmem>>[vector<16xi32>], vector<16xf32>,
    %get3A_885 = arith.constant 23 : i32
    %get3A_886 = arith.index_cast %get3A_885 : i32 to index
    %get3A_887 = arith.constant 96 : index
    %get3A_888 = tpu.vector_load %arg7[%get3A_886, %get3A_887] {strides = array<i32>} : memref<25x128xi32, #tpu.memory_space<vmem>>, vector<16xi32>,
    tpu.vector_store_idx %arg9[%get3A_888], %broadcast_in_dim3A_72 {add = true} : memref<544xf32, #tpu.memory_space<vmem>>[vector<16xi32>], vector<16xf32>,
    %get3A_889 = arith.constant 23 : i32
    %get3A_890 = arith.index_cast %get3A_889 : i32 to index
    %get3A_891 = arith.constant 112 : index
    %get3A_892 = tpu.vector_load %arg7[%get3A_890, %get3A_891] {strides = array<i32>} : memref<25x128xi32, #tpu.memory_space<vmem>>, vector<16xi32>,
    tpu.vector_store_idx %arg9[%get3A_892], %broadcast_in_dim3A_72 {add = true} : memref<544xf32, #tpu.memory_space<vmem>>[vector<16xi32>], vector<16xf32>,
    %run_scoped3A_893 = arith.constant 24 : i32
    "tpu.region"() ({
      %run_scoped3A_929 = tpu.sem_alloc : memref<!tpu.dma_semaphore, #tpu.memory_space<semaphore_mem>>
      %dma_start3A = arith.constant 512 : i32
      %dma_start3A_930 = arith.constant 0 : i32
      %dma_start3A_931 = tpu.memref_slice %arg8[%dma_start3A, %dma_start3A_930] : memref<640x128xf32, #tpu.memory_space<vmem>> -> memref<128x128xf32, #tpu.memory_space<vmem>>
      %dma_start3A_932 = arith.constant 0 : i32
      %dma_start3A_933 = tpu.memref_slice %arg7[%run_scoped3A_893, %dma_start3A_932] : memref<25x128xi32, #tpu.memory_space<vmem>> -> memref<1x128xi32, #tpu.memory_space<vmem>>
      %dma_start3A_934 = tpu.memref_squeeze %dma_start3A_933 : memref<1x128xi32, #tpu.memory_space<vmem>> -> memref<128xi32, #tpu.memory_space<vmem>>
      %dma_start3A_935 = arith.constant 0 : i32
      %dma_start3A_936 = arith.constant 0 : i32
      %dma_start3A_937 = tpu.memref_slice %arg10[%dma_start3A_935, %dma_start3A_936] : memref<513x128xf32, #tpu.memory_space<vmem_shared>> -> memref<513x128xf32, #tpu.memory_space<vmem_shared>>
      tpu.enqueue_indirect_dma source(%dma_start3A_931 : memref<128x128xf32, #tpu.memory_space<vmem>>) target(%dma_start3A_937 : memref<513x128xf32, #tpu.memory_space<vmem_shared>>) offsets(%dma_start3A_934 : memref<128xi32, #tpu.memory_space<vmem>>) semaphore(%run_scoped3A_929 : memref<!tpu.dma_semaphore, #tpu.memory_space<semaphore_mem>>) {add = true}
      %dma_wait3A = arith.constant 512 : i32
      %dma_wait3A_938 = arith.constant 0 : i32
      %dma_wait3A_939 = tpu.memref_slice %arg8[%dma_wait3A, %dma_wait3A_938] : memref<640x128xf32, #tpu.memory_space<vmem>> -> memref<128x128xf32, #tpu.memory_space<vmem>>
      %dma_wait3A_940 = arith.constant 0 : i32
      %dma_wait3A_941 = tpu.memref_slice %arg7[%run_scoped3A_893, %dma_wait3A_940] : memref<25x128xi32, #tpu.memory_space<vmem>> -> memref<1x128xi32, #tpu.memory_space<vmem>>
      %dma_wait3A_942 = tpu.memref_squeeze %dma_wait3A_941 : memref<1x128xi32, #tpu.memory_space<vmem>> -> memref<128xi32, #tpu.memory_space<vmem>>
      %dma_wait3A_943 = arith.constant 0 : i32
      %dma_wait3A_944 = arith.constant 0 : i32
      %dma_wait3A_945 = tpu.memref_slice %arg10[%dma_wait3A_943, %dma_wait3A_944] : memref<513x128xf32, #tpu.memory_space<vmem_shared>> -> memref<513x128xf32, #tpu.memory_space<vmem_shared>>
      tpu.wait_indirect_dma semaphore(%run_scoped3A_929 : memref<!tpu.dma_semaphore, #tpu.memory_space<semaphore_mem>>) src(%dma_wait3A_939 : memref<128x128xf32, #tpu.memory_space<vmem>>) dst(%dma_wait3A_945 : memref<513x128xf32, #tpu.memory_space<vmem_shared>>)
      tpu.yield
    }) : () -> ()
    %get3A_894 = arith.constant 24 : i32
    %get3A_895 = arith.index_cast %get3A_894 : i32 to index
    %get3A_896 = arith.constant 0 : index
    %get3A_897 = tpu.vector_load %arg7[%get3A_895, %get3A_896] {strides = array<i32>} : memref<25x128xi32, #tpu.memory_space<vmem>>, vector<16xi32>,
    tpu.vector_store_idx %arg9[%get3A_897], %broadcast_in_dim3A_72 {add = true} : memref<544xf32, #tpu.memory_space<vmem>>[vector<16xi32>], vector<16xf32>,
    %get3A_898 = arith.constant 24 : i32
    %get3A_899 = arith.index_cast %get3A_898 : i32 to index
    %get3A_900 = arith.constant 16 : index
    %get3A_901 = tpu.vector_load %arg7[%get3A_899, %get3A_900] {strides = array<i32>} : memref<25x128xi32, #tpu.memory_space<vmem>>, vector<16xi32>,
    tpu.vector_store_idx %arg9[%get3A_901], %broadcast_in_dim3A_72 {add = true} : memref<544xf32, #tpu.memory_space<vmem>>[vector<16xi32>], vector<16xf32>,
    %get3A_902 = arith.constant 24 : i32
    %get3A_903 = arith.index_cast %get3A_902 : i32 to index
    %get3A_904 = arith.constant 32 : index
    %get3A_905 = tpu.vector_load %arg7[%get3A_903, %get3A_904] {strides = array<i32>} : memref<25x128xi32, #tpu.memory_space<vmem>>, vector<16xi32>,
    tpu.vector_store_idx %arg9[%get3A_905], %broadcast_in_dim3A_72 {add = true} : memref<544xf32, #tpu.memory_space<vmem>>[vector<16xi32>], vector<16xf32>,
    %get3A_906 = arith.constant 24 : i32
    %get3A_907 = arith.index_cast %get3A_906 : i32 to index
    %get3A_908 = arith.constant 48 : index
    %get3A_909 = tpu.vector_load %arg7[%get3A_907, %get3A_908] {strides = array<i32>} : memref<25x128xi32, #tpu.memory_space<vmem>>, vector<16xi32>,
    tpu.vector_store_idx %arg9[%get3A_909], %broadcast_in_dim3A_72 {add = true} : memref<544xf32, #tpu.memory_space<vmem>>[vector<16xi32>], vector<16xf32>,
    %get3A_910 = arith.constant 24 : i32
    %get3A_911 = arith.index_cast %get3A_910 : i32 to index
    %get3A_912 = arith.constant 64 : index
    %get3A_913 = tpu.vector_load %arg7[%get3A_911, %get3A_912] {strides = array<i32>} : memref<25x128xi32, #tpu.memory_space<vmem>>, vector<16xi32>,
    tpu.vector_store_idx %arg9[%get3A_913], %broadcast_in_dim3A_72 {add = true} : memref<544xf32, #tpu.memory_space<vmem>>[vector<16xi32>], vector<16xf32>,
    %get3A_914 = arith.constant 24 : i32
    %get3A_915 = arith.index_cast %get3A_914 : i32 to index
    %get3A_916 = arith.constant 80 : index
    %get3A_917 = tpu.vector_load %arg7[%get3A_915, %get3A_916] {strides = array<i32>} : memref<25x128xi32, #tpu.memory_space<vmem>>, vector<16xi32>,
    tpu.vector_store_idx %arg9[%get3A_917], %broadcast_in_dim3A_72 {add = true} : memref<544xf32, #tpu.memory_space<vmem>>[vector<16xi32>], vector<16xf32>,
    %get3A_918 = arith.constant 24 : i32
    %get3A_919 = arith.index_cast %get3A_918 : i32 to index
    %get3A_920 = arith.constant 96 : index
    %get3A_921 = tpu.vector_load %arg7[%get3A_919, %get3A_920] {strides = array<i32>} : memref<25x128xi32, #tpu.memory_space<vmem>>, vector<16xi32>,
    tpu.vector_store_idx %arg9[%get3A_921], %broadcast_in_dim3A_72 {add = true} : memref<544xf32, #tpu.memory_space<vmem>>[vector<16xi32>], vector<16xf32>,
    %get3A_922 = arith.constant 24 : i32
    %get3A_923 = arith.index_cast %get3A_922 : i32 to index
    %get3A_924 = arith.constant 112 : index
    %get3A_925 = tpu.vector_load %arg7[%get3A_923, %get3A_924] {strides = array<i32>} : memref<25x128xi32, #tpu.memory_space<vmem>>, vector<16xi32>,
    tpu.vector_store_idx %arg9[%get3A_925], %broadcast_in_dim3A_72 {add = true} : memref<544xf32, #tpu.memory_space<vmem>>[vector<16xi32>], vector<16xf32>,
    "tpu.region"() ({
      %run_scoped3A_929 = tpu.sem_alloc : memref<!tpu.dma_semaphore, #tpu.memory_space<semaphore_mem>>
      %dma_start3A = arith.constant 0 : i32
      %dma_start3A_930 = tpu.memref_slice %arg6[%arg0, %arg1, %dma_start3A] : memref<2x16x544xf32, #tpu.memory_space<hbm>> -> memref<1x1x544xf32, #tpu.memory_space<hbm>>
      %dma_start3A_931 = tpu.memref_squeeze %dma_start3A_930 : memref<1x1x544xf32, #tpu.memory_space<hbm>> -> memref<544xf32, #tpu.memory_space<hbm>>
      %dma_start3A_932 = arith.constant 0 : i32
      %dma_start3A_933 = tpu.memref_slice %arg6[%arg0, %arg1, %dma_start3A_932] : memref<2x16x544xf32, #tpu.memory_space<hbm>> -> memref<1x1x544xf32, #tpu.memory_space<hbm>>
      %dma_start3A_934 = tpu.memref_squeeze %dma_start3A_933 : memref<1x1x544xf32, #tpu.memory_space<hbm>> -> memref<544xf32, #tpu.memory_space<hbm>>
      tpu.enqueue_dma source(%arg9 : memref<544xf32, #tpu.memory_space<vmem>>) target(%dma_start3A_934 : memref<544xf32, #tpu.memory_space<hbm>>) target_semaphore(%run_scoped3A_929 : memref<!tpu.dma_semaphore, #tpu.memory_space<semaphore_mem>>)
      %dma_wait3A = arith.constant 0 : i32
      %dma_wait3A_935 = tpu.memref_slice %arg6[%arg0, %arg1, %dma_wait3A] : memref<2x16x544xf32, #tpu.memory_space<hbm>> -> memref<1x1x544xf32, #tpu.memory_space<hbm>>
      %dma_wait3A_936 = tpu.memref_squeeze %dma_wait3A_935 : memref<1x1x544xf32, #tpu.memory_space<hbm>> -> memref<544xf32, #tpu.memory_space<hbm>>
      %dma_wait3A_937 = arith.constant 0 : i32
      %dma_wait3A_938 = tpu.memref_slice %arg6[%arg0, %arg1, %dma_wait3A_937] : memref<2x16x544xf32, #tpu.memory_space<hbm>> -> memref<1x1x544xf32, #tpu.memory_space<hbm>>
      %dma_wait3A_939 = tpu.memref_squeeze %dma_wait3A_938 : memref<1x1x544xf32, #tpu.memory_space<hbm>> -> memref<544xf32, #tpu.memory_space<hbm>>
      tpu.wait_dma2 semaphore(%run_scoped3A_929 : memref<!tpu.dma_semaphore, #tpu.memory_space<semaphore_mem>>) src(%arg9 : memref<544xf32, #tpu.memory_space<vmem>>) dst(%dma_wait3A_939 : memref<544xf32, #tpu.memory_space<hbm>>)
      tpu.yield
    }) : () -> ()
    %barrier3A_926 = arith.constant 0 : index
    tpu.barrier barrier_id(%barrier3A_926)
    %mul3A_927 = arith.constant 32 : i32
    %mul3A_928 = arith.muli %arg1, %mul3A_927 : i32
    "tpu.region"() ({
      %run_scoped3A_929 = tpu.sem_alloc : memref<!tpu.dma_semaphore, #tpu.memory_space<semaphore_mem>>
      %dma_start3A = arith.constant 0 : i32
      %dma_start3A_930 = tpu.memref_slice %arg5[%arg0, %mul3A_928, %dma_start3A] : memref<2x512x128xf32, #tpu.memory_space<hbm>> -> memref<1x32x128xf32, #tpu.memory_space<hbm>>
      %dma_start3A_931 = tpu.memref_squeeze %dma_start3A_930 : memref<1x32x128xf32, #tpu.memory_space<hbm>> -> memref<32x128xf32, #tpu.memory_space<hbm>>
      %dma_start3A_932 = arith.constant 0 : i32
      %dma_start3A_933 = tpu.memref_slice %arg10[%mul3A_928, %dma_start3A_932] : memref<513x128xf32, #tpu.memory_space<vmem_shared>> -> memref<32x128xf32, #tpu.memory_space<vmem_shared>>
      tpu.enqueue_dma source(%dma_start3A_933 : memref<32x128xf32, #tpu.memory_space<vmem_shared>>) target(%dma_start3A_931 : memref<32x128xf32, #tpu.memory_space<hbm>>) target_semaphore(%run_scoped3A_929 : memref<!tpu.dma_semaphore, #tpu.memory_space<semaphore_mem>>)
      %dma_wait3A = arith.constant 0 : i32
      %dma_wait3A_934 = tpu.memref_slice %arg5[%arg0, %mul3A_928, %dma_wait3A] : memref<2x512x128xf32, #tpu.memory_space<hbm>> -> memref<1x32x128xf32, #tpu.memory_space<hbm>>
      %dma_wait3A_935 = tpu.memref_squeeze %dma_wait3A_934 : memref<1x32x128xf32, #tpu.memory_space<hbm>> -> memref<32x128xf32, #tpu.memory_space<hbm>>
      %dma_wait3A_936 = arith.constant 0 : i32
      %dma_wait3A_937 = tpu.memref_slice %arg10[%mul3A_928, %dma_wait3A_936] : memref<513x128xf32, #tpu.memory_space<vmem_shared>> -> memref<32x128xf32, #tpu.memory_space<vmem_shared>>
      tpu.wait_dma2 semaphore(%run_scoped3A_929 : memref<!tpu.dma_semaphore, #tpu.memory_space<semaphore_mem>>) src(%dma_wait3A_937 : memref<32x128xf32, #tpu.memory_space<vmem_shared>>) dst(%dma_wait3A_935 : memref<32x128xf32, #tpu.memory_space<hbm>>)
      tpu.yield
    }) : () -> ()
    return
  }
}

module attributes {stable_mosaic.version = 14 : i64} {
  func.func @body(%arg0: i32, %arg1: memref<4096x128xf32, #tpu.memory_space<vmem>>, %arg2: memref<128x128xf32, #tpu.memory_space<vmem>>, %arg3: memref<1x128xf32, #tpu.memory_space<vmem>>, %arg4: memref<4096x128xf32, #tpu.memory_space<vmem>>) attributes {dimension_semantics = [#tpu.dimension_semantics<arbitrary>], iteration_bounds = array<i64: 25>, scalar_prefetch = 0 : i64, scratch_operands = 0 : i64, tpu.core_type = #tpu.core_type<tc>, window_params = [{transform_indices = @transform_0, window_bounds = array<i64: 4096, 128>}, {pipeline_mode = #tpu.pipeline_mode<synchronous>, transform_indices = @transform_1, window_bounds = array<i64: 128, 128>}, {pipeline_mode = #tpu.pipeline_mode<synchronous>, transform_indices = @transform_2, window_bounds = array<i64: 1, 128>}, {transform_indices = @transform_3, window_bounds = array<i64: 4096, 128>}]} {
    %get3A = arith.constant 0 : index
    %get3A_0 = arith.constant 0 : index
    %get3A_1 = vector.load %arg1[%get3A, %get3A_0] : memref<4096x128xf32, #tpu.memory_space<vmem>>, vector<4096x128xf32>
    %convert_element_type3A = arith.truncf %get3A_1 : vector<4096x128xf32> to vector<4096x128xbf16>
    %get3A_2 = arith.constant 0 : index
    %get3A_3 = arith.constant 0 : index
    %get3A_4 = vector.load %arg2[%get3A_2, %get3A_3] : memref<128x128xf32, #tpu.memory_space<vmem>>, vector<128x128xf32>
    %convert_element_type3A_5 = arith.truncf %get3A_4 : vector<128x128xf32> to vector<128x128xbf16>
    %dot_general3A = arith.constant dense<0.000000e+00> : vector<4096x128xf32>
    %dot_general3A_6 = tpu.matmul %convert_element_type3A, %convert_element_type3A_5, %dot_general3A {dimension_numbers = #tpu.dot_dimension_numbers<[1], [0], [0], [1], [0, 0, 1, 1], [], []>, transpose_lhs_hint = false} : vector<4096x128xbf16>, vector<128x128xbf16>, vector<4096x128xf32> -> vector<4096x128xf32>
    %get3A_7 = arith.constant 0 : index
    %get3A_8 = arith.constant 0 : index
    %get3A_9 = vector.load %arg3[%get3A_7, %get3A_8] : memref<1x128xf32, #tpu.memory_space<vmem>>, vector<1x128xf32>
    %add3A = vector.broadcast %get3A_9 : vector<1x128xf32> to vector<4096x128xf32>
    %add3A_10 = arith.addf %dot_general3A_6, %add3A : vector<4096x128xf32>
    %max3A = arith.constant 0.000000e+00 : f32
    %max3A_11 = vector.broadcast %max3A : f32 to vector<4096x128xf32>
    %max3A_12 = arith.maximumf %add3A_10, %max3A_11 : vector<4096x128xf32>
    %swap3A = arith.constant 0 : index
    %swap3A_13 = arith.constant 0 : index
    %swap3A_14 = vector.load %arg4[%swap3A, %swap3A_13] : memref<4096x128xf32, #tpu.memory_space<vmem>>, vector<4096x128xf32>
    tpu.vector_store %arg4[%swap3A, %swap3A_13], %max3A_12 {strides = array<i32>} : memref<4096x128xf32, #tpu.memory_space<vmem>>, vector<4096x128xf32>,
    return
  }
  func.func @transform_0(%arg0: i32) -> (i32, i32) {
    %c0_i32 = arith.constant 0 : i32
    %c0_i32_0 = arith.constant 0 : i32
    return %arg0, %c0_i32 : i32, i32
  }
  func.func @transform_1(%arg0: i32) -> (i32, i32) {
    %c0_i32 = arith.constant 0 : i32
    %c0_i32_0 = arith.constant 0 : i32
    %c0_i32_1 = arith.constant 0 : i32
    return %c0_i32, %c0_i32_0 : i32, i32
  }
  func.func @transform_2(%arg0: i32) -> (i32, i32) {
    %c0_i32 = arith.constant 0 : i32
    %c0_i32_0 = arith.constant 0 : i32
    %c0_i32_1 = arith.constant 0 : i32
    return %c0_i32, %c0_i32_0 : i32, i32
  }
  func.func @transform_3(%arg0: i32) -> (i32, i32) {
    %c0_i32 = arith.constant 0 : i32
    %c0_i32_0 = arith.constant 0 : i32
    return %arg0, %c0_i32 : i32, i32
  }
}

module attributes {stable_mosaic.version = 14 : i64} {
  func.func @body(%arg0: memref<2x512x128xf32, #tpu.memory_space<vmem>>, %arg1: memref<2x16x544xf32, #tpu.memory_space<vmem>>, %arg2: memref<128x10xf32, #tpu.memory_space<vmem>>, %arg3: memref<1x10xf32, #tpu.memory_space<vmem>>, %arg4: memref<512x10xf32, #tpu.memory_space<vmem>>) attributes {dimension_semantics = [], scalar_prefetch = 0 : i64, scratch_operands = 0 : i64, tpu.core_type = #tpu.core_type<tc>} {
    %get3A = arith.constant 0 : index
    %get3A_0 = arith.constant 0 : index
    %get3A_1 = arith.constant 0 : index
    %get3A_2 = vector.load %arg0[%get3A, %get3A_0, %get3A_1] : memref<2x512x128xf32, #tpu.memory_space<vmem>>, vector<1x512x128xf32>
    %get3A_3 = vector.shape_cast %get3A_2 : vector<1x512x128xf32> to vector<512x128xf32>
    %get3A_4 = arith.constant 1 : index
    %get3A_5 = arith.constant 0 : index
    %get3A_6 = arith.constant 0 : index
    %get3A_7 = vector.load %arg0[%get3A_4, %get3A_5, %get3A_6] : memref<2x512x128xf32, #tpu.memory_space<vmem>>, vector<1x512x128xf32>
    %get3A_8 = vector.shape_cast %get3A_7 : vector<1x512x128xf32> to vector<512x128xf32>
    %add3A = arith.addf %get3A_3, %get3A_8 : vector<512x128xf32>
    %get3A_9 = arith.constant 0 : index
    %get3A_10 = arith.constant 0 : index
    %get3A_11 = arith.constant 0 : index
    %get3A_12 = vector.load %arg1[%get3A_9, %get3A_10, %get3A_11] : memref<2x16x544xf32, #tpu.memory_space<vmem>>, vector<2x16x544xf32>
    %reshape3A = vector.shape_cast %get3A_12 : vector<2x16x544xf32> to vector<32x544xf32>
    %reduce_sum3A = arith.constant dense<0.000000e+00> : vector<544xf32>
    %reduce_sum3A_13 = vector.multi_reduction <add>, %reshape3A, %reduce_sum3A [0] : vector<32x544xf32> to vector<544xf32>
    %broadcast_in_dim3A = vector.shape_cast %reduce_sum3A_13 : vector<544xf32> to vector<1x544xf32>
    %slice3A = vector.extract_strided_slice %broadcast_in_dim3A {offsets = [0, 0], sizes = [1, 512], strides = [1, 1]} : vector<1x544xf32> to vector<1x512xf32>
    %iota3A = tpu.iota {dimensions = array<i32: 0>} : vector<512x512xi32>
    %iota3A_14 = tpu.iota {dimensions = array<i32: 1>} : vector<512x512xi32>
    %eq3A = arith.cmpi eq, %iota3A, %iota3A_14 : vector<512x512xi32>
    %jit3A = arith.constant 1.000000e+00 : f32
    %jit3A_15 = arith.constant 0.000000e+00 : f32
    %broadcast_in_dim3A_16 = vector.broadcast %jit3A : f32 to vector<512x512xf32>
    %broadcast_in_dim3A_17 = vector.broadcast %jit3A_15 : f32 to vector<512x512xf32>
    %select_n3A = arith.select %eq3A, %broadcast_in_dim3A_16, %broadcast_in_dim3A_17 : vector<512x512xi1>, vector<512x512xf32>
    %dot_general3A = arith.constant dense<0.000000e+00> : vector<512x1xf32>
    %dot_general3A_18 = tpu.matmul %select_n3A, %slice3A, %dot_general3A {dimension_numbers = #tpu.dot_dimension_numbers<[1], [1], [0], [0], [0, 0, 1, 0], [], []>, precision = #tpu.contract_precision<fp32>, transpose_lhs_hint = false} : vector<512x512xf32>, vector<1x512xf32>, vector<512x1xf32> -> vector<512x1xf32>
    %max3A = arith.constant 1.000000e+00 : f32
    %max3A_19 = vector.broadcast %max3A : f32 to vector<512x1xf32>
    %max3A_20 = arith.maximumf %dot_general3A_18, %max3A_19 : vector<512x1xf32>
    %div3A = vector.broadcast %max3A_20 : vector<512x1xf32> to vector<512x128xf32>
    %div3A_21 = arith.divf %add3A, %div3A : vector<512x128xf32>
    %get3A_22 = arith.constant 0 : index
    %get3A_23 = arith.constant 0 : index
    %get3A_24 = vector.load %arg2[%get3A_22, %get3A_23] : memref<128x10xf32, #tpu.memory_space<vmem>>, vector<128x10xf32>
    %dot_general3A_25 = arith.constant dense<0.000000e+00> : vector<512x10xf32>
    %dot_general3A_26 = tpu.matmul %div3A_21, %get3A_24, %dot_general3A_25 {dimension_numbers = #tpu.dot_dimension_numbers<[1], [0], [0], [1], [0, 0, 1, 1], [], []>, precision = #tpu.contract_precision<fp32>, transpose_lhs_hint = false} : vector<512x128xf32>, vector<128x10xf32>, vector<512x10xf32> -> vector<512x10xf32>
    %get3A_27 = arith.constant 0 : index
    %get3A_28 = arith.constant 0 : index
    %get3A_29 = vector.load %arg3[%get3A_27, %get3A_28] : memref<1x10xf32, #tpu.memory_space<vmem>>, vector<1x10xf32>
    %add3A_30 = vector.broadcast %get3A_29 : vector<1x10xf32> to vector<512x10xf32>
    %add3A_31 = arith.addf %dot_general3A_26, %add3A_30 : vector<512x10xf32>
    %swap3A = arith.constant 0 : index
    %swap3A_32 = arith.constant 0 : index
    %swap3A_33 = vector.load %arg4[%swap3A, %swap3A_32] : memref<512x10xf32, #tpu.memory_space<vmem>>, vector<512x10xf32>
    tpu.vector_store %arg4[%swap3A, %swap3A_32], %add3A_31 {strides = array<i32>} : memref<512x10xf32, #tpu.memory_space<vmem>>, vector<512x10xf32>,
    return
  }
}

</mosaic_0001>

<sc_bundles>
// kernel: kernel.5.cloned.1.call-start
scs
__scs_entry_jumppad:
0x0: {  	(pc) =	sbr.rel $0x88, $3  }
0x1: {  	(tag) =	ssettag $0x0;
	lr =	simm.s32 $0x1  }
0x2: {  	[smem:$0x3F9B] =	sst lr;
	_ =	strace $0xD0000000  }
0x3: {  	_ = 	snop  }
0x4: {  	_ = 	snop  }
0x5: {  	_ = 	snop  }
0x6: {  	_ = 	snop  }
0x7: {  	_ = 	snop  }
__scs_overlays_trampoline_lowered:
0x8: {  	[smem:$0x3FAA] =	sst s0  }
0x9: {  	[smem:$0x3FAB] =	sst s1  }
0xa: {  	[smem:$0x3FAC] =	sst s2  }
0xb: {  	[smem:$0x3FAD] =	sst s3  }
0xc: {  	[smem:$0x3FAE] =	sst s4  }
0xd: {  	[smem:$0x3FAF] =	sst s5  }
0xe: {  	[smem:$0x3FB0] =	sst s6  }
0xf: {  	[smem:$0x3FB1] =	sst s7  }
0x10: {  	[smem:$0x3FB2] =	sst s8  }
0x11: {  	[smem:$0x3FB3] =	sst s9;
	s0 =	simm.s32 @!p0 $0x0  }
0x12: {  	s1 =	sld [smem:$0x3F99];
	s0 =	simm.s32 @p0 $0x1  }
0x13: {  	[smem:$0x3FB4] =	sst s0;
	s0 =	simm.s32 @!p1 $0x0  }
0x14: {  	s2 =	sld [smem:$0x3F98];
	s0 =	simm.s32 @p1 $0x1  }
0x15: {  	[smem:$0x3FB5] =	sst s0;
	s0 =	simm.s32 @!p2 $0x0  }
0x16: {  	s3 =	sld [smem:$0x3FDB];
	s0 =	simm.s32 @p2 $0x1  }
0x17: {  	s4 =	simm.s32 $0x1BF5;
	[smem:$0x3FB7] =	sst s0  }
0x18: {  	s0 =	sld [smem:$0x3F9A];
	_ =	swait.ge [sflag:s4], $0x0  }
0x19: {  	s7 =	sld [smem:$0x3F9B]  }
0x1a: {  	s8 =	sadd.s32 $0xFFFFE003, lr  }
0x1b: {  	s9 =	sadd.s32 $0xFFFFFEF7, lr;
	s5 =	simm.s32 $0xFFFFFFFF;
	p2 =	slt.u32 s8, $0xFFFFF086  }
0x1c: {  	p1 =	slt.u32 s9, $0xF7A;
	s5 =	simm.s32 @!p2 $0x0  }
0x1d: {  	s5 =	simm.s32 @p1 $0x1;
	p0 =	seq.s32 s7, s2  }
0x1e: {  	s7 =	smul.u32 @!p0 $0xF7A, s2;
	p2 =	seq.s32 @!p0 s5, $0x0  }
0x1f: {  	s9 =	smul.u32 $0xF7A, s1;
	s8 =	simm.s32 @!p0 $0x1BF5;
	p2 =	por !p2, p0  }
0x20: {  	[sflag:s8] =	ssyncset.s32 @!p0 $0xFFFFF086;
	s6 =	sadd.s32 @!p0 s3, s7;
	s7 =	simm.s32 @!p0 $0x108  }
0x21: {  	s3 =	sadd.s32 s3, s9;
	s6 =	sadd.s32 @!p0 $0x88, s6;
	s7 =	simm.s32 @p2 $0x1082  }
0x22: {  	[simem:s7], [sflag:s8] =	dma.local @!p0 [hbm:s6], $0xF7A  }
0x23: {  	s9 =	sor.u32 $0xD0000000, s2;
	s6 =	simm.s32 $0x108;
	_ =	swait.ge @!p0 [sflag:s8], $0x0  }
0x24: {  	s3 =	sadd.s32 $0x88, s3;
	s6 =	simm.s32 @!p1 $0x1082;
	[sflag:s4] =	ssyncset.s32 $0xFFFFF086  }
0x25: {  	[simem:s6], [sflag:s4] =	dma.local [hbm:s3], $0xF7A  }
0x26: {  	[smem:$0x3F9B] =	sst s1;
	(tag) =	ssettag s2;
	_ =	strace s9  }
0x27: {  	s1 =	sld [smem:$0x3FAB]  }
0x28: {  	s2 =	sld [smem:$0x3FAC]  }
0x29: {  	s4 =	sld [smem:$0x3FAE]  }
0x2a: {  	p0 =	seq.s32 s5, $0x0;
	s5 =	sld [smem:$0x3FAF]  }
0x2b: {  	s6 =	sld [smem:$0x3FB0]  }
0x2c: {  	s7 =	sld [smem:$0x3FB1]  }
0x2d: {  	s3 =	simm.s32 $0x108;
	s8 =	sld [smem:$0x3FB2]  }
0x2e: {  	s3 =	simm.s32 @!p0 $0x1082;
	s9 =	sld [smem:$0x3FB3]  }
0x2f: {  	lr =	sadd.s32 s0, s3;
	s0 =	sld [smem:$0x3FAA]  }
0x30: {  	s3 =	sld [smem:$0x3FAD]  }
0x31: {  	[smem:$0x3FB6] =	sst s10  }
0x32: {  	s10 =	sld [smem:$0x3FB4];
	_ =	sdelay $0x3  }
0x33: {  	p0 =	seq.s32 s10, $0x1;
	s10 =	sld [smem:$0x3FB6];
	_ =	sdelay $0x3  }
0x34: {  	[smem:$0x3FB6] =	sst s10  }
0x35: {  	s10 =	sld [smem:$0x3FB5];
	_ =	sdelay $0x3  }
0x36: {  	p1 =	seq.s32 s10, $0x1;
	s10 =	sld [smem:$0x3FB6];
	_ =	sdelay $0x3  }
0x37: {  	[smem:$0x3FB6] =	sst s10  }
0x38: {  	s10 =	sld [smem:$0x3FB7]  }
0x39: {  	_ = 	snop;
	(pc) =	sbr.ind lr, $3  }
0x3a: {  	_ = 	snop  }
0x3b: {  	_ = 	snop  }
0x3c: {  	p2 =	seq.s32 s10, $0x1;
	s10 =	sld [smem:$0x3FB6]  }
0x3d: {  	_ =	shalt  }
0x3e: {  	_ =	shalt  }
0x3f: {  	_ =	shalt  }
0x40: {  	_ =	shalt  }
0x41: {  	_ =	shalt  }
0x42: {  	_ =	shalt  }
0x43: {  	_ =	shalt  }
0x44: {  	_ =	shalt  }
0x45: {  	_ =	shalt  }
0x46: {  	_ =	shalt  }
0x47: {  	_ =	shalt  }
0x48: {  	_ =	shalt  }
0x49: {  	_ =	shalt  }
0x4a: {  	_ =	shalt  }
0x4b: {  	_ =	shalt  }
0x4c: {  	_ =	shalt  }
0x4d: {  	_ =	shalt  }
0x4e: {  	_ =	shalt  }
0x4f: {  	_ =	shalt  }
0x50: {  	_ =	shalt  }
0x51: {  	_ =	shalt  }
0x52: {  	_ =	shalt  }
0x53: {  	_ =	shalt  }
0x54: {  	_ =	shalt  }
0x55: {  	_ =	shalt  }
0x56: {  	_ =	shalt  }
0x57: {  	_ =	shalt  }
0x58: {  	_ =	shalt  }
0x59: {  	_ =	shalt  }
0x5a: {  	_ =	shalt  }
0x5b: {  	_ =	shalt  }
0x5c: {  	_ =	shalt  }
0x5d: {  	_ =	shalt  }
0x5e: {  	_ =	shalt  }
0x5f: {  	_ =	shalt  }
0x60: {  	_ =	shalt  }
0x61: {  	_ =	shalt  }
0x62: {  	_ =	shalt  }
0x63: {  	_ =	shalt  }
0x64: {  	_ =	shalt  }
0x65: {  	_ =	shalt  }
0x66: {  	_ =	shalt  }
0x67: {  	_ =	shalt  }
0x68: {  	_ =	shalt  }
0x69: {  	_ =	shalt  }
0x6a: {  	_ =	shalt  }
0x6b: {  	_ =	shalt  }
0x6c: {  	_ =	shalt  }
0x6d: {  	_ =	shalt  }
0x6e: {  	_ =	shalt  }
0x6f: {  	_ =	shalt  }
0x70: {  	_ =	shalt  }
0x71: {  	_ =	shalt  }
0x72: {  	_ =	shalt  }
0x73: {  	_ =	shalt  }
0x74: {  	_ =	shalt  }
0x75: {  	_ =	shalt  }
0x76: {  	_ =	shalt  }
0x77: {  	_ =	shalt  }
0x78: {  	_ =	shalt  }
0x79: {  	_ =	shalt  }
0x7a: {  	_ =	shalt  }
0x7b: {  	_ =	shalt  }
0x7c: {  	_ =	shalt  }
0x7d: {  	_ =	shalt  }
0x7e: {  	_ =	shalt  }
0x7f: {  	_ =	shalt  }
0x80: {  	_ =	shalt  }
0x81: {  	_ =	shalt  }
0x82: {  	_ =	shalt  }
0x83: {  	_ =	shalt  }
0x84: {  	_ =	shalt  }
0x85: {  	_ =	shalt  }
0x86: {  	_ =	shalt  }
0x87: {  	_ =	shalt  }
.Lfunc_end0:
.L_simem_size_0:
called_computation_lowered:
.L_overlay_start_0:
0x88: {  	s2 =	sld [smem:$0x3FD9]  }
0x89: {  	s3 =	sld [smem:$0x3FFE];
	_ =	sdelay $0x1  }
0x8a: {  	s1 =	srdreg.scid  }
0x8b: {  	s0 =	sand.u32 $0x1, s1  }
0x8c: {  	s16 =	sshll.u32 s0, $0xA;
	s2 =	sadd.s32 s3, s2  }
0x8d: {  	s2 =	sadd.s32 s2, s16  }
0x8e: {  	[smem:$0x3FC2] =	sst s2  }
0x8f: {  	_ = 	snop  }
0x90: {  	(tm) =	ssettm $0x1  }
0x91: {  	s17 =	sld [smem:$0x3FFB];
	_ =	sdelay $0x3  }
0x92: {  	_ =	strace s17  }
0x93: {  	s2 =	sld [smem:$0x3FFC];
	_ =	sdelay $0x3  }
0x94: {  	_ =	strace s2  }
0x95: {  	s2 =	sld [smem:$0x3FFD];
	_ =	sdelay $0x3  }
0x96: {  	_ =	strace s2  }
0x97: {  	_ =	strace $0x8FFFFFFF  }
0x98: {  	s18 =	sld [smem:$0x3FDB];
	_ =	sdelay $0x1  }
0x99: {  	s19 =	simm.s32 $_scs_section_size  }
0x9a: {  	s4 =	simm.s32 $_size__tile_overlayer_lowered;
	s5 =	simm.s32 $_tile_overlayer_lowered  }
0x9b: {  	s22 =	simm.s32 $0x1BFF;
	s21 =	sshll.u32 s5, $0x1;
	s2 =	sadd.s32 s19, s18  }
0x9c: {  	s6 =	simm.s32 $0x0;
	s20 =	sshll.u32 s4, $0x1;
	s4 =	sadd.s32 s21, s2  }
0x9d: {  	[timem:s6], [sflag:s22] =	dma.local [hbm:s4], s20  }
0x9e: {  	_ =	swait.ge [sflag:s22], s20  }
0x9f: {  	s3 =	ssub.s32 $0x0, s20;
	[sflag:s22] =	ssyncset.done $0x0  }
0xa0: {  	[sflag:s22] =	ssyncadd.s32 s3;
	_ =	sdelay $0x1  }
0xa1: {  	s23 =	simm.s32 $0x1B8B  }
0xa2: {  	_ =	swait.ge [sflag:s23], $0x1  }
0xa3: {  	[sflag:s23] =	ssyncset.done $0x0  }
0xa4: {  	s25 =	simm.s32 $0x1B8E;
	s24 =	sld [smem:$0x3FFE];
	[sflag:s23] =	ssyncadd.s32 $0xFFFFFFFF  }
0xa5: {  	s26 =	simm.s32 $execute0_lowered;
	[smem:$0x3FD2] =	sst s25  }
0xa6: {  	s4 =	sshll.u32 s26, $0x1;
	_ =	strace $0x80000046;
	[dreg:$0x1] =	wrdreg $0xFFFFFFFF  }
0xa7: {  	s28 =	simm.s32 $_size_execute0_lowered;
	s2 =	sadd.s32 s2, s4;
	[dreg:$0x0] =	wrdreg $0x0  }
0xa8: {  	s4 =	sshll.u32 s28, $0x1;
	[dreg:$0x2] =	wrdreg s2  }
0xa9: {  	[dreg:$0x3] =	wrdreg s4  }
0xaa: {  	[dreg:$0x4] =	wrdreg $0xC0  }
0xab: {  	_ =	task [dreg:s6], $0x5FFFF  }
0xac: {  	[dreg:$0x1] =	wrdreg $0xFFFFFFFF  }
0xad: {  	[dreg:$0x0] =	wrdreg $0x60  }
0xae: {  	[dreg:$0x2] =	wrdreg s24  }
0xaf: {  	[dreg:$0x3] =	wrdreg $0x152800  }
0xb0: {  	[dreg:$0x4] =	wrdreg $0x9  }
0xb1: {  	_ =	task.clear_ibuf [dreg:s6], $0x5FFFF;
	_ =	strace $0x90000046  }
0xb2: {  	s29 =	simm.s32 $0x9;
	_ =	strace $0x80000048  }
0xb3: {  	_ =	swait.ge [sflag:s29], $0x1  }
0xb4: {  	[sflag:s29] =	ssyncadd.s32 $0xFFFFFFFF  }
0xb5: {  	_ =	strace $0x90000048  }
0xb6: {  	_ =	sfence  }
0xb7: {  	s30 =	sld [smem:$0x0];
	_ =	sdelay $0x2  }
0xb8: {  	s31 =	sshll.u32 s1, $0xD;
	s1 =	sshrl.u32 s1, $0x2  }
0xb9: {  	s3 =	sand.u32 $0x4000, s31;
	s1 =	sadd.s32 s1, s30  }
0xba: {  	s0 =	sor.u32 s3, s0;
	s1 =	sshll.u32 s1, $0x11  }
0xbb: {  	s0 =	sor.u32 s1, s0  }
0xbc: {  	s0 =	sadd.s32 $0x8F2B, s0  }
0xbd: {  	[sflag:s0] =	ssyncadd.remote.s32 $0x1  }
0xbe: {  	_ =	sfence.sel $0xFFFF  }
0xbf: {  	[dreg:$0x0] =	wrdreg $0xFFFFFFFF;
	(pc) =	sbr.abs _section_cstart, $3  }
0xc0: {  	[dreg:$0x1] =	wrdreg $0xFFFFFFFF  }
0xc1: {  	_ =	task.clear_ibuf [dreg:s6], $0x2FFFF;
	_ =	strace $0x9FFFFFFF  }
0xc2: {  	(tm) =	ssettm $0x7FFFFFFF  }
0xc3: {  	_ =	shalt  }
tec
execute0_lowered:
.L_overlay_start_1:
0x0: {  	(tag) =	ssettag $0x1  }
0x1: {  	s4 =	rddreg [dreg:$0x0]  }
0x2: {  	s1 =	rddreg [dreg:$0x1]  }
0x3: {  	s0 =	rddreg [dreg:$0x2];
	s2 =	simm.s32 $0x0  }
0x4: {  	s5 =	srdreg.scid;
	s3 =	stileid.u32;
	s22 =	simm.s32 $0x100  }
0x5: {  	s23 =	simm.s32 $0x180;
	s24 =	simm.s32 $0x200;
	s26 =	simm.s32 $0x280  }
0x6: {  	s28 =	simm.s32 $0x300;
	[smem:$0x7FF] =	sst s2;
	s5 =	sand.u32 $0x1, s5  }
0x7: {  	s6 =	sshll.u32 s3, $0x1;
	s8 =	sshrl.u32 s3, $0x3;
	s9 =	sadd.s32 $0x5400, s4  }
0x8: {  	s11 =	sadd.s32 $0x195400, s4;
	s12 =	sshll.u32 s3, $0x7;
	s30 =	sshll.u32 s3, $0x9  }
0x9: {  	p0 =	sne.s32 s3, $0x0;
	_ =	strace $0x80000047;
	[dreg:$0x3] =	wrdreg s11  }
0xa: {  	s21 =	sshll.u32 s3, $0xC;
	s7 =	smul.u32 $0x2800, s5;
	[dreg:$0xd] =	wrdreg s22  }
0xb: {  	s6 =	sor.u32 s5, s6;
	s8 =	smul.u32 $0x1400, s8;
	[dreg:$0xe] =	wrdreg s23  }
0xc: {  	s29 =	sand.u32 $0x380, s12;
	s11 =	sadd.s32 s30, s4;
	[dreg:$0xf] =	wrdreg s24  }
0xd: {  	s14 =	ssub.s32 $0x2, s5;
	s5 =	sshll.u32 s5, $0xD;
	[dreg:$0x10] =	wrdreg s26  }
0xe: {  	s25 =	sadd.s32 s21, s1;
	[dreg:$0x11] =	wrdreg s28;
	s30 =	simm.s32 $0x480  }
0xf: {  	s21 =	simm.s32 $0xA00;
	s22 =	simm.s32 $0xA80;
	s23 =	simm.s32 $0xB00  }
0x10: {  	s24 =	simm.s32 $0xB80;
	s26 =	simm.s32 $0xC00;
	s31 =	smul.u32 $0x14000, s6  }
0x11: {  	s10 =	sshll.u32 s6, $0x9;
	s6 =	smul.u32 $0x2800, s6;
	s16 =	sshrl.u32 s14, $0x1  }
0x12: {  	s5 =	sadd.s32 s5, s11;
	[dreg:$0x13] =	wrdreg s30;
	s11 =	simm.s32 $0xD000  }
0x13: {  	s25 =	sshrl.u32 s25, $0x3;
	s10 =	sadd.s32 s10, s4;
	s7 =	sadd.s32 s7, s8  }
0x14: {  	s20 =	sadd.s32 $0x197600, s5;
	s5 =	sshrl.u32 @!p0 s1, $0x3;
	s7 =	sor.u32 s29, s7  }
0x15: {  	s12 =	sadd.s32 $0x1400, s10;
	s8 =	sshrl.u32 s31, $0x3;
	[dreg:$0xb] =	wrdreg s20  }
0x16: {  	s6 =	sadd.s32 s9, s6;
	[dreg:$0xc] =	wrdreg s5;
	s5 =	simm.s32 $0x1  }
0x17: {  	s29 =	simm.s32 $0x380;
	s10 =	simm.s32 $0x9000;
	s31 =	simm.s32 $0x500  }
0x18: {  	s20 =	simm.s32 $0x980;
	s7 =	sshrl.u32 s7, $0x3;
	[dreg:$0x4] =	wrdreg s12  }
0x19: {  	s13 =	sadd.s32 s9, s8;
	[dreg:$0x5] =	wrdreg s6;
	s8 =	ssub.s32 s14, s16  }
0x1a: {  	s6 =	simm.s32 $0x1000;
	s9 =	simm.s32 $0x5000;
	[dreg:$0x12] =	wrdreg s29  }
0x1b: {  	[dreg:$0x14] =	wrdreg s31;
	s12 =	simm.s32 $0x11000;
	s14 =	simm.s32 $0x600  }
0x1c: {  	s16 =	simm.s32 $0x780;
	s15 =	sadd.s32 $0x50000, s13;
	[dreg:$0x16] =	wrdreg s14  }
0x1d: {  	s4 =	sadd.s32 s7, s4;
	s17 =	sadd.s32 $0xA0000, s13;
	[dreg:$0x6] =	wrdreg s15  }
0x1e: {  	s18 =	sadd.s32 $0xF0000, s13;
	s19 =	sadd.s32 $0x140000, s13;
	[dreg:$0x7] =	wrdreg s17  }
0x1f: {  	s7 =	simm.s32 $0x80;
	s13 =	simm.s32 $0x580;
	[dreg:$0x8] =	wrdreg s18  }
0x20: {  	s14 =	simm.s32 $0x680;
	[dreg:$0x9] =	wrdreg s19;
	s4 =	sadd.s32 $0x19B600, s4  }
0x21: {  	[dreg:$0x15] =	wrdreg s13;
	s13 =	simm.s32 $0x400;
	s15 =	simm.s32 $0x700  }
0x22: {  	s17 =	simm.s32 $0x800;
	s18 =	simm.s32 $0x880;
	s19 =	simm.s32 $0x900  }
0x23: {  	v0 =	vimm.f32 $0.0e+00;
	v1 =	vimm.f32 $1.000000000e+00;
	[dreg:$0xa] =	wrdreg s4;
	s4 =	smax.u32 s8, $0x1;
	s8 =	simm.s32 $0x15000  }
.LBB2_1:
0x24: {  	s28 =	rddreg [dreg:$0x3]  }
0x25: {  	s29 =	rddreg [dreg:$0xc];
	s30 =	simm.s32 @!p0 $0x1C01  }
0x26: {  	[spmem:s29], [sflag:s30] =	dma.local @!p0 [hbm:s28], $0x2010  }
0x27: {  	s28 =	simm.s32 @!p0 $0x1  }
0x28: {  	_ =	swait.ge @!p0 [sflag:s28], $0x2010  }
0x29: {  	[sflag:s28] =	ssyncset.done @!p0 $0x0  }
0x2a: {  	s31 =	rddreg [dreg:$0x4];
	[sflag:s28] =	ssyncadd.s32 @!p0 $0xFFFFDFF0  }
0x2b: {  	[tilespmem:s2], [sflag:$0x1] =	stream.linear.gather [hbm4b:s31+s2], $0xC80, $0x38;
	[tilespmem:$0x16288] =	vst v63  }
0x2c: {  	_ =	swait.ge [sflag:s5], $0xC80  }
0x2d: {  	[sflag:s5] =	ssyncset.done $0x0  }
0x2e: {  	[sflag:s5] =	ssyncadd.s32 $0xFFFFF380  }
0x2f: {  	[tilespmem:$0x15000] =	vst v0  }
0x30: {  	[tilespmem:$0x15010] =	vst v0  }
0x31: {  	[tilespmem:$0x15020] =	vst v0  }
0x32: {  	[tilespmem:$0x15030] =	vst v0  }
0x33: {  	[tilespmem:$0x15040] =	vst v0  }
0x34: {  	[tilespmem:$0x15050] =	vst v0  }
0x35: {  	[tilespmem:$0x15060] =	vst v0  }
0x36: {  	[tilespmem:$0x15070] =	vst v0  }
0x37: {  	[tilespmem:$0x15080] =	vst v0  }
0x38: {  	[tilespmem:$0x15090] =	vst v0  }
0x39: {  	[tilespmem:$0x150A0] =	vst v0  }
0x3a: {  	[tilespmem:$0x150B0] =	vst v0  }
0x3b: {  	[tilespmem:$0x150C0] =	vst v0  }
0x3c: {  	[tilespmem:$0x150D0] =	vst v0  }
0x3d: {  	[tilespmem:$0x150E0] =	vst v0  }
0x3e: {  	[tilespmem:$0x150F0] =	vst v0  }
0x3f: {  	[tilespmem:$0x15100] =	vst v0  }
0x40: {  	[tilespmem:$0x15110] =	vst v0  }
0x41: {  	[tilespmem:$0x15120] =	vst v0  }
0x42: {  	[tilespmem:$0x15130] =	vst v0  }
0x43: {  	[tilespmem:$0x15140] =	vst v0  }
0x44: {  	[tilespmem:$0x15150] =	vst v0  }
0x45: {  	[tilespmem:$0x15160] =	vst v0  }
0x46: {  	[tilespmem:$0x15170] =	vst v0  }
0x47: {  	[tilespmem:$0x15180] =	vst v0  }
0x48: {  	[tilespmem:$0x15190] =	vst v0  }
0x49: {  	[tilespmem:$0x151A0] =	vst v0  }
0x4a: {  	[tilespmem:$0x151B0] =	vst v0  }
0x4b: {  	[tilespmem:$0x151C0] =	vst v0  }
0x4c: {  	[tilespmem:$0x151D0] =	vst v0  }
0x4d: {  	[tilespmem:$0x151E0] =	vst v0  }
0x4e: {  	[tilespmem:$0x151F0] =	vst v0  }
0x4f: {  	[tilespmem:$0x15200] =	vst v0  }
0x50: {  	[tilespmem:$0x15210] =	vst v0  }
0x51: {  	[bflag:$0x0] =	sbarrier.arrive $0xFFFF  }
0x52: {  	s29 =	rddreg [dreg:$0x5]  }
0x53: {  	[tilespmem:s6], [sflag:$0x1] =	stream.linear.gather [hbm4b:s29+s2], $0x14000, $0x38;
	[tilespmem:$0x16288] =	vst v63  }
0x54: {  	_ =	swait.ge [sflag:s5], $0x14000  }
0x55: {  	[sflag:s5] =	ssyncset.done $0x0  }
0x56: {  	[sflag:s5] =	ssyncadd.s32 $0xFFFEC000  }
0x57: {  	[spmem:s1] =	stream.indirect.scatter.add.f32 [tilespmem:s6], [sflag:$0x1], $0x80, s2, s7, $0xb8;
	[tilespmem:$0x16288] =	vst v63  }
0x58: {  	_ =	swait.ge [sflag:s5], $0x4000  }
0x59: {  	[sflag:s5] =	ssyncset.done $0x0  }
0x5a: {  	[sflag:s5] =	ssyncadd.s32 $0xFFFFC000  }
0x5b: {  	v2 =	vld [tilespmem:$0x0];
	_ =	sdelay $0x7  }
0x5c: {  	[tilespmem:v2+s8+$0x0] =	vst.idx.add.f32.msk $0xffff, v1  }
0x5d: {  	v2 =	vld [tilespmem:$0x10];
	_ =	sdelay $0x7  }
0x5e: {  	[tilespmem:v2+s8+$0x0] =	vst.idx.add.f32.msk $0xffff, v1  }
0x5f: {  	v2 =	vld [tilespmem:$0x20];
	_ =	sdelay $0x7  }
0x60: {  	[tilespmem:v2+s8+$0x0] =	vst.idx.add.f32.msk $0xffff, v1  }
0x61: {  	v2 =	vld [tilespmem:$0x30];
	_ =	sdelay $0x7  }
0x62: {  	[tilespmem:v2+s8+$0x0] =	vst.idx.add.f32.msk $0xffff, v1  }
0x63: {  	v2 =	vld [tilespmem:$0x40];
	_ =	sdelay $0x7  }
0x64: {  	[tilespmem:v2+s8+$0x0] =	vst.idx.add.f32.msk $0xffff, v1  }
0x65: {  	v2 =	vld [tilespmem:$0x50];
	_ =	sdelay $0x7  }
0x66: {  	[tilespmem:v2+s8+$0x0] =	vst.idx.add.f32.msk $0xffff, v1  }
0x67: {  	v2 =	vld [tilespmem:$0x60];
	_ =	sdelay $0x7  }
0x68: {  	[tilespmem:v2+s8+$0x0] =	vst.idx.add.f32.msk $0xffff, v1  }
0x69: {  	v2 =	vld [tilespmem:$0x70];
	_ =	sdelay $0x7  }
0x6a: {  	[tilespmem:v2+s8+$0x0] =	vst.idx.add.f32.msk $0xffff, v1  }
0x6b: {  	[spmem:s1] =	stream.indirect.scatter.add.f32 [tilespmem:s9], [sflag:$0x1], $0x80, s7, s7, $0xb8;
	[tilespmem:$0x16288] =	vst v63  }
0x6c: {  	_ =	swait.ge [sflag:s5], $0x4000  }
0x6d: {  	[sflag:s5] =	ssyncset.done $0x0  }
0x6e: {  	[sflag:s5] =	ssyncadd.s32 $0xFFFFC000  }
0x6f: {  	v2 =	vld [tilespmem:$0x80];
	_ =	sdelay $0x7  }
0x70: {  	[tilespmem:v2+s8+$0x0] =	vst.idx.add.f32.msk $0xffff, v1  }
0x71: {  	v2 =	vld [tilespmem:$0x90];
	_ =	sdelay $0x7  }
0x72: {  	[tilespmem:v2+s8+$0x0] =	vst.idx.add.f32.msk $0xffff, v1  }
0x73: {  	v2 =	vld [tilespmem:$0xA0];
	_ =	sdelay $0x7  }
0x74: {  	[tilespmem:v2+s8+$0x0] =	vst.idx.add.f32.msk $0xffff, v1  }
0x75: {  	v2 =	vld [tilespmem:$0xB0];
	_ =	sdelay $0x7  }
0x76: {  	[tilespmem:v2+s8+$0x0] =	vst.idx.add.f32.msk $0xffff, v1  }
0x77: {  	v2 =	vld [tilespmem:$0xC0];
	_ =	sdelay $0x7  }
0x78: {  	[tilespmem:v2+s8+$0x0] =	vst.idx.add.f32.msk $0xffff, v1  }
0x79: {  	v2 =	vld [tilespmem:$0xD0];
	_ =	sdelay $0x7  }
0x7a: {  	[tilespmem:v2+s8+$0x0] =	vst.idx.add.f32.msk $0xffff, v1  }
0x7b: {  	v2 =	vld [tilespmem:$0xE0];
	_ =	sdelay $0x7  }
0x7c: {  	[tilespmem:v2+s8+$0x0] =	vst.idx.add.f32.msk $0xffff, v1  }
0x7d: {  	v2 =	vld [tilespmem:$0xF0];
	_ =	sdelay $0x7  }
0x7e: {  	s30 =	rddreg [dreg:$0xd];
	[tilespmem:v2+s8+$0x0] =	vst.idx.add.f32.msk $0xffff, v1  }
0x7f: {  	[spmem:s1] =	stream.indirect.scatter.add.f32 [tilespmem:s10], [sflag:$0x1], $0x80, s30, s7, $0xb8;
	[tilespmem:$0x16288] =	vst v63  }
0x80: {  	_ =	swait.ge [sflag:s5], $0x4000  }
0x81: {  	[sflag:s5] =	ssyncset.done $0x0  }
0x82: {  	[sflag:s5] =	ssyncadd.s32 $0xFFFFC000  }
0x83: {  	v2 =	vld [tilespmem:$0x100];
	_ =	sdelay $0x7  }
0x84: {  	[tilespmem:v2+s8+$0x0] =	vst.idx.add.f32.msk $0xffff, v1  }
0x85: {  	v2 =	vld [tilespmem:$0x110];
	_ =	sdelay $0x7  }
0x86: {  	[tilespmem:v2+s8+$0x0] =	vst.idx.add.f32.msk $0xffff, v1  }
0x87: {  	v2 =	vld [tilespmem:$0x120];
	_ =	sdelay $0x7  }
0x88: {  	[tilespmem:v2+s8+$0x0] =	vst.idx.add.f32.msk $0xffff, v1  }
0x89: {  	v2 =	vld [tilespmem:$0x130];
	_ =	sdelay $0x7  }
0x8a: {  	[tilespmem:v2+s8+$0x0] =	vst.idx.add.f32.msk $0xffff, v1  }
0x8b: {  	v2 =	vld [tilespmem:$0x140];
	_ =	sdelay $0x7  }
0x8c: {  	[tilespmem:v2+s8+$0x0] =	vst.idx.add.f32.msk $0xffff, v1  }
0x8d: {  	v2 =	vld [tilespmem:$0x150];
	_ =	sdelay $0x7  }
0x8e: {  	[tilespmem:v2+s8+$0x0] =	vst.idx.add.f32.msk $0xffff, v1  }
0x8f: {  	v2 =	vld [tilespmem:$0x160];
	_ =	sdelay $0x7  }
0x90: {  	[tilespmem:v2+s8+$0x0] =	vst.idx.add.f32.msk $0xffff, v1  }
0x91: {  	v2 =	vld [tilespmem:$0x170];
	_ =	sdelay $0x7  }
0x92: {  	s31 =	rddreg [dreg:$0xe];
	[tilespmem:v2+s8+$0x0] =	vst.idx.add.f32.msk $0xffff, v1  }
0x93: {  	[spmem:s1] =	stream.indirect.scatter.add.f32 [tilespmem:s11], [sflag:$0x1], $0x80, s31, s7, $0xb8;
	[tilespmem:$0x16288] =	vst v63  }
0x94: {  	_ =	swait.ge [sflag:s5], $0x4000  }
0x95: {  	[sflag:s5] =	ssyncset.done $0x0  }
0x96: {  	[sflag:s5] =	ssyncadd.s32 $0xFFFFC000  }
0x97: {  	v2 =	vld [tilespmem:$0x180];
	_ =	sdelay $0x7  }
0x98: {  	[tilespmem:v2+s8+$0x0] =	vst.idx.add.f32.msk $0xffff, v1  }
0x99: {  	v2 =	vld [tilespmem:$0x190];
	_ =	sdelay $0x7  }
0x9a: {  	[tilespmem:v2+s8+$0x0] =	vst.idx.add.f32.msk $0xffff, v1  }
0x9b: {  	v2 =	vld [tilespmem:$0x1A0];
	_ =	sdelay $0x7  }
0x9c: {  	[tilespmem:v2+s8+$0x0] =	vst.idx.add.f32.msk $0xffff, v1  }
0x9d: {  	v2 =	vld [tilespmem:$0x1B0];
	_ =	sdelay $0x7  }
0x9e: {  	[tilespmem:v2+s8+$0x0] =	vst.idx.add.f32.msk $0xffff, v1  }
0x9f: {  	v2 =	vld [tilespmem:$0x1C0];
	_ =	sdelay $0x7  }
0xa0: {  	[tilespmem:v2+s8+$0x0] =	vst.idx.add.f32.msk $0xffff, v1  }
0xa1: {  	v2 =	vld [tilespmem:$0x1D0];
	_ =	sdelay $0x7  }
0xa2: {  	[tilespmem:v2+s8+$0x0] =	vst.idx.add.f32.msk $0xffff, v1  }
0xa3: {  	v2 =	vld [tilespmem:$0x1E0];
	_ =	sdelay $0x7  }
0xa4: {  	[tilespmem:v2+s8+$0x0] =	vst.idx.add.f32.msk $0xffff, v1  }
0xa5: {  	v2 =	vld [tilespmem:$0x1F0];
	_ =	sdelay $0x7  }
0xa6: {  	s29 =	rddreg [dreg:$0xf];
	[tilespmem:v2+s8+$0x0] =	vst.idx.add.f32.msk $0xffff, v1  }
0xa7: {  	[spmem:s1] =	stream.indirect.scatter.add.f32 [tilespmem:s12], [sflag:$0x1], $0x80, s29, s7, $0xb8;
	[tilespmem:$0x16288] =	vst v63  }
0xa8: {  	_ =	swait.ge [sflag:s5], $0x4000  }
0xa9: {  	[sflag:s5] =	ssyncset.done $0x0  }
0xaa: {  	[sflag:s5] =	ssyncadd.s32 $0xFFFFC000  }
0xab: {  	v2 =	vld [tilespmem:$0x200];
	_ =	sdelay $0x7  }
0xac: {  	[tilespmem:v2+s8+$0x0] =	vst.idx.add.f32.msk $0xffff, v1  }
0xad: {  	v2 =	vld [tilespmem:$0x210];
	_ =	sdelay $0x7  }
0xae: {  	[tilespmem:v2+s8+$0x0] =	vst.idx.add.f32.msk $0xffff, v1  }
0xaf: {  	v2 =	vld [tilespmem:$0x220];
	_ =	sdelay $0x7  }
0xb0: {  	[tilespmem:v2+s8+$0x0] =	vst.idx.add.f32.msk $0xffff, v1  }
0xb1: {  	v2 =	vld [tilespmem:$0x230];
	_ =	sdelay $0x7  }
0xb2: {  	[tilespmem:v2+s8+$0x0] =	vst.idx.add.f32.msk $0xffff, v1  }
0xb3: {  	v2 =	vld [tilespmem:$0x240];
	_ =	sdelay $0x7  }
0xb4: {  	[tilespmem:v2+s8+$0x0] =	vst.idx.add.f32.msk $0xffff, v1  }
0xb5: {  	v2 =	vld [tilespmem:$0x250];
	_ =	sdelay $0x7  }
0xb6: {  	[tilespmem:v2+s8+$0x0] =	vst.idx.add.f32.msk $0xffff, v1  }
0xb7: {  	v2 =	vld [tilespmem:$0x260];
	_ =	sdelay $0x7  }
0xb8: {  	[tilespmem:v2+s8+$0x0] =	vst.idx.add.f32.msk $0xffff, v1  }
0xb9: {  	v2 =	vld [tilespmem:$0x270];
	_ =	sdelay $0x7  }
0xba: {  	s30 =	rddreg [dreg:$0x6];
	[tilespmem:v2+s8+$0x0] =	vst.idx.add.f32.msk $0xffff, v1  }
0xbb: {  	[tilespmem:s6], [sflag:$0x1] =	stream.linear.gather [hbm4b:s30+s2], $0x14000, $0x38;
	[tilespmem:$0x16288] =	vst v63  }
0xbc: {  	_ =	swait.ge [sflag:s5], $0x14000  }
0xbd: {  	[sflag:s5] =	ssyncset.done $0x0  }
0xbe: {  	s31 =	rddreg [dreg:$0x10];
	[sflag:s5] =	ssyncadd.s32 $0xFFFEC000  }
0xbf: {  	[spmem:s1] =	stream.indirect.scatter.add.f32 [tilespmem:s6], [sflag:$0x1], $0x80, s31, s7, $0xb8;
	[tilespmem:$0x16288] =	vst v63  }
0xc0: {  	_ =	swait.ge [sflag:s5], $0x4000  }
0xc1: {  	[sflag:s5] =	ssyncset.done $0x0  }
0xc2: {  	[sflag:s5] =	ssyncadd.s32 $0xFFFFC000  }
0xc3: {  	v2 =	vld [tilespmem:$0x280];
	_ =	sdelay $0x7  }
0xc4: {  	[tilespmem:v2+s8+$0x0] =	vst.idx.add.f32.msk $0xffff, v1  }
0xc5: {  	v2 =	vld [tilespmem:$0x290];
	_ =	sdelay $0x7  }
0xc6: {  	[tilespmem:v2+s8+$0x0] =	vst.idx.add.f32.msk $0xffff, v1  }
0xc7: {  	v2 =	vld [tilespmem:$0x2A0];
	_ =	sdelay $0x7  }
0xc8: {  	[tilespmem:v2+s8+$0x0] =	vst.idx.add.f32.msk $0xffff, v1  }
0xc9: {  	v2 =	vld [tilespmem:$0x2B0];
	_ =	sdelay $0x7  }
0xca: {  	[tilespmem:v2+s8+$0x0] =	vst.idx.add.f32.msk $0xffff, v1  }
0xcb: {  	v2 =	vld [tilespmem:$0x2C0];
	_ =	sdelay $0x7  }
0xcc: {  	[tilespmem:v2+s8+$0x0] =	vst.idx.add.f32.msk $0xffff, v1  }
0xcd: {  	v2 =	vld [tilespmem:$0x2D0];
	_ =	sdelay $0x7  }
0xce: {  	[tilespmem:v2+s8+$0x0] =	vst.idx.add.f32.msk $0xffff, v1  }
0xcf: {  	v2 =	vld [tilespmem:$0x2E0];
	_ =	sdelay $0x7  }
0xd0: {  	[tilespmem:v2+s8+$0x0] =	vst.idx.add.f32.msk $0xffff, v1  }
0xd1: {  	v2 =	vld [tilespmem:$0x2F0];
	_ =	sdelay $0x7  }
0xd2: {  	s29 =	rddreg [dreg:$0x11];
	[tilespmem:v2+s8+$0x0] =	vst.idx.add.f32.msk $0xffff, v1  }
0xd3: {  	[spmem:s1] =	stream.indirect.scatter.add.f32 [tilespmem:s9], [sflag:$0x1], $0x80, s29, s7, $0xb8;
	[tilespmem:$0x16288] =	vst v63  }
0xd4: {  	_ =	swait.ge [sflag:s5], $0x4000  }
0xd5: {  	[sflag:s5] =	ssyncset.done $0x0  }
0xd6: {  	[sflag:s5] =	ssyncadd.s32 $0xFFFFC000  }
0xd7: {  	v2 =	vld [tilespmem:$0x300];
	_ =	sdelay $0x7  }
0xd8: {  	[tilespmem:v2+s8+$0x0] =	vst.idx.add.f32.msk $0xffff, v1  }
0xd9: {  	v2 =	vld [tilespmem:$0x310];
	_ =	sdelay $0x7  }
0xda: {  	[tilespmem:v2+s8+$0x0] =	vst.idx.add.f32.msk $0xffff, v1  }
0xdb: {  	v2 =	vld [tilespmem:$0x320];
	_ =	sdelay $0x7  }
0xdc: {  	[tilespmem:v2+s8+$0x0] =	vst.idx.add.f32.msk $0xffff, v1  }
0xdd: {  	v2 =	vld [tilespmem:$0x330];
	_ =	sdelay $0x7  }
0xde: {  	[tilespmem:v2+s8+$0x0] =	vst.idx.add.f32.msk $0xffff, v1  }
0xdf: {  	v2 =	vld [tilespmem:$0x340];
	_ =	sdelay $0x7  }
0xe0: {  	[tilespmem:v2+s8+$0x0] =	vst.idx.add.f32.msk $0xffff, v1  }
0xe1: {  	v2 =	vld [tilespmem:$0x350];
	_ =	sdelay $0x7  }
0xe2: {  	[tilespmem:v2+s8+$0x0] =	vst.idx.add.f32.msk $0xffff, v1  }
0xe3: {  	v2 =	vld [tilespmem:$0x360];
	_ =	sdelay $0x7  }
0xe4: {  	[tilespmem:v2+s8+$0x0] =	vst.idx.add.f32.msk $0xffff, v1  }
0xe5: {  	v2 =	vld [tilespmem:$0x370];
	_ =	sdelay $0x7  }
0xe6: {  	s30 =	rddreg [dreg:$0x12];
	[tilespmem:v2+s8+$0x0] =	vst.idx.add.f32.msk $0xffff, v1  }
0xe7: {  	[spmem:s1] =	stream.indirect.scatter.add.f32 [tilespmem:s10], [sflag:$0x1], $0x80, s30, s7, $0xb8;
	[tilespmem:$0x16288] =	vst v63  }
0xe8: {  	_ =	swait.ge [sflag:s5], $0x4000  }
0xe9: {  	[sflag:s5] =	ssyncset.done $0x0  }
0xea: {  	[sflag:s5] =	ssyncadd.s32 $0xFFFFC000  }
0xeb: {  	v2 =	vld [tilespmem:$0x380];
	_ =	sdelay $0x7  }
0xec: {  	[tilespmem:v2+s8+$0x0] =	vst.idx.add.f32.msk $0xffff, v1  }
0xed: {  	v2 =	vld [tilespmem:$0x390];
	_ =	sdelay $0x7  }
0xee: {  	[tilespmem:v2+s8+$0x0] =	vst.idx.add.f32.msk $0xffff, v1  }
0xef: {  	v2 =	vld [tilespmem:$0x3A0];
	_ =	sdelay $0x7  }
0xf0: {  	[tilespmem:v2+s8+$0x0] =	vst.idx.add.f32.msk $0xffff, v1  }
0xf1: {  	v2 =	vld [tilespmem:$0x3B0];
	_ =	sdelay $0x7  }
0xf2: {  	[tilespmem:v2+s8+$0x0] =	vst.idx.add.f32.msk $0xffff, v1  }
0xf3: {  	v2 =	vld [tilespmem:$0x3C0];
	_ =	sdelay $0x7  }
0xf4: {  	[tilespmem:v2+s8+$0x0] =	vst.idx.add.f32.msk $0xffff, v1  }
0xf5: {  	v2 =	vld [tilespmem:$0x3D0];
	_ =	sdelay $0x7  }
0xf6: {  	[tilespmem:v2+s8+$0x0] =	vst.idx.add.f32.msk $0xffff, v1  }
0xf7: {  	v2 =	vld [tilespmem:$0x3E0];
	_ =	sdelay $0x7  }
0xf8: {  	[tilespmem:v2+s8+$0x0] =	vst.idx.add.f32.msk $0xffff, v1  }
0xf9: {  	v2 =	vld [tilespmem:$0x3F0];
	_ =	sdelay $0x7  }
0xfa: {  	[tilespmem:v2+s8+$0x0] =	vst.idx.add.f32.msk $0xffff, v1  }
0xfb: {  	[spmem:s1] =	stream.indirect.scatter.add.f32 [tilespmem:s11], [sflag:$0x1], $0x80, s13, s7, $0xb8;
	[tilespmem:$0x16288] =	vst v63  }
0xfc: {  	_ =	swait.ge [sflag:s5], $0x4000  }
0xfd: {  	[sflag:s5] =	ssyncset.done $0x0  }
0xfe: {  	[sflag:s5] =	ssyncadd.s32 $0xFFFFC000  }
0xff: {  	v2 =	vld [tilespmem:$0x400];
	_ =	sdelay $0x7  }
0x100: {  	[tilespmem:v2+s8+$0x0] =	vst.idx.add.f32.msk $0xffff, v1  }
0x101: {  	v2 =	vld [tilespmem:$0x410];
	_ =	sdelay $0x7  }
0x102: {  	[tilespmem:v2+s8+$0x0] =	vst.idx.add.f32.msk $0xffff, v1  }
0x103: {  	v2 =	vld [tilespmem:$0x420];
	_ =	sdelay $0x7  }
0x104: {  	[tilespmem:v2+s8+$0x0] =	vst.idx.add.f32.msk $0xffff, v1  }
0x105: {  	v2 =	vld [tilespmem:$0x430];
	_ =	sdelay $0x7  }
0x106: {  	[tilespmem:v2+s8+$0x0] =	vst.idx.add.f32.msk $0xffff, v1  }
0x107: {  	v2 =	vld [tilespmem:$0x440];
	_ =	sdelay $0x7  }
0x108: {  	[tilespmem:v2+s8+$0x0] =	vst.idx.add.f32.msk $0xffff, v1  }
0x109: {  	v2 =	vld [tilespmem:$0x450];
	_ =	sdelay $0x7  }
0x10a: {  	[tilespmem:v2+s8+$0x0] =	vst.idx.add.f32.msk $0xffff, v1  }
0x10b: {  	v2 =	vld [tilespmem:$0x460];
	_ =	sdelay $0x7  }
0x10c: {  	[tilespmem:v2+s8+$0x0] =	vst.idx.add.f32.msk $0xffff, v1  }
0x10d: {  	v2 =	vld [tilespmem:$0x470];
	_ =	sdelay $0x7  }
0x10e: {  	s31 =	rddreg [dreg:$0x13];
	[tilespmem:v2+s8+$0x0] =	vst.idx.add.f32.msk $0xffff, v1  }
0x10f: {  	[spmem:s1] =	stream.indirect.scatter.add.f32 [tilespmem:s12], [sflag:$0x1], $0x80, s31, s7, $0xb8;
	[tilespmem:$0x16288] =	vst v63  }
0x110: {  	_ =	swait.ge [sflag:s5], $0x4000  }
0x111: {  	[sflag:s5] =	ssyncset.done $0x0  }
0x112: {  	[sflag:s5] =	ssyncadd.s32 $0xFFFFC000  }
0x113: {  	v2 =	vld [tilespmem:$0x480];
	_ =	sdelay $0x7  }
0x114: {  	[tilespmem:v2+s8+$0x0] =	vst.idx.add.f32.msk $0xffff, v1  }
0x115: {  	v2 =	vld [tilespmem:$0x490];
	_ =	sdelay $0x7  }
0x116: {  	[tilespmem:v2+s8+$0x0] =	vst.idx.add.f32.msk $0xffff, v1  }
0x117: {  	v2 =	vld [tilespmem:$0x4A0];
	_ =	sdelay $0x7  }
0x118: {  	[tilespmem:v2+s8+$0x0] =	vst.idx.add.f32.msk $0xffff, v1  }
0x119: {  	v2 =	vld [tilespmem:$0x4B0];
	_ =	sdelay $0x7  }
0x11a: {  	[tilespmem:v2+s8+$0x0] =	vst.idx.add.f32.msk $0xffff, v1  }
0x11b: {  	v2 =	vld [tilespmem:$0x4C0];
	_ =	sdelay $0x7  }
0x11c: {  	[tilespmem:v2+s8+$0x0] =	vst.idx.add.f32.msk $0xffff, v1  }
0x11d: {  	v2 =	vld [tilespmem:$0x4D0];
	_ =	sdelay $0x7  }
0x11e: {  	[tilespmem:v2+s8+$0x0] =	vst.idx.add.f32.msk $0xffff, v1  }
0x11f: {  	v2 =	vld [tilespmem:$0x4E0];
	_ =	sdelay $0x7  }
0x120: {  	[tilespmem:v2+s8+$0x0] =	vst.idx.add.f32.msk $0xffff, v1  }
0x121: {  	v2 =	vld [tilespmem:$0x4F0];
	_ =	sdelay $0x7  }
0x122: {  	s29 =	rddreg [dreg:$0x7];
	[tilespmem:v2+s8+$0x0] =	vst.idx.add.f32.msk $0xffff, v1  }
0x123: {  	[tilespmem:s6], [sflag:$0x1] =	stream.linear.gather [hbm4b:s29+s2], $0x14000, $0x38;
	[tilespmem:$0x16288] =	vst v63  }
0x124: {  	_ =	swait.ge [sflag:s5], $0x14000  }
0x125: {  	[sflag:s5] =	ssyncset.done $0x0  }
0x126: {  	s30 =	rddreg [dreg:$0x14];
	[sflag:s5] =	ssyncadd.s32 $0xFFFEC000  }
0x127: {  	[spmem:s1] =	stream.indirect.scatter.add.f32 [tilespmem:s6], [sflag:$0x1], $0x80, s30, s7, $0xb8;
	[tilespmem:$0x16288] =	vst v63  }
0x128: {  	_ =	swait.ge [sflag:s5], $0x4000  }
0x129: {  	[sflag:s5] =	ssyncset.done $0x0  }
0x12a: {  	[sflag:s5] =	ssyncadd.s32 $0xFFFFC000  }
0x12b: {  	v2 =	vld [tilespmem:$0x500];
	_ =	sdelay $0x7  }
0x12c: {  	[tilespmem:v2+s8+$0x0] =	vst.idx.add.f32.msk $0xffff, v1  }
0x12d: {  	v2 =	vld [tilespmem:$0x510];
	_ =	sdelay $0x7  }
0x12e: {  	[tilespmem:v2+s8+$0x0] =	vst.idx.add.f32.msk $0xffff, v1  }
0x12f: {  	v2 =	vld [tilespmem:$0x520];
	_ =	sdelay $0x7  }
0x130: {  	[tilespmem:v2+s8+$0x0] =	vst.idx.add.f32.msk $0xffff, v1  }
0x131: {  	v2 =	vld [tilespmem:$0x530];
	_ =	sdelay $0x7  }
0x132: {  	[tilespmem:v2+s8+$0x0] =	vst.idx.add.f32.msk $0xffff, v1  }
0x133: {  	v2 =	vld [tilespmem:$0x540];
	_ =	sdelay $0x7  }
0x134: {  	[tilespmem:v2+s8+$0x0] =	vst.idx.add.f32.msk $0xffff, v1  }
0x135: {  	v2 =	vld [tilespmem:$0x550];
	_ =	sdelay $0x7  }
0x136: {  	[tilespmem:v2+s8+$0x0] =	vst.idx.add.f32.msk $0xffff, v1  }
0x137: {  	v2 =	vld [tilespmem:$0x560];
	_ =	sdelay $0x7  }
0x138: {  	[tilespmem:v2+s8+$0x0] =	vst.idx.add.f32.msk $0xffff, v1  }
0x139: {  	v2 =	vld [tilespmem:$0x570];
	_ =	sdelay $0x7  }
0x13a: {  	s31 =	rddreg [dreg:$0x15];
	[tilespmem:v2+s8+$0x0] =	vst.idx.add.f32.msk $0xffff, v1  }
0x13b: {  	[spmem:s1] =	stream.indirect.scatter.add.f32 [tilespmem:s9], [sflag:$0x1], $0x80, s31, s7, $0xb8;
	[tilespmem:$0x16288] =	vst v63  }
0x13c: {  	_ =	swait.ge [sflag:s5], $0x4000  }
0x13d: {  	[sflag:s5] =	ssyncset.done $0x0  }
0x13e: {  	[sflag:s5] =	ssyncadd.s32 $0xFFFFC000  }
0x13f: {  	v2 =	vld [tilespmem:$0x580];
	_ =	sdelay $0x7  }
0x140: {  	[tilespmem:v2+s8+$0x0] =	vst.idx.add.f32.msk $0xffff, v1  }
0x141: {  	v2 =	vld [tilespmem:$0x590];
	_ =	sdelay $0x7  }
0x142: {  	[tilespmem:v2+s8+$0x0] =	vst.idx.add.f32.msk $0xffff, v1  }
0x143: {  	v2 =	vld [tilespmem:$0x5A0];
	_ =	sdelay $0x7  }
0x144: {  	[tilespmem:v2+s8+$0x0] =	vst.idx.add.f32.msk $0xffff, v1  }
0x145: {  	v2 =	vld [tilespmem:$0x5B0];
	_ =	sdelay $0x7  }
0x146: {  	[tilespmem:v2+s8+$0x0] =	vst.idx.add.f32.msk $0xffff, v1  }
0x147: {  	v2 =	vld [tilespmem:$0x5C0];
	_ =	sdelay $0x7  }
0x148: {  	[tilespmem:v2+s8+$0x0] =	vst.idx.add.f32.msk $0xffff, v1  }
0x149: {  	v2 =	vld [tilespmem:$0x5D0];
	_ =	sdelay $0x7  }
0x14a: {  	[tilespmem:v2+s8+$0x0] =	vst.idx.add.f32.msk $0xffff, v1  }
0x14b: {  	v2 =	vld [tilespmem:$0x5E0];
	_ =	sdelay $0x7  }
0x14c: {  	[tilespmem:v2+s8+$0x0] =	vst.idx.add.f32.msk $0xffff, v1  }
0x14d: {  	v2 =	vld [tilespmem:$0x5F0];
	_ =	sdelay $0x7  }
0x14e: {  	s29 =	rddreg [dreg:$0x16];
	[tilespmem:v2+s8+$0x0] =	vst.idx.add.f32.msk $0xffff, v1  }
0x14f: {  	[spmem:s1] =	stream.indirect.scatter.add.f32 [tilespmem:s10], [sflag:$0x1], $0x80, s29, s7, $0xb8;
	[tilespmem:$0x16288] =	vst v63  }
0x150: {  	_ =	swait.ge [sflag:s5], $0x4000  }
0x151: {  	[sflag:s5] =	ssyncset.done $0x0  }
0x152: {  	[sflag:s5] =	ssyncadd.s32 $0xFFFFC000  }
0x153: {  	v2 =	vld [tilespmem:$0x600];
	_ =	sdelay $0x7  }
0x154: {  	[tilespmem:v2+s8+$0x0] =	vst.idx.add.f32.msk $0xffff, v1  }
0x155: {  	v2 =	vld [tilespmem:$0x610];
	_ =	sdelay $0x7  }
0x156: {  	[tilespmem:v2+s8+$0x0] =	vst.idx.add.f32.msk $0xffff, v1  }
0x157: {  	v2 =	vld [tilespmem:$0x620];
	_ =	sdelay $0x7  }
0x158: {  	[tilespmem:v2+s8+$0x0] =	vst.idx.add.f32.msk $0xffff, v1  }
0x159: {  	v2 =	vld [tilespmem:$0x630];
	_ =	sdelay $0x7  }
0x15a: {  	[tilespmem:v2+s8+$0x0] =	vst.idx.add.f32.msk $0xffff, v1  }
0x15b: {  	v2 =	vld [tilespmem:$0x640];
	_ =	sdelay $0x7  }
0x15c: {  	[tilespmem:v2+s8+$0x0] =	vst.idx.add.f32.msk $0xffff, v1  }
0x15d: {  	v2 =	vld [tilespmem:$0x650];
	_ =	sdelay $0x7  }
0x15e: {  	[tilespmem:v2+s8+$0x0] =	vst.idx.add.f32.msk $0xffff, v1  }
0x15f: {  	v2 =	vld [tilespmem:$0x660];
	_ =	sdelay $0x7  }
0x160: {  	[tilespmem:v2+s8+$0x0] =	vst.idx.add.f32.msk $0xffff, v1  }
0x161: {  	v2 =	vld [tilespmem:$0x670];
	_ =	sdelay $0x7  }
0x162: {  	[tilespmem:v2+s8+$0x0] =	vst.idx.add.f32.msk $0xffff, v1  }
0x163: {  	[spmem:s1] =	stream.indirect.scatter.add.f32 [tilespmem:s11], [sflag:$0x1], $0x80, s14, s7, $0xb8;
	[tilespmem:$0x16288] =	vst v63  }
0x164: {  	_ =	swait.ge [sflag:s5], $0x4000  }
0x165: {  	[sflag:s5] =	ssyncset.done $0x0  }
0x166: {  	[sflag:s5] =	ssyncadd.s32 $0xFFFFC000  }
0x167: {  	v2 =	vld [tilespmem:$0x680];
	_ =	sdelay $0x7  }
0x168: {  	[tilespmem:v2+s8+$0x0] =	vst.idx.add.f32.msk $0xffff, v1  }
0x169: {  	v2 =	vld [tilespmem:$0x690];
	_ =	sdelay $0x7  }
0x16a: {  	[tilespmem:v2+s8+$0x0] =	vst.idx.add.f32.msk $0xffff, v1  }
0x16b: {  	v2 =	vld [tilespmem:$0x6A0];
	_ =	sdelay $0x7  }
0x16c: {  	[tilespmem:v2+s8+$0x0] =	vst.idx.add.f32.msk $0xffff, v1  }
0x16d: {  	v2 =	vld [tilespmem:$0x6B0];
	_ =	sdelay $0x7  }
0x16e: {  	[tilespmem:v2+s8+$0x0] =	vst.idx.add.f32.msk $0xffff, v1  }
0x16f: {  	v2 =	vld [tilespmem:$0x6C0];
	_ =	sdelay $0x7  }
0x170: {  	[tilespmem:v2+s8+$0x0] =	vst.idx.add.f32.msk $0xffff, v1  }
0x171: {  	v2 =	vld [tilespmem:$0x6D0];
	_ =	sdelay $0x7  }
0x172: {  	[tilespmem:v2+s8+$0x0] =	vst.idx.add.f32.msk $0xffff, v1  }
0x173: {  	v2 =	vld [tilespmem:$0x6E0];
	_ =	sdelay $0x7  }
0x174: {  	[tilespmem:v2+s8+$0x0] =	vst.idx.add.f32.msk $0xffff, v1  }
0x175: {  	v2 =	vld [tilespmem:$0x6F0];
	_ =	sdelay $0x7  }
0x176: {  	[tilespmem:v2+s8+$0x0] =	vst.idx.add.f32.msk $0xffff, v1  }
0x177: {  	[spmem:s1] =	stream.indirect.scatter.add.f32 [tilespmem:s12], [sflag:$0x1], $0x80, s15, s7, $0xb8;
	[tilespmem:$0x16288] =	vst v63  }
0x178: {  	_ =	swait.ge [sflag:s5], $0x4000  }
0x179: {  	[sflag:s5] =	ssyncset.done $0x0  }
0x17a: {  	[sflag:s5] =	ssyncadd.s32 $0xFFFFC000  }
0x17b: {  	v2 =	vld [tilespmem:$0x700];
	_ =	sdelay $0x7  }
0x17c: {  	[tilespmem:v2+s8+$0x0] =	vst.idx.add.f32.msk $0xffff, v1  }
0x17d: {  	v2 =	vld [tilespmem:$0x710];
	_ =	sdelay $0x7  }
0x17e: {  	[tilespmem:v2+s8+$0x0] =	vst.idx.add.f32.msk $0xffff, v1  }
0x17f: {  	v2 =	vld [tilespmem:$0x720];
	_ =	sdelay $0x7  }
0x180: {  	[tilespmem:v2+s8+$0x0] =	vst.idx.add.f32.msk $0xffff, v1  }
0x181: {  	v2 =	vld [tilespmem:$0x730];
	_ =	sdelay $0x7  }
0x182: {  	[tilespmem:v2+s8+$0x0] =	vst.idx.add.f32.msk $0xffff, v1  }
0x183: {  	v2 =	vld [tilespmem:$0x740];
	_ =	sdelay $0x7  }
0x184: {  	[tilespmem:v2+s8+$0x0] =	vst.idx.add.f32.msk $0xffff, v1  }
0x185: {  	v2 =	vld [tilespmem:$0x750];
	_ =	sdelay $0x7  }
0x186: {  	[tilespmem:v2+s8+$0x0] =	vst.idx.add.f32.msk $0xffff, v1  }
0x187: {  	v2 =	vld [tilespmem:$0x760];
	_ =	sdelay $0x7  }
0x188: {  	[tilespmem:v2+s8+$0x0] =	vst.idx.add.f32.msk $0xffff, v1  }
0x189: {  	v2 =	vld [tilespmem:$0x770];
	_ =	sdelay $0x7  }
0x18a: {  	s30 =	rddreg [dreg:$0x8];
	[tilespmem:v2+s8+$0x0] =	vst.idx.add.f32.msk $0xffff, v1  }
0x18b: {  	[tilespmem:s6], [sflag:$0x1] =	stream.linear.gather [hbm4b:s30+s2], $0x14000, $0x38;
	[tilespmem:$0x16288] =	vst v63  }
0x18c: {  	_ =	swait.ge [sflag:s5], $0x14000  }
0x18d: {  	[sflag:s5] =	ssyncset.done $0x0  }
0x18e: {  	[sflag:s5] =	ssyncadd.s32 $0xFFFEC000  }
0x18f: {  	[spmem:s1] =	stream.indirect.scatter.add.f32 [tilespmem:s6], [sflag:$0x1], $0x80, s16, s7, $0xb8;
	[tilespmem:$0x16288] =	vst v63  }
0x190: {  	_ =	swait.ge [sflag:s5], $0x4000  }
0x191: {  	[sflag:s5] =	ssyncset.done $0x0  }
0x192: {  	[sflag:s5] =	ssyncadd.s32 $0xFFFFC000  }
0x193: {  	v2 =	vld [tilespmem:$0x780];
	_ =	sdelay $0x7  }
0x194: {  	[tilespmem:v2+s8+$0x0] =	vst.idx.add.f32.msk $0xffff, v1  }
0x195: {  	v2 =	vld [tilespmem:$0x790];
	_ =	sdelay $0x7  }
0x196: {  	[tilespmem:v2+s8+$0x0] =	vst.idx.add.f32.msk $0xffff, v1  }
0x197: {  	v2 =	vld [tilespmem:$0x7A0];
	_ =	sdelay $0x7  }
0x198: {  	[tilespmem:v2+s8+$0x0] =	vst.idx.add.f32.msk $0xffff, v1  }
0x199: {  	v2 =	vld [tilespmem:$0x7B0];
	_ =	sdelay $0x7  }
0x19a: {  	[tilespmem:v2+s8+$0x0] =	vst.idx.add.f32.msk $0xffff, v1  }
0x19b: {  	v2 =	vld [tilespmem:$0x7C0];
	_ =	sdelay $0x7  }
0x19c: {  	[tilespmem:v2+s8+$0x0] =	vst.idx.add.f32.msk $0xffff, v1  }
0x19d: {  	v2 =	vld [tilespmem:$0x7D0];
	_ =	sdelay $0x7  }
0x19e: {  	[tilespmem:v2+s8+$0x0] =	vst.idx.add.f32.msk $0xffff, v1  }
0x19f: {  	v2 =	vld [tilespmem:$0x7E0];
	_ =	sdelay $0x7  }
0x1a0: {  	[tilespmem:v2+s8+$0x0] =	vst.idx.add.f32.msk $0xffff, v1  }
0x1a1: {  	v2 =	vld [tilespmem:$0x7F0];
	_ =	sdelay $0x7  }
0x1a2: {  	[tilespmem:v2+s8+$0x0] =	vst.idx.add.f32.msk $0xffff, v1  }
0x1a3: {  	[spmem:s1] =	stream.indirect.scatter.add.f32 [tilespmem:s9], [sflag:$0x1], $0x80, s17, s7, $0xb8;
	[tilespmem:$0x16288] =	vst v63  }
0x1a4: {  	_ =	swait.ge [sflag:s5], $0x4000  }
0x1a5: {  	[sflag:s5] =	ssyncset.done $0x0  }
0x1a6: {  	[sflag:s5] =	ssyncadd.s32 $0xFFFFC000  }
0x1a7: {  	v2 =	vld [tilespmem:$0x800];
	_ =	sdelay $0x7  }
0x1a8: {  	[tilespmem:v2+s8+$0x0] =	vst.idx.add.f32.msk $0xffff, v1  }
0x1a9: {  	v2 =	vld [tilespmem:$0x810];
	_ =	sdelay $0x7  }
0x1aa: {  	[tilespmem:v2+s8+$0x0] =	vst.idx.add.f32.msk $0xffff, v1  }
0x1ab: {  	v2 =	vld [tilespmem:$0x820];
	_ =	sdelay $0x7  }
0x1ac: {  	[tilespmem:v2+s8+$0x0] =	vst.idx.add.f32.msk $0xffff, v1  }
0x1ad: {  	v2 =	vld [tilespmem:$0x830];
	_ =	sdelay $0x7  }
0x1ae: {  	[tilespmem:v2+s8+$0x0] =	vst.idx.add.f32.msk $0xffff, v1  }
0x1af: {  	v2 =	vld [tilespmem:$0x840];
	_ =	sdelay $0x7  }
0x1b0: {  	[tilespmem:v2+s8+$0x0] =	vst.idx.add.f32.msk $0xffff, v1  }
0x1b1: {  	v2 =	vld [tilespmem:$0x850];
	_ =	sdelay $0x7  }
0x1b2: {  	[tilespmem:v2+s8+$0x0] =	vst.idx.add.f32.msk $0xffff, v1  }
0x1b3: {  	v2 =	vld [tilespmem:$0x860];
	_ =	sdelay $0x7  }
0x1b4: {  	[tilespmem:v2+s8+$0x0] =	vst.idx.add.f32.msk $0xffff, v1  }
0x1b5: {  	v2 =	vld [tilespmem:$0x870];
	_ =	sdelay $0x7  }
0x1b6: {  	[tilespmem:v2+s8+$0x0] =	vst.idx.add.f32.msk $0xffff, v1  }
0x1b7: {  	[spmem:s1] =	stream.indirect.scatter.add.f32 [tilespmem:s10], [sflag:$0x1], $0x80, s18, s7, $0xb8;
	[tilespmem:$0x16288] =	vst v63  }
0x1b8: {  	_ =	swait.ge [sflag:s5], $0x4000  }
0x1b9: {  	[sflag:s5] =	ssyncset.done $0x0  }
0x1ba: {  	[sflag:s5] =	ssyncadd.s32 $0xFFFFC000  }
0x1bb: {  	v2 =	vld [tilespmem:$0x880];
	_ =	sdelay $0x7  }
0x1bc: {  	[tilespmem:v2+s8+$0x0] =	vst.idx.add.f32.msk $0xffff, v1  }
0x1bd: {  	v2 =	vld [tilespmem:$0x890];
	_ =	sdelay $0x7  }
0x1be: {  	[tilespmem:v2+s8+$0x0] =	vst.idx.add.f32.msk $0xffff, v1  }
0x1bf: {  	v2 =	vld [tilespmem:$0x8A0];
	_ =	sdelay $0x7  }
0x1c0: {  	[tilespmem:v2+s8+$0x0] =	vst.idx.add.f32.msk $0xffff, v1  }
0x1c1: {  	v2 =	vld [tilespmem:$0x8B0];
	_ =	sdelay $0x7  }
0x1c2: {  	[tilespmem:v2+s8+$0x0] =	vst.idx.add.f32.msk $0xffff, v1  }
0x1c3: {  	v2 =	vld [tilespmem:$0x8C0];
	_ =	sdelay $0x7  }
0x1c4: {  	[tilespmem:v2+s8+$0x0] =	vst.idx.add.f32.msk $0xffff, v1  }
0x1c5: {  	v2 =	vld [tilespmem:$0x8D0];
	_ =	sdelay $0x7  }
0x1c6: {  	[tilespmem:v2+s8+$0x0] =	vst.idx.add.f32.msk $0xffff, v1  }
0x1c7: {  	v2 =	vld [tilespmem:$0x8E0];
	_ =	sdelay $0x7  }
0x1c8: {  	[tilespmem:v2+s8+$0x0] =	vst.idx.add.f32.msk $0xffff, v1  }
0x1c9: {  	v2 =	vld [tilespmem:$0x8F0];
	_ =	sdelay $0x7  }
0x1ca: {  	[tilespmem:v2+s8+$0x0] =	vst.idx.add.f32.msk $0xffff, v1  }
0x1cb: {  	[spmem:s1] =	stream.indirect.scatter.add.f32 [tilespmem:s11], [sflag:$0x1], $0x80, s19, s7, $0xb8;
	[tilespmem:$0x16288] =	vst v63  }
0x1cc: {  	_ =	swait.ge [sflag:s5], $0x4000  }
0x1cd: {  	[sflag:s5] =	ssyncset.done $0x0  }
0x1ce: {  	[sflag:s5] =	ssyncadd.s32 $0xFFFFC000  }
0x1cf: {  	v2 =	vld [tilespmem:$0x900];
	_ =	sdelay $0x7  }
0x1d0: {  	[tilespmem:v2+s8+$0x0] =	vst.idx.add.f32.msk $0xffff, v1  }
0x1d1: {  	v2 =	vld [tilespmem:$0x910];
	_ =	sdelay $0x7  }
0x1d2: {  	[tilespmem:v2+s8+$0x0] =	vst.idx.add.f32.msk $0xffff, v1  }
0x1d3: {  	v2 =	vld [tilespmem:$0x920];
	_ =	sdelay $0x7  }
0x1d4: {  	[tilespmem:v2+s8+$0x0] =	vst.idx.add.f32.msk $0xffff, v1  }
0x1d5: {  	v2 =	vld [tilespmem:$0x930];
	_ =	sdelay $0x7  }
0x1d6: {  	[tilespmem:v2+s8+$0x0] =	vst.idx.add.f32.msk $0xffff, v1  }
0x1d7: {  	v2 =	vld [tilespmem:$0x940];
	_ =	sdelay $0x7  }
0x1d8: {  	[tilespmem:v2+s8+$0x0] =	vst.idx.add.f32.msk $0xffff, v1  }
0x1d9: {  	v2 =	vld [tilespmem:$0x950];
	_ =	sdelay $0x7  }
0x1da: {  	[tilespmem:v2+s8+$0x0] =	vst.idx.add.f32.msk $0xffff, v1  }
0x1db: {  	v2 =	vld [tilespmem:$0x960];
	_ =	sdelay $0x7  }
0x1dc: {  	[tilespmem:v2+s8+$0x0] =	vst.idx.add.f32.msk $0xffff, v1  }
0x1dd: {  	v2 =	vld [tilespmem:$0x970];
	_ =	sdelay $0x7  }
0x1de: {  	[tilespmem:v2+s8+$0x0] =	vst.idx.add.f32.msk $0xffff, v1  }
0x1df: {  	[spmem:s1] =	stream.indirect.scatter.add.f32 [tilespmem:s12], [sflag:$0x1], $0x80, s20, s7, $0xb8;
	[tilespmem:$0x16288] =	vst v63  }
0x1e0: {  	_ =	swait.ge [sflag:s5], $0x4000  }
0x1e1: {  	[sflag:s5] =	ssyncset.done $0x0  }
0x1e2: {  	[sflag:s5] =	ssyncadd.s32 $0xFFFFC000  }
0x1e3: {  	v2 =	vld [tilespmem:$0x980];
	_ =	sdelay $0x7  }
0x1e4: {  	[tilespmem:v2+s8+$0x0] =	vst.idx.add.f32.msk $0xffff, v1  }
0x1e5: {  	v2 =	vld [tilespmem:$0x990];
	_ =	sdelay $0x7  }
0x1e6: {  	[tilespmem:v2+s8+$0x0] =	vst.idx.add.f32.msk $0xffff, v1  }
0x1e7: {  	v2 =	vld [tilespmem:$0x9A0];
	_ =	sdelay $0x7  }
0x1e8: {  	[tilespmem:v2+s8+$0x0] =	vst.idx.add.f32.msk $0xffff, v1  }
0x1e9: {  	v2 =	vld [tilespmem:$0x9B0];
	_ =	sdelay $0x7  }
0x1ea: {  	[tilespmem:v2+s8+$0x0] =	vst.idx.add.f32.msk $0xffff, v1  }
0x1eb: {  	v2 =	vld [tilespmem:$0x9C0];
	_ =	sdelay $0x7  }
0x1ec: {  	[tilespmem:v2+s8+$0x0] =	vst.idx.add.f32.msk $0xffff, v1  }
0x1ed: {  	v2 =	vld [tilespmem:$0x9D0];
	_ =	sdelay $0x7  }
0x1ee: {  	[tilespmem:v2+s8+$0x0] =	vst.idx.add.f32.msk $0xffff, v1  }
0x1ef: {  	v2 =	vld [tilespmem:$0x9E0];
	_ =	sdelay $0x7  }
0x1f0: {  	[tilespmem:v2+s8+$0x0] =	vst.idx.add.f32.msk $0xffff, v1  }
0x1f1: {  	v2 =	vld [tilespmem:$0x9F0];
	_ =	sdelay $0x7  }
0x1f2: {  	s31 =	rddreg [dreg:$0x9];
	[tilespmem:v2+s8+$0x0] =	vst.idx.add.f32.msk $0xffff, v1  }
0x1f3: {  	[tilespmem:s6], [sflag:$0x1] =	stream.linear.gather [hbm4b:s31+s2], $0x14000, $0x38;
	[tilespmem:$0x16288] =	vst v63  }
0x1f4: {  	_ =	swait.ge [sflag:s5], $0x14000  }
0x1f5: {  	[sflag:s5] =	ssyncset.done $0x0  }
0x1f6: {  	[sflag:s5] =	ssyncadd.s32 $0xFFFEC000  }
0x1f7: {  	[spmem:s1] =	stream.indirect.scatter.add.f32 [tilespmem:s6], [sflag:$0x1], $0x80, s21, s7, $0xb8;
	[tilespmem:$0x16288] =	vst v63  }
0x1f8: {  	_ =	swait.ge [sflag:s5], $0x4000  }
0x1f9: {  	[sflag:s5] =	ssyncset.done $0x0  }
0x1fa: {  	[sflag:s5] =	ssyncadd.s32 $0xFFFFC000  }
0x1fb: {  	v2 =	vld [tilespmem:$0xA00];
	_ =	sdelay $0x7  }
0x1fc: {  	[tilespmem:v2+s8+$0x0] =	vst.idx.add.f32.msk $0xffff, v1  }
0x1fd: {  	v2 =	vld [tilespmem:$0xA10];
	_ =	sdelay $0x7  }
0x1fe: {  	[tilespmem:v2+s8+$0x0] =	vst.idx.add.f32.msk $0xffff, v1  }
0x1ff: {  	v2 =	vld [tilespmem:$0xA20];
	_ =	sdelay $0x7  }
0x200: {  	[tilespmem:v2+s8+$0x0] =	vst.idx.add.f32.msk $0xffff, v1  }
0x201: {  	v2 =	vld [tilespmem:$0xA30];
	_ =	sdelay $0x7  }
0x202: {  	[tilespmem:v2+s8+$0x0] =	vst.idx.add.f32.msk $0xffff, v1  }
0x203: {  	v2 =	vld [tilespmem:$0xA40];
	_ =	sdelay $0x7  }
0x204: {  	[tilespmem:v2+s8+$0x0] =	vst.idx.add.f32.msk $0xffff, v1  }
0x205: {  	v2 =	vld [tilespmem:$0xA50];
	_ =	sdelay $0x7  }
0x206: {  	[tilespmem:v2+s8+$0x0] =	vst.idx.add.f32.msk $0xffff, v1  }
0x207: {  	v2 =	vld [tilespmem:$0xA60];
	_ =	sdelay $0x7  }
0x208: {  	[tilespmem:v2+s8+$0x0] =	vst.idx.add.f32.msk $0xffff, v1  }
0x209: {  	v2 =	vld [tilespmem:$0xA70];
	_ =	sdelay $0x7  }
0x20a: {  	[tilespmem:v2+s8+$0x0] =	vst.idx.add.f32.msk $0xffff, v1  }
0x20b: {  	[spmem:s1] =	stream.indirect.scatter.add.f32 [tilespmem:s9], [sflag:$0x1], $0x80, s22, s7, $0xb8;
	[tilespmem:$0x16288] =	vst v63  }
0x20c: {  	_ =	swait.ge [sflag:s5], $0x4000  }
0x20d: {  	[sflag:s5] =	ssyncset.done $0x0  }
0x20e: {  	[sflag:s5] =	ssyncadd.s32 $0xFFFFC000  }
0x20f: {  	v2 =	vld [tilespmem:$0xA80];
	_ =	sdelay $0x7  }
0x210: {  	[tilespmem:v2+s8+$0x0] =	vst.idx.add.f32.msk $0xffff, v1  }
0x211: {  	v2 =	vld [tilespmem:$0xA90];
	_ =	sdelay $0x7  }
0x212: {  	[tilespmem:v2+s8+$0x0] =	vst.idx.add.f32.msk $0xffff, v1  }
0x213: {  	v2 =	vld [tilespmem:$0xAA0];
	_ =	sdelay $0x7  }
0x214: {  	[tilespmem:v2+s8+$0x0] =	vst.idx.add.f32.msk $0xffff, v1  }
0x215: {  	v2 =	vld [tilespmem:$0xAB0];
	_ =	sdelay $0x7  }
0x216: {  	[tilespmem:v2+s8+$0x0] =	vst.idx.add.f32.msk $0xffff, v1  }
0x217: {  	v2 =	vld [tilespmem:$0xAC0];
	_ =	sdelay $0x7  }
0x218: {  	[tilespmem:v2+s8+$0x0] =	vst.idx.add.f32.msk $0xffff, v1  }
0x219: {  	v2 =	vld [tilespmem:$0xAD0];
	_ =	sdelay $0x7  }
0x21a: {  	[tilespmem:v2+s8+$0x0] =	vst.idx.add.f32.msk $0xffff, v1  }
0x21b: {  	v2 =	vld [tilespmem:$0xAE0];
	_ =	sdelay $0x7  }
0x21c: {  	[tilespmem:v2+s8+$0x0] =	vst.idx.add.f32.msk $0xffff, v1  }
0x21d: {  	v2 =	vld [tilespmem:$0xAF0];
	_ =	sdelay $0x7  }
0x21e: {  	[tilespmem:v2+s8+$0x0] =	vst.idx.add.f32.msk $0xffff, v1  }
0x21f: {  	[spmem:s1] =	stream.indirect.scatter.add.f32 [tilespmem:s10], [sflag:$0x1], $0x80, s23, s7, $0xb8;
	[tilespmem:$0x16288] =	vst v63  }
0x220: {  	_ =	swait.ge [sflag:s5], $0x4000  }
0x221: {  	[sflag:s5] =	ssyncset.done $0x0  }
0x222: {  	[sflag:s5] =	ssyncadd.s32 $0xFFFFC000  }
0x223: {  	v2 =	vld [tilespmem:$0xB00];
	_ =	sdelay $0x7  }
0x224: {  	[tilespmem:v2+s8+$0x0] =	vst.idx.add.f32.msk $0xffff, v1  }
0x225: {  	v2 =	vld [tilespmem:$0xB10];
	_ =	sdelay $0x7  }
0x226: {  	[tilespmem:v2+s8+$0x0] =	vst.idx.add.f32.msk $0xffff, v1  }
0x227: {  	v2 =	vld [tilespmem:$0xB20];
	_ =	sdelay $0x7  }
0x228: {  	[tilespmem:v2+s8+$0x0] =	vst.idx.add.f32.msk $0xffff, v1  }
0x229: {  	v2 =	vld [tilespmem:$0xB30];
	_ =	sdelay $0x7  }
0x22a: {  	[tilespmem:v2+s8+$0x0] =	vst.idx.add.f32.msk $0xffff, v1  }
0x22b: {  	v2 =	vld [tilespmem:$0xB40];
	_ =	sdelay $0x7  }
0x22c: {  	[tilespmem:v2+s8+$0x0] =	vst.idx.add.f32.msk $0xffff, v1  }
0x22d: {  	v2 =	vld [tilespmem:$0xB50];
	_ =	sdelay $0x7  }
0x22e: {  	[tilespmem:v2+s8+$0x0] =	vst.idx.add.f32.msk $0xffff, v1  }
0x22f: {  	v2 =	vld [tilespmem:$0xB60];
	_ =	sdelay $0x7  }
0x230: {  	[tilespmem:v2+s8+$0x0] =	vst.idx.add.f32.msk $0xffff, v1  }
0x231: {  	v2 =	vld [tilespmem:$0xB70];
	_ =	sdelay $0x7  }
0x232: {  	[tilespmem:v2+s8+$0x0] =	vst.idx.add.f32.msk $0xffff, v1  }
0x233: {  	[spmem:s1] =	stream.indirect.scatter.add.f32 [tilespmem:s11], [sflag:$0x1], $0x80, s24, s7, $0xb8;
	[tilespmem:$0x16288] =	vst v63  }
0x234: {  	_ =	swait.ge [sflag:s5], $0x4000  }
0x235: {  	[sflag:s5] =	ssyncset.done $0x0  }
0x236: {  	[sflag:s5] =	ssyncadd.s32 $0xFFFFC000  }
0x237: {  	v2 =	vld [tilespmem:$0xB80];
	_ =	sdelay $0x7  }
0x238: {  	[tilespmem:v2+s8+$0x0] =	vst.idx.add.f32.msk $0xffff, v1  }
0x239: {  	v2 =	vld [tilespmem:$0xB90];
	_ =	sdelay $0x7  }
0x23a: {  	[tilespmem:v2+s8+$0x0] =	vst.idx.add.f32.msk $0xffff, v1  }
0x23b: {  	v2 =	vld [tilespmem:$0xBA0];
	_ =	sdelay $0x7  }
0x23c: {  	[tilespmem:v2+s8+$0x0] =	vst.idx.add.f32.msk $0xffff, v1  }
0x23d: {  	v2 =	vld [tilespmem:$0xBB0];
	_ =	sdelay $0x7  }
0x23e: {  	[tilespmem:v2+s8+$0x0] =	vst.idx.add.f32.msk $0xffff, v1  }
0x23f: {  	v2 =	vld [tilespmem:$0xBC0];
	_ =	sdelay $0x7  }
0x240: {  	[tilespmem:v2+s8+$0x0] =	vst.idx.add.f32.msk $0xffff, v1  }
0x241: {  	v2 =	vld [tilespmem:$0xBD0];
	_ =	sdelay $0x7  }
0x242: {  	[tilespmem:v2+s8+$0x0] =	vst.idx.add.f32.msk $0xffff, v1  }
0x243: {  	v2 =	vld [tilespmem:$0xBE0];
	_ =	sdelay $0x7  }
0x244: {  	[tilespmem:v2+s8+$0x0] =	vst.idx.add.f32.msk $0xffff, v1  }
0x245: {  	v2 =	vld [tilespmem:$0xBF0];
	_ =	sdelay $0x7  }
0x246: {  	[tilespmem:v2+s8+$0x0] =	vst.idx.add.f32.msk $0xffff, v1  }
0x247: {  	[spmem:s1] =	stream.indirect.scatter.add.f32 [tilespmem:s12], [sflag:$0x1], $0x80, s26, s7, $0xb8;
	[tilespmem:$0x16288] =	vst v63  }
0x248: {  	_ =	swait.ge [sflag:s5], $0x4000  }
0x249: {  	[sflag:s5] =	ssyncset.done $0x0  }
0x24a: {  	[sflag:s5] =	ssyncadd.s32 $0xFFFFC000  }
0x24b: {  	v2 =	vld [tilespmem:$0xC00];
	_ =	sdelay $0x7  }
0x24c: {  	[tilespmem:v2+s8+$0x0] =	vst.idx.add.f32.msk $0xffff, v1  }
0x24d: {  	v2 =	vld [tilespmem:$0xC10];
	_ =	sdelay $0x7  }
0x24e: {  	[tilespmem:v2+s8+$0x0] =	vst.idx.add.f32.msk $0xffff, v1  }
0x24f: {  	v2 =	vld [tilespmem:$0xC20];
	_ =	sdelay $0x7  }
0x250: {  	[tilespmem:v2+s8+$0x0] =	vst.idx.add.f32.msk $0xffff, v1  }
0x251: {  	v2 =	vld [tilespmem:$0xC30];
	_ =	sdelay $0x7  }
0x252: {  	[tilespmem:v2+s8+$0x0] =	vst.idx.add.f32.msk $0xffff, v1  }
0x253: {  	v2 =	vld [tilespmem:$0xC40];
	_ =	sdelay $0x7  }
0x254: {  	[tilespmem:v2+s8+$0x0] =	vst.idx.add.f32.msk $0xffff, v1  }
0x255: {  	v2 =	vld [tilespmem:$0xC50];
	_ =	sdelay $0x7  }
0x256: {  	[tilespmem:v2+s8+$0x0] =	vst.idx.add.f32.msk $0xffff, v1  }
0x257: {  	v2 =	vld [tilespmem:$0xC60];
	_ =	sdelay $0x7  }
0x258: {  	[tilespmem:v2+s8+$0x0] =	vst.idx.add.f32.msk $0xffff, v1  }
0x259: {  	v2 =	vld [tilespmem:$0xC70];
	_ =	sdelay $0x7  }
0x25a: {  	s29 =	rddreg [dreg:$0xa];
	[tilespmem:v2+s8+$0x0] =	vst.idx.add.f32.msk $0xffff, v1  }
0x25b: {  	[hbm4b:s29+s7] =	stream.strided.scatter [tilespmem:s8], [sflag:$0x1], $0x280, s13, s7, $0x38;
	[tilespmem:$0x16288] =	vst v63  }
0x25c: {  	_ =	swait.ge [sflag:s5], $0x280  }
0x25d: {  	[sflag:s5] =	ssyncset.done $0x0  }
0x25e: {  	s4 =	sadd.s32 $0xFFFFFFFF, s4;
	[sflag:s5] =	ssyncadd.s32 $0xFFFFFD80  }
0x25f: {  	p1 =	sne.s32 s4, $0x0;
	s31 =	sshll.u32 s3, $0x6;
	[bflag:$0x0] =	sbarrier.arrive $0xFFFF  }
.Ltmp0:
0x260: {  	s29 =	sor.u32 $0x1C01, s31;
	s30 =	rddreg [dreg:$0xb];
	(pc) =	sbr.rel @p1 .LBB2_1-.Ltmp0, $4  }
0x261: {  	[hbm:s30], [sflag:s29] =	dma.local [spmem:s25], $0x200  }
0x262: {  	_ =	swait.ge [sflag:s5], $0x200  }
0x263: {  	[sflag:s5] =	ssyncset.done $0x0  }
0x264: {  	[sflag:s5] =	ssyncadd.s32 $0xFFFFFE00  }
0x265: {  	_ =	sfence.sel $0x180000  }
0x266: {  	[bflag:$0x0] =	sbarrier.arrive $0xFFFF  }
0x267: {  	_ =	strace $0x90000047  }
0x268: {  	s0 =	sadd.s32 @!p0 $0x100000, s0;
	[bflag:$0x2] =	sbarrier.arrive $0xFFFF  }
0x269: {  	[sflag:s0] =	ssyncadd.tile.s32 @!p0 $0x1;
	_ =	shalt  }
.Lfunc_end2:
_tile_overlayer_lowered:
.L_overlay_start_2:
0x26a: {  	(tag) =	ssettag $0x2  }
0x26b: {  	s0 =	rddreg [dreg:$0x0];
	s2 =	stileid.u32  }
0x26c: {  	s1 =	rddreg [dreg:$0x1];
	p0 =	sne.s32 s2, $0x0  }
0x26d: {  	s3 =	rddreg [dreg:$0x2];
	[bflag:$0x3] =	sbarrier.arrive $0xFFFF;
	s2 =	simm.s32 @!p0 $0x1C01  }
0x26e: {  	[timem:s3], [sflag:s2] =	dma.local @!p0 [hbm:s0], s1  }
0x26f: {  	s0 =	simm.s32 @!p0 $0x1  }
0x270: {  	_ =	swait.ge @!p0 [sflag:s0], s1  }
0x271: {  	s1 =	ssub.s32 @!p0 $0x0, s1;
	[sflag:s0] =	ssyncset.done @!p0 $0x0  }
0x272: {  	[sflag:s0] =	ssyncadd.s32 @!p0 s1  }
0x273: {  	[bflag:$0x3] =	sbarrier.arrive $0xFFFF  }
0x274: {  	_ =	shalt  }

</sc_bundles>
